<compile_context>
chip_gen: v7x
topology: tpu7x:2x2x1
jax: 0.10.2.dev20260603
libtpu: 0.0.44.dev20260713+nightly
codegen_flags: <defaults>
</compile_context>

<pallas_src>
import functools

import jax
import jax.numpy as jnp
from jax import lax
from jax.experimental import pallas as pl
from jax.experimental.pallas import tpu as pltpu
from jax.experimental.pallas import tpu_sc as plsc

N = 10000
E = 160000
H = 128
OUT = 16

NC = 2
NS = 16
NW = NC * NS
CHUNK = 128
E_PAD = 163840
PER_TILE = E_PAD // NW
N_CHUNKS = PER_TILE // CHUNK
N_ACC = N + 8
Z_WIN = 640
Z_STEP = 624



def _make_agg(n_rel: int, d: int):
    mesh = plsc.VectorSubcoreMesh(core_axis_name="c", subcore_axis_name="s")

    @functools.partial(
        pl.kernel,
        out_type=jax.ShapeDtypeStruct((NC, N, d), jnp.float32),
        mesh=mesh,
        scratch_types=[
            pltpu.VMEM((CHUNK,), jnp.int32),
            pltpu.VMEM((CHUNK,), jnp.int32),
            pltpu.VMEM((CHUNK, d), jnp.float32),
            pltpu.VMEM_SHARED((N_ACC, d), jnp.float32),
            pltpu.SemaphoreType.DMA(()),
        ],
    )
    def agg(*refs):
        ins = refs[: 3 * n_rel + 1]
        out = refs[3 * n_rel + 1]
        src_v, dst_v, rows_v, acc, sem = refs[3 * n_rel + 2:]
        zeros_hbm = ins[3 * n_rel]

        cid = lax.axis_index("c")
        sid = lax.axis_index("s")
        wid = cid * NS + sid
        z0 = sid * Z_STEP

        pltpu.sync_copy(zeros_hbm.at[pl.ds(z0, Z_WIN)],
                        acc.at[pl.ds(z0, Z_WIN)])
        plsc.subcore_barrier()

        base = wid * PER_TILE
        for r in range(n_rel):
            tbl, src, dst = ins[3 * r], ins[3 * r + 1], ins[3 * r + 2]

            def body(j, _, tbl=tbl, src=src, dst=dst):
                off = base + j * CHUNK
                pltpu.sync_copy(src.at[pl.ds(off, CHUNK)], src_v)
                pltpu.sync_copy(dst.at[pl.ds(off, CHUNK)], dst_v)
                pltpu.async_copy(tbl.at[src_v], rows_v, sem).wait()
                pltpu.sync_copy(rows_v, acc.at[dst_v], add=True)
                return _

            lax.fori_loop(0, N_CHUNKS, body, None)

        plsc.subcore_barrier()
        pltpu.sync_copy(acc.at[pl.ds(z0, Z_WIN)],
                        out.at[cid, pl.ds(z0, Z_WIN)])

    return agg


_agg2_h = _make_agg(2, H)
_agg1_h = _make_agg(1, H)



def _proj_first_body(xu, xi, wf, wrb, wr, mf, mrb, mr):
    hu = xu[...]
    hi = xi[...]
    mf[...] = jnp.dot(hu, wf[...], preferred_element_type=jnp.float32)
    mr[...] = jnp.dot(hu, wr[...], preferred_element_type=jnp.float32)
    mrb[...] = jnp.dot(hi, wrb[...], preferred_element_type=jnp.float32)


def _proj_mid_body(up, ip, wf, wrb, wr, mf, mrb, mr):
    hu = jnp.maximum(up[0] + up[1], 0.0)
    hi = jnp.maximum(ip[0] + ip[1], 0.0)
    mf[...] = jnp.dot(hu, wf[...], preferred_element_type=jnp.float32)
    mr[...] = jnp.dot(hu, wr[...], preferred_element_type=jnp.float32)
    mrb[...] = jnp.dot(hi, wrb[...], preferred_element_type=jnp.float32)


def _combine_body(up, ip, hu, hi):
    hu[...] = jnp.maximum(up[0] + up[1], 0.0)
    hi[...] = jnp.maximum(ip[0] + ip[1], 0.0)


def _final_proj_body(af, arb, ar, wf, wrb, wr, hu, hi):
    au = jnp.dot(af[0] + af[1], wf[...], preferred_element_type=jnp.float32)
    au += jnp.dot(arb[0] + arb[1], wrb[...], preferred_element_type=jnp.float32)
    hu[...] = jnp.maximum(au, 0.0)
    ai = jnp.dot(ar[0] + ar[1], wr[...], preferred_element_type=jnp.float32)
    hi[...] = jnp.maximum(ai, 0.0)


def _m3_shapes(d):
    return [jax.ShapeDtypeStruct((N, d), jnp.float32)] * 3


_proj_first = pl.pallas_call(_proj_first_body, out_shape=_m3_shapes(H))
_proj_mid_h = pl.pallas_call(_proj_mid_body, out_shape=_m3_shapes(H))
_combine = pl.pallas_call(
    _combine_body,
    out_shape=[jax.ShapeDtypeStruct((N, H), jnp.float32)] * 2,
)
_final_proj = pl.pallas_call(
    _final_proj_body,
    out_shape=[jax.ShapeDtypeStruct((N, OUT), jnp.float32)] * 2,
)



def _pad_edges(e):
    pad = E_PAD - E
    src = jnp.concatenate([e[0], jnp.zeros((pad,), jnp.int32)])
    dst = jnp.concatenate([e[1], jnp.full((pad,), N, jnp.int32)])
    return src, dst


def kernel(x_user, x_item, edge_follows, edge_rated_by, edge_rates,
           W0_follows, W0_rated_by, W0_rates,
           W1_follows, W1_rated_by, W1_rates,
           W2_follows, W2_rated_by, W2_rates):
    sf, df = _pad_edges(edge_follows)
    srb, drb = _pad_edges(edge_rated_by)
    sr, dr = _pad_edges(edge_rates)
    z_h = jnp.zeros((N, H), jnp.float32)

    m_f, m_rb, m_r = _proj_first(x_user, x_item, W0_follows, W0_rated_by,
                                 W0_rates)
    u_p = _agg2_h(m_f, sf, df, m_rb, srb, drb, z_h)
    i_p = _agg1_h(m_r, sr, dr, z_h)

    m_f, m_rb, m_r = _proj_mid_h(u_p, i_p, W1_follows, W1_rated_by, W1_rates)
    u_p = _agg2_h(m_f, sf, df, m_rb, srb, drb, z_h)
    i_p = _agg1_h(m_r, sr, dr, z_h)

    h2u, h2i = _combine(u_p, i_p)
    a_f = _agg1_h(h2u, sf, df, z_h)
    a_rb = _agg1_h(h2i, srb, drb, z_h)
    a_r = _agg1_h(h2u, sr, dr, z_h)
    return _final_proj(a_f, a_rb, a_r, W2_follows, W2_rated_by, W2_rates)

# --- scband reference (transcript-rebuilt; emitter-appended) ---
"""Pipeline reference for scband-entity-classify-54305566491326 (READ-ONLY COPY).

The authoritative reference and input builder live on the scoring server;
editing this copy changes nothing except your own understanding.
"""

import jax, jax.numpy as jnp
import numpy as np

N_USER = 10000
N_ITEM = 10000
E = 160000
H_DIM = 128
OUT_DIM = 16


def _xavier(key, fan_in, fan_out):
    # matches nn.init.xavier_uniform_ with gain=calculate_gain('relu')=sqrt(2)
    gain = float(np.sqrt(2.0))
    a = gain * float(np.sqrt(6.0 / (fan_in + fan_out)))
    return jax.random.uniform(key, (fan_in, fan_out), minval=-a, maxval=a, dtype=jnp.float32)


def setup_inputs(seed: int = 0):
    key = jax.random.key(seed)
    ks = jax.random.split(key, 16)
    inp = {}
    # RelGraphEmbed learned node embeddings (featureless heterograph)
    inp['x_user'] = jax.random.normal(ks[0], (N_USER, H_DIM), dtype=jnp.float32)
    inp['x_item'] = jax.random.normal(ks[1], (N_ITEM, H_DIM), dtype=jnp.float32)
    # canonical etypes: ('user','follows','user'), ('item','rated_by','user'), ('user','rates','item')
    inp['edge_follows'] = jax.random.randint(ks[2], (2, E), 0, N_USER, dtype=jnp.int32)
    inp['edge_rated_by'] = jax.random.randint(ks[3], (2, E), 0, N_ITEM, dtype=jnp.int32)
    inp['edge_rates'] = jax.random.randint(ks[4], (2, E), 0, N_USER, dtype=jnp.int32)
    # per-layer, per-relation weights (num_bases ignored as in the torch code)
    dims = [(H_DIM, H_DIM), (H_DIM, H_DIM), (H_DIM, OUT_DIM)]
    i = 5
    for l, (di, do) in enumerate(dims):
        for rel in ['follows', 'rated_by', 'rates']:
            inp['W%d_%s' % (l, rel)] = _xavier(ks[i], di, do)
            i += 1
    return inp


def _rel_layer(xd, edge_follows, edge_rated_by, edge_rates, Wf, Wrb, Wr, out_dim):
    h = {
        'user': jnp.zeros((xd['user'].shape[0], out_dim), dtype=jnp.float32),
        'item': jnp.zeros((xd['item'].shape[0], out_dim), dtype=jnp.float32),
    }
    rels = [
        ('user', 'user', edge_follows, Wf),
        ('item', 'user', edge_rated_by, Wrb),
        ('user', 'item', edge_rates, Wr),
    ]
    for stype, dtype, eidx, W in rels:
        m = xd[stype] @ W  # [N_src, out_dim]
        src = eidx[0]
        dst = eidx[1]
        # adj[stype,etype,dtype] @ m  ==  scatter-add of gathered messages
        agg = jnp.zeros((xd[dtype].shape[0], out_dim), dtype=m.dtype).at[dst].add(m[src])
        h[dtype] = h[dtype] + agg
    return {k: jax.nn.relu(v) for k, v in h.items()}


def reference(x_user, x_item, edge_follows, edge_rated_by, edge_rates,
              W0_follows, W0_rated_by, W0_rates,
              W1_follows, W1_rated_by, W1_rates,
              W2_follows, W2_rated_by, W2_rates):
    h = {'user': x_user, 'item': x_item}
    h = _rel_layer(h, edge_follows, edge_rated_by, edge_rates, W0_follows, W0_rated_by, W0_rates, H_DIM)
    h = _rel_layer(h, edge_follows, edge_rated_by, edge_rates, W1_follows, W1_rated_by, W1_rates, H_DIM)
    h = _rel_layer(h, edge_follows, edge_rated_by, edge_rates, W2_follows, W2_rated_by, W2_rates, OUT_DIM)
    return (h['user'], h['item'])

if __name__ == "__main__":
    import jax
    _d = setup_inputs()
    print(jax.jit(kernel)(*tuple(_d.values())))

</pallas_src>

<mosaic_0001>
#map = affine_map<(d0, d1) -> (0, 0)>
#map1 = affine_map<(d0, d1) -> (0)>
#map2 = affine_map<(d0, d1) -> (0, 0, 0)>
module attributes {stable_mosaic.version = 14 : i64} {
  func.func @agg(%arg0: i32, %arg1: i32, %arg2: memref<10000x128xf32, #tpu.memory_space<hbm>>, %arg3: memref<163840xi32, #tpu.memory_space<hbm>>, %arg4: memref<163840xi32, #tpu.memory_space<hbm>>, %arg5: memref<10000x128xf32, #tpu.memory_space<hbm>>, %arg6: memref<163840xi32, #tpu.memory_space<hbm>>, %arg7: memref<163840xi32, #tpu.memory_space<hbm>>, %arg8: memref<10000x128xf32, #tpu.memory_space<hbm>>, %arg9: memref<2x10000x128xf32, #tpu.memory_space<hbm>>, %arg10: memref<128xi32, #tpu.memory_space<vmem>>, %arg11: memref<128xi32, #tpu.memory_space<vmem>>, %arg12: memref<128x128xf32, #tpu.memory_space<vmem>>, %arg13: memref<10008x128xf32, #tpu.memory_space<vmem_shared>>, %arg14: memref<!tpu.dma_semaphore, #tpu.memory_space<semaphore_mem>>) attributes {dimension_semantics = [#tpu.dimension_semantics<core_parallel>, #tpu.dimension_semantics<subcore_parallel>], iteration_bounds = array<i64: 2, 16>, scalar_prefetch = 0 : i64, scratch_operands = 5 : i64, tpu.core_type = #tpu.core_type<sc_vector_subcore>, window_params = [{transform_indices = #map}, {transform_indices = #map1}, {transform_indices = #map1}, {transform_indices = #map}, {transform_indices = #map1}, {transform_indices = #map1}, {transform_indices = #map}, {transform_indices = #map2}]} {
    %mul3A = arith.constant 16 : i32
    %mul3A_0 = arith.muli %arg0, %mul3A : i32
    %add3A = arith.addi %mul3A_0, %arg1 : i32
    %mul3A_1 = arith.constant 624 : i32
    %mul3A_2 = arith.muli %arg1, %mul3A_1 : i32
    "tpu.region"() ({
      %run_scoped3A = tpu.sem_alloc : memref<!tpu.dma_semaphore, #tpu.memory_space<semaphore_mem>>
      %dma_start3A = arith.constant 0 : i32
      %dma_start3A_15 = tpu.memref_slice %arg13[%mul3A_2, %dma_start3A] : memref<10008x128xf32, #tpu.memory_space<vmem_shared>> -> memref<640x128xf32, #tpu.memory_space<vmem_shared>>
      %dma_start3A_16 = arith.constant 0 : i32
      %dma_start3A_17 = tpu.memref_slice %arg8[%mul3A_2, %dma_start3A_16] : memref<10000x128xf32, #tpu.memory_space<hbm>> -> memref<640x128xf32, #tpu.memory_space<hbm>>
      tpu.enqueue_dma source(%dma_start3A_17 : memref<640x128xf32, #tpu.memory_space<hbm>>) target(%dma_start3A_15 : memref<640x128xf32, #tpu.memory_space<vmem_shared>>) target_semaphore(%run_scoped3A : memref<!tpu.dma_semaphore, #tpu.memory_space<semaphore_mem>>)
      %dma_wait3A = arith.constant 0 : i32
      %dma_wait3A_18 = tpu.memref_slice %arg13[%mul3A_2, %dma_wait3A] : memref<10008x128xf32, #tpu.memory_space<vmem_shared>> -> memref<640x128xf32, #tpu.memory_space<vmem_shared>>
      %dma_wait3A_19 = arith.constant 0 : i32
      %dma_wait3A_20 = tpu.memref_slice %arg8[%mul3A_2, %dma_wait3A_19] : memref<10000x128xf32, #tpu.memory_space<hbm>> -> memref<640x128xf32, #tpu.memory_space<hbm>>
      tpu.wait_dma2 semaphore(%run_scoped3A : memref<!tpu.dma_semaphore, #tpu.memory_space<semaphore_mem>>) src(%dma_wait3A_20 : memref<640x128xf32, #tpu.memory_space<hbm>>) dst(%dma_wait3A_18 : memref<640x128xf32, #tpu.memory_space<vmem_shared>>)
      tpu.yield
    }) : () -> ()
    %barrier3A = arith.constant 0 : index
    tpu.barrier barrier_id(%barrier3A)
    %mul3A_3 = arith.constant 5120 : i32
    %mul3A_4 = arith.muli %add3A, %mul3A_3 : i32
    %scan3A = arith.constant 0 : i32
    %scan3A_5 = arith.constant 40 : i32
    %scan3A_6 = arith.addi %scan3A, %scan3A_5 : i32
    %scan3A_7 = arith.constant 1 : i32
    scf.for %scan3A_15 = %scan3A to %scan3A_6 step %scan3A_7  : i32 {
      %mul3A_16 = arith.constant 128 : i32
      %mul3A_17 = arith.muli %scan3A_15, %mul3A_16 : i32
      %add3A_18 = arith.addi %mul3A_4, %mul3A_17 : i32
      "tpu.region"() ({
        %run_scoped3A = tpu.sem_alloc : memref<!tpu.dma_semaphore, #tpu.memory_space<semaphore_mem>>
        %dma_start3A_23 = tpu.memref_slice %arg3[%add3A_18] : memref<163840xi32, #tpu.memory_space<hbm>> -> memref<128xi32, #tpu.memory_space<hbm>>
        %dma_start3A_24 = tpu.memref_slice %arg3[%add3A_18] : memref<163840xi32, #tpu.memory_space<hbm>> -> memref<128xi32, #tpu.memory_space<hbm>>
        tpu.enqueue_dma source(%dma_start3A_24 : memref<128xi32, #tpu.memory_space<hbm>>) target(%arg10 : memref<128xi32, #tpu.memory_space<vmem>>) target_semaphore(%run_scoped3A : memref<!tpu.dma_semaphore, #tpu.memory_space<semaphore_mem>>)
        %dma_wait3A_25 = tpu.memref_slice %arg3[%add3A_18] : memref<163840xi32, #tpu.memory_space<hbm>> -> memref<128xi32, #tpu.memory_space<hbm>>
        %dma_wait3A_26 = tpu.memref_slice %arg3[%add3A_18] : memref<163840xi32, #tpu.memory_space<hbm>> -> memref<128xi32, #tpu.memory_space<hbm>>
        tpu.wait_dma2 semaphore(%run_scoped3A : memref<!tpu.dma_semaphore, #tpu.memory_space<semaphore_mem>>) src(%dma_wait3A_26 : memref<128xi32, #tpu.memory_space<hbm>>) dst(%arg10 : memref<128xi32, #tpu.memory_space<vmem>>)
        tpu.yield
      }) : () -> ()
      "tpu.region"() ({
        %run_scoped3A = tpu.sem_alloc : memref<!tpu.dma_semaphore, #tpu.memory_space<semaphore_mem>>
        %dma_start3A_23 = tpu.memref_slice %arg4[%add3A_18] : memref<163840xi32, #tpu.memory_space<hbm>> -> memref<128xi32, #tpu.memory_space<hbm>>
        %dma_start3A_24 = tpu.memref_slice %arg4[%add3A_18] : memref<163840xi32, #tpu.memory_space<hbm>> -> memref<128xi32, #tpu.memory_space<hbm>>
        tpu.enqueue_dma source(%dma_start3A_24 : memref<128xi32, #tpu.memory_space<hbm>>) target(%arg11 : memref<128xi32, #tpu.memory_space<vmem>>) target_semaphore(%run_scoped3A : memref<!tpu.dma_semaphore, #tpu.memory_space<semaphore_mem>>)
        %dma_wait3A_25 = tpu.memref_slice %arg4[%add3A_18] : memref<163840xi32, #tpu.memory_space<hbm>> -> memref<128xi32, #tpu.memory_space<hbm>>
        %dma_wait3A_26 = tpu.memref_slice %arg4[%add3A_18] : memref<163840xi32, #tpu.memory_space<hbm>> -> memref<128xi32, #tpu.memory_space<hbm>>
        tpu.wait_dma2 semaphore(%run_scoped3A : memref<!tpu.dma_semaphore, #tpu.memory_space<semaphore_mem>>) src(%dma_wait3A_26 : memref<128xi32, #tpu.memory_space<hbm>>) dst(%arg11 : memref<128xi32, #tpu.memory_space<vmem>>)
        tpu.yield
      }) : () -> ()
      %dma_start3A = arith.constant 0 : i32
      %dma_start3A_19 = arith.constant 0 : i32
      %dma_start3A_20 = tpu.memref_slice %arg2[%dma_start3A, %dma_start3A_19] : memref<10000x128xf32, #tpu.memory_space<hbm>> -> memref<10000x128xf32, #tpu.memory_space<hbm>>
      tpu.enqueue_indirect_dma source(%dma_start3A_20 : memref<10000x128xf32, #tpu.memory_space<hbm>>) target(%arg12 : memref<128x128xf32, #tpu.memory_space<vmem>>) offsets(%arg10 : memref<128xi32, #tpu.memory_space<vmem>>) semaphore(%arg14 : memref<!tpu.dma_semaphore, #tpu.memory_space<semaphore_mem>>)
      %dma_wait3A = arith.constant 0 : i32
      %dma_wait3A_21 = arith.constant 0 : i32
      %dma_wait3A_22 = tpu.memref_slice %arg2[%dma_wait3A, %dma_wait3A_21] : memref<10000x128xf32, #tpu.memory_space<hbm>> -> memref<10000x128xf32, #tpu.memory_space<hbm>>
      tpu.wait_indirect_dma semaphore(%arg14 : memref<!tpu.dma_semaphore, #tpu.memory_space<semaphore_mem>>) src(%dma_wait3A_22 : memref<10000x128xf32, #tpu.memory_space<hbm>>) dst(%arg12 : memref<128x128xf32, #tpu.memory_space<vmem>>)
      "tpu.region"() ({
        %run_scoped3A = tpu.sem_alloc : memref<!tpu.dma_semaphore, #tpu.memory_space<semaphore_mem>>
        %dma_start3A_23 = arith.constant 0 : i32
        %dma_start3A_24 = arith.constant 0 : i32
        %dma_start3A_25 = tpu.memref_slice %arg13[%dma_start3A_23, %dma_start3A_24] : memref<10008x128xf32, #tpu.memory_space<vmem_shared>> -> memref<10008x128xf32, #tpu.memory_space<vmem_shared>>
        tpu.enqueue_indirect_dma source(%arg12 : memref<128x128xf32, #tpu.memory_space<vmem>>) target(%dma_start3A_25 : memref<10008x128xf32, #tpu.memory_space<vmem_shared>>) offsets(%arg11 : memref<128xi32, #tpu.memory_space<vmem>>) semaphore(%run_scoped3A : memref<!tpu.dma_semaphore, #tpu.memory_space<semaphore_mem>>) {add = true}
        %dma_wait3A_26 = arith.constant 0 : i32
        %dma_wait3A_27 = arith.constant 0 : i32
        %dma_wait3A_28 = tpu.memref_slice %arg13[%dma_wait3A_26, %dma_wait3A_27] : memref<10008x128xf32, #tpu.memory_space<vmem_shared>> -> memref<10008x128xf32, #tpu.memory_space<vmem_shared>>
        tpu.wait_indirect_dma semaphore(%run_scoped3A : memref<!tpu.dma_semaphore, #tpu.memory_space<semaphore_mem>>) src(%arg12 : memref<128x128xf32, #tpu.memory_space<vmem>>) dst(%dma_wait3A_28 : memref<10008x128xf32, #tpu.memory_space<vmem_shared>>)
        tpu.yield
      }) : () -> ()
    }
    %scan3A_8 = arith.constant 40 : i32
    %scan3A_9 = arith.constant 0 : i32
    %scan3A_10 = arith.constant 40 : i32
    %scan3A_11 = arith.addi %scan3A_9, %scan3A_10 : i32
    %scan3A_12 = arith.constant 1 : i32
    scf.for %scan3A_15 = %scan3A_9 to %scan3A_11 step %scan3A_12  : i32 {
      %mul3A_16 = arith.constant 128 : i32
      %mul3A_17 = arith.muli %scan3A_15, %mul3A_16 : i32
      %add3A_18 = arith.addi %mul3A_4, %mul3A_17 : i32
      "tpu.region"() ({
        %run_scoped3A = tpu.sem_alloc : memref<!tpu.dma_semaphore, #tpu.memory_space<semaphore_mem>>
        %dma_start3A_23 = tpu.memref_slice %arg6[%add3A_18] : memref<163840xi32, #tpu.memory_space<hbm>> -> memref<128xi32, #tpu.memory_space<hbm>>
        %dma_start3A_24 = tpu.memref_slice %arg6[%add3A_18] : memref<163840xi32, #tpu.memory_space<hbm>> -> memref<128xi32, #tpu.memory_space<hbm>>
        tpu.enqueue_dma source(%dma_start3A_24 : memref<128xi32, #tpu.memory_space<hbm>>) target(%arg10 : memref<128xi32, #tpu.memory_space<vmem>>) target_semaphore(%run_scoped3A : memref<!tpu.dma_semaphore, #tpu.memory_space<semaphore_mem>>)
        %dma_wait3A_25 = tpu.memref_slice %arg6[%add3A_18] : memref<163840xi32, #tpu.memory_space<hbm>> -> memref<128xi32, #tpu.memory_space<hbm>>
        %dma_wait3A_26 = tpu.memref_slice %arg6[%add3A_18] : memref<163840xi32, #tpu.memory_space<hbm>> -> memref<128xi32, #tpu.memory_space<hbm>>
        tpu.wait_dma2 semaphore(%run_scoped3A : memref<!tpu.dma_semaphore, #tpu.memory_space<semaphore_mem>>) src(%dma_wait3A_26 : memref<128xi32, #tpu.memory_space<hbm>>) dst(%arg10 : memref<128xi32, #tpu.memory_space<vmem>>)
        tpu.yield
      }) : () -> ()
      "tpu.region"() ({
        %run_scoped3A = tpu.sem_alloc : memref<!tpu.dma_semaphore, #tpu.memory_space<semaphore_mem>>
        %dma_start3A_23 = tpu.memref_slice %arg7[%add3A_18] : memref<163840xi32, #tpu.memory_space<hbm>> -> memref<128xi32, #tpu.memory_space<hbm>>
        %dma_start3A_24 = tpu.memref_slice %arg7[%add3A_18] : memref<163840xi32, #tpu.memory_space<hbm>> -> memref<128xi32, #tpu.memory_space<hbm>>
        tpu.enqueue_dma source(%dma_start3A_24 : memref<128xi32, #tpu.memory_space<hbm>>) target(%arg11 : memref<128xi32, #tpu.memory_space<vmem>>) target_semaphore(%run_scoped3A : memref<!tpu.dma_semaphore, #tpu.memory_space<semaphore_mem>>)
        %dma_wait3A_25 = tpu.memref_slice %arg7[%add3A_18] : memref<163840xi32, #tpu.memory_space<hbm>> -> memref<128xi32, #tpu.memory_space<hbm>>
        %dma_wait3A_26 = tpu.memref_slice %arg7[%add3A_18] : memref<163840xi32, #tpu.memory_space<hbm>> -> memref<128xi32, #tpu.memory_space<hbm>>
        tpu.wait_dma2 semaphore(%run_scoped3A : memref<!tpu.dma_semaphore, #tpu.memory_space<semaphore_mem>>) src(%dma_wait3A_26 : memref<128xi32, #tpu.memory_space<hbm>>) dst(%arg11 : memref<128xi32, #tpu.memory_space<vmem>>)
        tpu.yield
      }) : () -> ()
      %dma_start3A = arith.constant 0 : i32
      %dma_start3A_19 = arith.constant 0 : i32
      %dma_start3A_20 = tpu.memref_slice %arg5[%dma_start3A, %dma_start3A_19] : memref<10000x128xf32, #tpu.memory_space<hbm>> -> memref<10000x128xf32, #tpu.memory_space<hbm>>
      tpu.enqueue_indirect_dma source(%dma_start3A_20 : memref<10000x128xf32, #tpu.memory_space<hbm>>) target(%arg12 : memref<128x128xf32, #tpu.memory_space<vmem>>) offsets(%arg10 : memref<128xi32, #tpu.memory_space<vmem>>) semaphore(%arg14 : memref<!tpu.dma_semaphore, #tpu.memory_space<semaphore_mem>>)
      %dma_wait3A = arith.constant 0 : i32
      %dma_wait3A_21 = arith.constant 0 : i32
      %dma_wait3A_22 = tpu.memref_slice %arg5[%dma_wait3A, %dma_wait3A_21] : memref<10000x128xf32, #tpu.memory_space<hbm>> -> memref<10000x128xf32, #tpu.memory_space<hbm>>
      tpu.wait_indirect_dma semaphore(%arg14 : memref<!tpu.dma_semaphore, #tpu.memory_space<semaphore_mem>>) src(%dma_wait3A_22 : memref<10000x128xf32, #tpu.memory_space<hbm>>) dst(%arg12 : memref<128x128xf32, #tpu.memory_space<vmem>>)
      "tpu.region"() ({
        %run_scoped3A = tpu.sem_alloc : memref<!tpu.dma_semaphore, #tpu.memory_space<semaphore_mem>>
        %dma_start3A_23 = arith.constant 0 : i32
        %dma_start3A_24 = arith.constant 0 : i32
        %dma_start3A_25 = tpu.memref_slice %arg13[%dma_start3A_23, %dma_start3A_24] : memref<10008x128xf32, #tpu.memory_space<vmem_shared>> -> memref<10008x128xf32, #tpu.memory_space<vmem_shared>>
        tpu.enqueue_indirect_dma source(%arg12 : memref<128x128xf32, #tpu.memory_space<vmem>>) target(%dma_start3A_25 : memref<10008x128xf32, #tpu.memory_space<vmem_shared>>) offsets(%arg11 : memref<128xi32, #tpu.memory_space<vmem>>) semaphore(%run_scoped3A : memref<!tpu.dma_semaphore, #tpu.memory_space<semaphore_mem>>) {add = true}
        %dma_wait3A_26 = arith.constant 0 : i32
        %dma_wait3A_27 = arith.constant 0 : i32
        %dma_wait3A_28 = tpu.memref_slice %arg13[%dma_wait3A_26, %dma_wait3A_27] : memref<10008x128xf32, #tpu.memory_space<vmem_shared>> -> memref<10008x128xf32, #tpu.memory_space<vmem_shared>>
        tpu.wait_indirect_dma semaphore(%run_scoped3A : memref<!tpu.dma_semaphore, #tpu.memory_space<semaphore_mem>>) src(%arg12 : memref<128x128xf32, #tpu.memory_space<vmem>>) dst(%dma_wait3A_28 : memref<10008x128xf32, #tpu.memory_space<vmem_shared>>)
        tpu.yield
      }) : () -> ()
    }
    %scan3A_13 = arith.constant 40 : i32
    %barrier3A_14 = arith.constant 0 : index
    tpu.barrier barrier_id(%barrier3A_14)
    "tpu.region"() ({
      %run_scoped3A = tpu.sem_alloc : memref<!tpu.dma_semaphore, #tpu.memory_space<semaphore_mem>>
      %dma_start3A = arith.constant 0 : i32
      %dma_start3A_15 = tpu.memref_slice %arg9[%arg0, %mul3A_2, %dma_start3A] : memref<2x10000x128xf32, #tpu.memory_space<hbm>> -> memref<1x640x128xf32, #tpu.memory_space<hbm>>
      %dma_start3A_16 = tpu.memref_squeeze %dma_start3A_15 : memref<1x640x128xf32, #tpu.memory_space<hbm>> -> memref<640x128xf32, #tpu.memory_space<hbm>>
      %dma_start3A_17 = arith.constant 0 : i32
      %dma_start3A_18 = tpu.memref_slice %arg13[%mul3A_2, %dma_start3A_17] : memref<10008x128xf32, #tpu.memory_space<vmem_shared>> -> memref<640x128xf32, #tpu.memory_space<vmem_shared>>
      tpu.enqueue_dma source(%dma_start3A_18 : memref<640x128xf32, #tpu.memory_space<vmem_shared>>) target(%dma_start3A_16 : memref<640x128xf32, #tpu.memory_space<hbm>>) target_semaphore(%run_scoped3A : memref<!tpu.dma_semaphore, #tpu.memory_space<semaphore_mem>>)
      %dma_wait3A = arith.constant 0 : i32
      %dma_wait3A_19 = tpu.memref_slice %arg9[%arg0, %mul3A_2, %dma_wait3A] : memref<2x10000x128xf32, #tpu.memory_space<hbm>> -> memref<1x640x128xf32, #tpu.memory_space<hbm>>
      %dma_wait3A_20 = tpu.memref_squeeze %dma_wait3A_19 : memref<1x640x128xf32, #tpu.memory_space<hbm>> -> memref<640x128xf32, #tpu.memory_space<hbm>>
      %dma_wait3A_21 = arith.constant 0 : i32
      %dma_wait3A_22 = tpu.memref_slice %arg13[%mul3A_2, %dma_wait3A_21] : memref<10008x128xf32, #tpu.memory_space<vmem_shared>> -> memref<640x128xf32, #tpu.memory_space<vmem_shared>>
      tpu.wait_dma2 semaphore(%run_scoped3A : memref<!tpu.dma_semaphore, #tpu.memory_space<semaphore_mem>>) src(%dma_wait3A_22 : memref<640x128xf32, #tpu.memory_space<vmem_shared>>) dst(%dma_wait3A_20 : memref<640x128xf32, #tpu.memory_space<hbm>>)
      tpu.yield
    }) : () -> ()
    return
  }
}

#map = affine_map<(d0, d1) -> (0, 0)>
#map1 = affine_map<(d0, d1) -> (0)>
#map2 = affine_map<(d0, d1) -> (0, 0, 0)>
module attributes {stable_mosaic.version = 14 : i64} {
  func.func @agg(%arg0: i32, %arg1: i32, %arg2: memref<10000x128xf32, #tpu.memory_space<hbm>>, %arg3: memref<163840xi32, #tpu.memory_space<hbm>>, %arg4: memref<163840xi32, #tpu.memory_space<hbm>>, %arg5: memref<10000x128xf32, #tpu.memory_space<hbm>>, %arg6: memref<2x10000x128xf32, #tpu.memory_space<hbm>>, %arg7: memref<128xi32, #tpu.memory_space<vmem>>, %arg8: memref<128xi32, #tpu.memory_space<vmem>>, %arg9: memref<128x128xf32, #tpu.memory_space<vmem>>, %arg10: memref<10008x128xf32, #tpu.memory_space<vmem_shared>>, %arg11: memref<!tpu.dma_semaphore, #tpu.memory_space<semaphore_mem>>) attributes {dimension_semantics = [#tpu.dimension_semantics<core_parallel>, #tpu.dimension_semantics<subcore_parallel>], iteration_bounds = array<i64: 2, 16>, scalar_prefetch = 0 : i64, scratch_operands = 5 : i64, tpu.core_type = #tpu.core_type<sc_vector_subcore>, window_params = [{transform_indices = #map}, {transform_indices = #map1}, {transform_indices = #map1}, {transform_indices = #map}, {transform_indices = #map2}]} {
    %mul3A = arith.constant 16 : i32
    %mul3A_0 = arith.muli %arg0, %mul3A : i32
    %add3A = arith.addi %mul3A_0, %arg1 : i32
    %mul3A_1 = arith.constant 624 : i32
    %mul3A_2 = arith.muli %arg1, %mul3A_1 : i32
    "tpu.region"() ({
      %run_scoped3A = tpu.sem_alloc : memref<!tpu.dma_semaphore, #tpu.memory_space<semaphore_mem>>
      %dma_start3A = arith.constant 0 : i32
      %dma_start3A_10 = tpu.memref_slice %arg10[%mul3A_2, %dma_start3A] : memref<10008x128xf32, #tpu.memory_space<vmem_shared>> -> memref<640x128xf32, #tpu.memory_space<vmem_shared>>
      %dma_start3A_11 = arith.constant 0 : i32
      %dma_start3A_12 = tpu.memref_slice %arg5[%mul3A_2, %dma_start3A_11] : memref<10000x128xf32, #tpu.memory_space<hbm>> -> memref<640x128xf32, #tpu.memory_space<hbm>>
      tpu.enqueue_dma source(%dma_start3A_12 : memref<640x128xf32, #tpu.memory_space<hbm>>) target(%dma_start3A_10 : memref<640x128xf32, #tpu.memory_space<vmem_shared>>) target_semaphore(%run_scoped3A : memref<!tpu.dma_semaphore, #tpu.memory_space<semaphore_mem>>)
      %dma_wait3A = arith.constant 0 : i32
      %dma_wait3A_13 = tpu.memref_slice %arg10[%mul3A_2, %dma_wait3A] : memref<10008x128xf32, #tpu.memory_space<vmem_shared>> -> memref<640x128xf32, #tpu.memory_space<vmem_shared>>
      %dma_wait3A_14 = arith.constant 0 : i32
      %dma_wait3A_15 = tpu.memref_slice %arg5[%mul3A_2, %dma_wait3A_14] : memref<10000x128xf32, #tpu.memory_space<hbm>> -> memref<640x128xf32, #tpu.memory_space<hbm>>
      tpu.wait_dma2 semaphore(%run_scoped3A : memref<!tpu.dma_semaphore, #tpu.memory_space<semaphore_mem>>) src(%dma_wait3A_15 : memref<640x128xf32, #tpu.memory_space<hbm>>) dst(%dma_wait3A_13 : memref<640x128xf32, #tpu.memory_space<vmem_shared>>)
      tpu.yield
    }) : () -> ()
    %barrier3A = arith.constant 0 : index
    tpu.barrier barrier_id(%barrier3A)
    %mul3A_3 = arith.constant 5120 : i32
    %mul3A_4 = arith.muli %add3A, %mul3A_3 : i32
    %scan3A = arith.constant 0 : i32
    %scan3A_5 = arith.constant 40 : i32
    %scan3A_6 = arith.addi %scan3A, %scan3A_5 : i32
    %scan3A_7 = arith.constant 1 : i32
    scf.for %scan3A_10 = %scan3A to %scan3A_6 step %scan3A_7  : i32 {
      %mul3A_11 = arith.constant 128 : i32
      %mul3A_12 = arith.muli %scan3A_10, %mul3A_11 : i32
      %add3A_13 = arith.addi %mul3A_4, %mul3A_12 : i32
      "tpu.region"() ({
        %run_scoped3A = tpu.sem_alloc : memref<!tpu.dma_semaphore, #tpu.memory_space<semaphore_mem>>
        %dma_start3A_18 = tpu.memref_slice %arg3[%add3A_13] : memref<163840xi32, #tpu.memory_space<hbm>> -> memref<128xi32, #tpu.memory_space<hbm>>
        %dma_start3A_19 = tpu.memref_slice %arg3[%add3A_13] : memref<163840xi32, #tpu.memory_space<hbm>> -> memref<128xi32, #tpu.memory_space<hbm>>
        tpu.enqueue_dma source(%dma_start3A_19 : memref<128xi32, #tpu.memory_space<hbm>>) target(%arg7 : memref<128xi32, #tpu.memory_space<vmem>>) target_semaphore(%run_scoped3A : memref<!tpu.dma_semaphore, #tpu.memory_space<semaphore_mem>>)
        %dma_wait3A_20 = tpu.memref_slice %arg3[%add3A_13] : memref<163840xi32, #tpu.memory_space<hbm>> -> memref<128xi32, #tpu.memory_space<hbm>>
        %dma_wait3A_21 = tpu.memref_slice %arg3[%add3A_13] : memref<163840xi32, #tpu.memory_space<hbm>> -> memref<128xi32, #tpu.memory_space<hbm>>
        tpu.wait_dma2 semaphore(%run_scoped3A : memref<!tpu.dma_semaphore, #tpu.memory_space<semaphore_mem>>) src(%dma_wait3A_21 : memref<128xi32, #tpu.memory_space<hbm>>) dst(%arg7 : memref<128xi32, #tpu.memory_space<vmem>>)
        tpu.yield
      }) : () -> ()
      "tpu.region"() ({
        %run_scoped3A = tpu.sem_alloc : memref<!tpu.dma_semaphore, #tpu.memory_space<semaphore_mem>>
        %dma_start3A_18 = tpu.memref_slice %arg4[%add3A_13] : memref<163840xi32, #tpu.memory_space<hbm>> -> memref<128xi32, #tpu.memory_space<hbm>>
        %dma_start3A_19 = tpu.memref_slice %arg4[%add3A_13] : memref<163840xi32, #tpu.memory_space<hbm>> -> memref<128xi32, #tpu.memory_space<hbm>>
        tpu.enqueue_dma source(%dma_start3A_19 : memref<128xi32, #tpu.memory_space<hbm>>) target(%arg8 : memref<128xi32, #tpu.memory_space<vmem>>) target_semaphore(%run_scoped3A : memref<!tpu.dma_semaphore, #tpu.memory_space<semaphore_mem>>)
        %dma_wait3A_20 = tpu.memref_slice %arg4[%add3A_13] : memref<163840xi32, #tpu.memory_space<hbm>> -> memref<128xi32, #tpu.memory_space<hbm>>
        %dma_wait3A_21 = tpu.memref_slice %arg4[%add3A_13] : memref<163840xi32, #tpu.memory_space<hbm>> -> memref<128xi32, #tpu.memory_space<hbm>>
        tpu.wait_dma2 semaphore(%run_scoped3A : memref<!tpu.dma_semaphore, #tpu.memory_space<semaphore_mem>>) src(%dma_wait3A_21 : memref<128xi32, #tpu.memory_space<hbm>>) dst(%arg8 : memref<128xi32, #tpu.memory_space<vmem>>)
        tpu.yield
      }) : () -> ()
      %dma_start3A = arith.constant 0 : i32
      %dma_start3A_14 = arith.constant 0 : i32
      %dma_start3A_15 = tpu.memref_slice %arg2[%dma_start3A, %dma_start3A_14] : memref<10000x128xf32, #tpu.memory_space<hbm>> -> memref<10000x128xf32, #tpu.memory_space<hbm>>
      tpu.enqueue_indirect_dma source(%dma_start3A_15 : memref<10000x128xf32, #tpu.memory_space<hbm>>) target(%arg9 : memref<128x128xf32, #tpu.memory_space<vmem>>) offsets(%arg7 : memref<128xi32, #tpu.memory_space<vmem>>) semaphore(%arg11 : memref<!tpu.dma_semaphore, #tpu.memory_space<semaphore_mem>>)
      %dma_wait3A = arith.constant 0 : i32
      %dma_wait3A_16 = arith.constant 0 : i32
      %dma_wait3A_17 = tpu.memref_slice %arg2[%dma_wait3A, %dma_wait3A_16] : memref<10000x128xf32, #tpu.memory_space<hbm>> -> memref<10000x128xf32, #tpu.memory_space<hbm>>
      tpu.wait_indirect_dma semaphore(%arg11 : memref<!tpu.dma_semaphore, #tpu.memory_space<semaphore_mem>>) src(%dma_wait3A_17 : memref<10000x128xf32, #tpu.memory_space<hbm>>) dst(%arg9 : memref<128x128xf32, #tpu.memory_space<vmem>>)
      "tpu.region"() ({
        %run_scoped3A = tpu.sem_alloc : memref<!tpu.dma_semaphore, #tpu.memory_space<semaphore_mem>>
        %dma_start3A_18 = arith.constant 0 : i32
        %dma_start3A_19 = arith.constant 0 : i32
        %dma_start3A_20 = tpu.memref_slice %arg10[%dma_start3A_18, %dma_start3A_19] : memref<10008x128xf32, #tpu.memory_space<vmem_shared>> -> memref<10008x128xf32, #tpu.memory_space<vmem_shared>>
        tpu.enqueue_indirect_dma source(%arg9 : memref<128x128xf32, #tpu.memory_space<vmem>>) target(%dma_start3A_20 : memref<10008x128xf32, #tpu.memory_space<vmem_shared>>) offsets(%arg8 : memref<128xi32, #tpu.memory_space<vmem>>) semaphore(%run_scoped3A : memref<!tpu.dma_semaphore, #tpu.memory_space<semaphore_mem>>) {add = true}
        %dma_wait3A_21 = arith.constant 0 : i32
        %dma_wait3A_22 = arith.constant 0 : i32
        %dma_wait3A_23 = tpu.memref_slice %arg10[%dma_wait3A_21, %dma_wait3A_22] : memref<10008x128xf32, #tpu.memory_space<vmem_shared>> -> memref<10008x128xf32, #tpu.memory_space<vmem_shared>>
        tpu.wait_indirect_dma semaphore(%run_scoped3A : memref<!tpu.dma_semaphore, #tpu.memory_space<semaphore_mem>>) src(%arg9 : memref<128x128xf32, #tpu.memory_space<vmem>>) dst(%dma_wait3A_23 : memref<10008x128xf32, #tpu.memory_space<vmem_shared>>)
        tpu.yield
      }) : () -> ()
    }
    %scan3A_8 = arith.constant 40 : i32
    %barrier3A_9 = arith.constant 0 : index
    tpu.barrier barrier_id(%barrier3A_9)
    "tpu.region"() ({
      %run_scoped3A = tpu.sem_alloc : memref<!tpu.dma_semaphore, #tpu.memory_space<semaphore_mem>>
      %dma_start3A = arith.constant 0 : i32
      %dma_start3A_10 = tpu.memref_slice %arg6[%arg0, %mul3A_2, %dma_start3A] : memref<2x10000x128xf32, #tpu.memory_space<hbm>> -> memref<1x640x128xf32, #tpu.memory_space<hbm>>
      %dma_start3A_11 = tpu.memref_squeeze %dma_start3A_10 : memref<1x640x128xf32, #tpu.memory_space<hbm>> -> memref<640x128xf32, #tpu.memory_space<hbm>>
      %dma_start3A_12 = arith.constant 0 : i32
      %dma_start3A_13 = tpu.memref_slice %arg10[%mul3A_2, %dma_start3A_12] : memref<10008x128xf32, #tpu.memory_space<vmem_shared>> -> memref<640x128xf32, #tpu.memory_space<vmem_shared>>
      tpu.enqueue_dma source(%dma_start3A_13 : memref<640x128xf32, #tpu.memory_space<vmem_shared>>) target(%dma_start3A_11 : memref<640x128xf32, #tpu.memory_space<hbm>>) target_semaphore(%run_scoped3A : memref<!tpu.dma_semaphore, #tpu.memory_space<semaphore_mem>>)
      %dma_wait3A = arith.constant 0 : i32
      %dma_wait3A_14 = tpu.memref_slice %arg6[%arg0, %mul3A_2, %dma_wait3A] : memref<2x10000x128xf32, #tpu.memory_space<hbm>> -> memref<1x640x128xf32, #tpu.memory_space<hbm>>
      %dma_wait3A_15 = tpu.memref_squeeze %dma_wait3A_14 : memref<1x640x128xf32, #tpu.memory_space<hbm>> -> memref<640x128xf32, #tpu.memory_space<hbm>>
      %dma_wait3A_16 = arith.constant 0 : i32
      %dma_wait3A_17 = tpu.memref_slice %arg10[%mul3A_2, %dma_wait3A_16] : memref<10008x128xf32, #tpu.memory_space<vmem_shared>> -> memref<640x128xf32, #tpu.memory_space<vmem_shared>>
      tpu.wait_dma2 semaphore(%run_scoped3A : memref<!tpu.dma_semaphore, #tpu.memory_space<semaphore_mem>>) src(%dma_wait3A_17 : memref<640x128xf32, #tpu.memory_space<vmem_shared>>) dst(%dma_wait3A_15 : memref<640x128xf32, #tpu.memory_space<hbm>>)
      tpu.yield
    }) : () -> ()
    return
  }
}

#map = affine_map<(d0, d1) -> (0, 0)>
#map1 = affine_map<(d0, d1) -> (0)>
#map2 = affine_map<(d0, d1) -> (0, 0, 0)>
module attributes {stable_mosaic.version = 14 : i64} {
  func.func @agg(%arg0: i32, %arg1: i32, %arg2: memref<10000x128xf32, #tpu.memory_space<hbm>>, %arg3: memref<163840xi32, #tpu.memory_space<hbm>>, %arg4: memref<163840xi32, #tpu.memory_space<hbm>>, %arg5: memref<10000x128xf32, #tpu.memory_space<hbm>>, %arg6: memref<2x10000x128xf32, #tpu.memory_space<hbm>>, %arg7: memref<128xi32, #tpu.memory_space<vmem>>, %arg8: memref<128xi32, #tpu.memory_space<vmem>>, %arg9: memref<128x128xf32, #tpu.memory_space<vmem>>, %arg10: memref<10008x128xf32, #tpu.memory_space<vmem_shared>>, %arg11: memref<!tpu.dma_semaphore, #tpu.memory_space<semaphore_mem>>) attributes {dimension_semantics = [#tpu.dimension_semantics<core_parallel>, #tpu.dimension_semantics<subcore_parallel>], iteration_bounds = array<i64: 2, 16>, scalar_prefetch = 0 : i64, scratch_operands = 5 : i64, tpu.core_type = #tpu.core_type<sc_vector_subcore>, window_params = [{transform_indices = #map}, {transform_indices = #map1}, {transform_indices = #map1}, {transform_indices = #map}, {transform_indices = #map2}]} {
    %mul3A = arith.constant 16 : i32
    %mul3A_0 = arith.muli %arg0, %mul3A : i32
    %add3A = arith.addi %mul3A_0, %arg1 : i32
    %mul3A_1 = arith.constant 624 : i32
    %mul3A_2 = arith.muli %arg1, %mul3A_1 : i32
    "tpu.region"() ({
      %run_scoped3A = tpu.sem_alloc : memref<!tpu.dma_semaphore, #tpu.memory_space<semaphore_mem>>
      %dma_start3A = arith.constant 0 : i32
      %dma_start3A_10 = tpu.memref_slice %arg10[%mul3A_2, %dma_start3A] : memref<10008x128xf32, #tpu.memory_space<vmem_shared>> -> memref<640x128xf32, #tpu.memory_space<vmem_shared>>
      %dma_start3A_11 = arith.constant 0 : i32
      %dma_start3A_12 = tpu.memref_slice %arg5[%mul3A_2, %dma_start3A_11] : memref<10000x128xf32, #tpu.memory_space<hbm>> -> memref<640x128xf32, #tpu.memory_space<hbm>>
      tpu.enqueue_dma source(%dma_start3A_12 : memref<640x128xf32, #tpu.memory_space<hbm>>) target(%dma_start3A_10 : memref<640x128xf32, #tpu.memory_space<vmem_shared>>) target_semaphore(%run_scoped3A : memref<!tpu.dma_semaphore, #tpu.memory_space<semaphore_mem>>)
      %dma_wait3A = arith.constant 0 : i32
      %dma_wait3A_13 = tpu.memref_slice %arg10[%mul3A_2, %dma_wait3A] : memref<10008x128xf32, #tpu.memory_space<vmem_shared>> -> memref<640x128xf32, #tpu.memory_space<vmem_shared>>
      %dma_wait3A_14 = arith.constant 0 : i32
      %dma_wait3A_15 = tpu.memref_slice %arg5[%mul3A_2, %dma_wait3A_14] : memref<10000x128xf32, #tpu.memory_space<hbm>> -> memref<640x128xf32, #tpu.memory_space<hbm>>
      tpu.wait_dma2 semaphore(%run_scoped3A : memref<!tpu.dma_semaphore, #tpu.memory_space<semaphore_mem>>) src(%dma_wait3A_15 : memref<640x128xf32, #tpu.memory_space<hbm>>) dst(%dma_wait3A_13 : memref<640x128xf32, #tpu.memory_space<vmem_shared>>)
      tpu.yield
    }) : () -> ()
    %barrier3A = arith.constant 0 : index
    tpu.barrier barrier_id(%barrier3A)
    %mul3A_3 = arith.constant 5120 : i32
    %mul3A_4 = arith.muli %add3A, %mul3A_3 : i32
    %scan3A = arith.constant 0 : i32
    %scan3A_5 = arith.constant 40 : i32
    %scan3A_6 = arith.addi %scan3A, %scan3A_5 : i32
    %scan3A_7 = arith.constant 1 : i32
    scf.for %scan3A_10 = %scan3A to %scan3A_6 step %scan3A_7  : i32 {
      %mul3A_11 = arith.constant 128 : i32
      %mul3A_12 = arith.muli %scan3A_10, %mul3A_11 : i32
      %add3A_13 = arith.addi %mul3A_4, %mul3A_12 : i32
      "tpu.region"() ({
        %run_scoped3A = tpu.sem_alloc : memref<!tpu.dma_semaphore, #tpu.memory_space<semaphore_mem>>
        %dma_start3A_18 = tpu.memref_slice %arg3[%add3A_13] : memref<163840xi32, #tpu.memory_space<hbm>> -> memref<128xi32, #tpu.memory_space<hbm>>
        %dma_start3A_19 = tpu.memref_slice %arg3[%add3A_13] : memref<163840xi32, #tpu.memory_space<hbm>> -> memref<128xi32, #tpu.memory_space<hbm>>
        tpu.enqueue_dma source(%dma_start3A_19 : memref<128xi32, #tpu.memory_space<hbm>>) target(%arg7 : memref<128xi32, #tpu.memory_space<vmem>>) target_semaphore(%run_scoped3A : memref<!tpu.dma_semaphore, #tpu.memory_space<semaphore_mem>>)
        %dma_wait3A_20 = tpu.memref_slice %arg3[%add3A_13] : memref<163840xi32, #tpu.memory_space<hbm>> -> memref<128xi32, #tpu.memory_space<hbm>>
        %dma_wait3A_21 = tpu.memref_slice %arg3[%add3A_13] : memref<163840xi32, #tpu.memory_space<hbm>> -> memref<128xi32, #tpu.memory_space<hbm>>
        tpu.wait_dma2 semaphore(%run_scoped3A : memref<!tpu.dma_semaphore, #tpu.memory_space<semaphore_mem>>) src(%dma_wait3A_21 : memref<128xi32, #tpu.memory_space<hbm>>) dst(%arg7 : memref<128xi32, #tpu.memory_space<vmem>>)
        tpu.yield
      }) : () -> ()
      "tpu.region"() ({
        %run_scoped3A = tpu.sem_alloc : memref<!tpu.dma_semaphore, #tpu.memory_space<semaphore_mem>>
        %dma_start3A_18 = tpu.memref_slice %arg4[%add3A_13] : memref<163840xi32, #tpu.memory_space<hbm>> -> memref<128xi32, #tpu.memory_space<hbm>>
        %dma_start3A_19 = tpu.memref_slice %arg4[%add3A_13] : memref<163840xi32, #tpu.memory_space<hbm>> -> memref<128xi32, #tpu.memory_space<hbm>>
        tpu.enqueue_dma source(%dma_start3A_19 : memref<128xi32, #tpu.memory_space<hbm>>) target(%arg8 : memref<128xi32, #tpu.memory_space<vmem>>) target_semaphore(%run_scoped3A : memref<!tpu.dma_semaphore, #tpu.memory_space<semaphore_mem>>)
        %dma_wait3A_20 = tpu.memref_slice %arg4[%add3A_13] : memref<163840xi32, #tpu.memory_space<hbm>> -> memref<128xi32, #tpu.memory_space<hbm>>
        %dma_wait3A_21 = tpu.memref_slice %arg4[%add3A_13] : memref<163840xi32, #tpu.memory_space<hbm>> -> memref<128xi32, #tpu.memory_space<hbm>>
        tpu.wait_dma2 semaphore(%run_scoped3A : memref<!tpu.dma_semaphore, #tpu.memory_space<semaphore_mem>>) src(%dma_wait3A_21 : memref<128xi32, #tpu.memory_space<hbm>>) dst(%arg8 : memref<128xi32, #tpu.memory_space<vmem>>)
        tpu.yield
      }) : () -> ()
      %dma_start3A = arith.constant 0 : i32
      %dma_start3A_14 = arith.constant 0 : i32
      %dma_start3A_15 = tpu.memref_slice %arg2[%dma_start3A, %dma_start3A_14] : memref<10000x128xf32, #tpu.memory_space<hbm>> -> memref<10000x128xf32, #tpu.memory_space<hbm>>
      tpu.enqueue_indirect_dma source(%dma_start3A_15 : memref<10000x128xf32, #tpu.memory_space<hbm>>) target(%arg9 : memref<128x128xf32, #tpu.memory_space<vmem>>) offsets(%arg7 : memref<128xi32, #tpu.memory_space<vmem>>) semaphore(%arg11 : memref<!tpu.dma_semaphore, #tpu.memory_space<semaphore_mem>>)
      %dma_wait3A = arith.constant 0 : i32
      %dma_wait3A_16 = arith.constant 0 : i32
      %dma_wait3A_17 = tpu.memref_slice %arg2[%dma_wait3A, %dma_wait3A_16] : memref<10000x128xf32, #tpu.memory_space<hbm>> -> memref<10000x128xf32, #tpu.memory_space<hbm>>
      tpu.wait_indirect_dma semaphore(%arg11 : memref<!tpu.dma_semaphore, #tpu.memory_space<semaphore_mem>>) src(%dma_wait3A_17 : memref<10000x128xf32, #tpu.memory_space<hbm>>) dst(%arg9 : memref<128x128xf32, #tpu.memory_space<vmem>>)
      "tpu.region"() ({
        %run_scoped3A = tpu.sem_alloc : memref<!tpu.dma_semaphore, #tpu.memory_space<semaphore_mem>>
        %dma_start3A_18 = arith.constant 0 : i32
        %dma_start3A_19 = arith.constant 0 : i32
        %dma_start3A_20 = tpu.memref_slice %arg10[%dma_start3A_18, %dma_start3A_19] : memref<10008x128xf32, #tpu.memory_space<vmem_shared>> -> memref<10008x128xf32, #tpu.memory_space<vmem_shared>>
        tpu.enqueue_indirect_dma source(%arg9 : memref<128x128xf32, #tpu.memory_space<vmem>>) target(%dma_start3A_20 : memref<10008x128xf32, #tpu.memory_space<vmem_shared>>) offsets(%arg8 : memref<128xi32, #tpu.memory_space<vmem>>) semaphore(%run_scoped3A : memref<!tpu.dma_semaphore, #tpu.memory_space<semaphore_mem>>) {add = true}
        %dma_wait3A_21 = arith.constant 0 : i32
        %dma_wait3A_22 = arith.constant 0 : i32
        %dma_wait3A_23 = tpu.memref_slice %arg10[%dma_wait3A_21, %dma_wait3A_22] : memref<10008x128xf32, #tpu.memory_space<vmem_shared>> -> memref<10008x128xf32, #tpu.memory_space<vmem_shared>>
        tpu.wait_indirect_dma semaphore(%run_scoped3A : memref<!tpu.dma_semaphore, #tpu.memory_space<semaphore_mem>>) src(%arg9 : memref<128x128xf32, #tpu.memory_space<vmem>>) dst(%dma_wait3A_23 : memref<10008x128xf32, #tpu.memory_space<vmem_shared>>)
        tpu.yield
      }) : () -> ()
    }
    %scan3A_8 = arith.constant 40 : i32
    %barrier3A_9 = arith.constant 0 : index
    tpu.barrier barrier_id(%barrier3A_9)
    "tpu.region"() ({
      %run_scoped3A = tpu.sem_alloc : memref<!tpu.dma_semaphore, #tpu.memory_space<semaphore_mem>>
      %dma_start3A = arith.constant 0 : i32
      %dma_start3A_10 = tpu.memref_slice %arg6[%arg0, %mul3A_2, %dma_start3A] : memref<2x10000x128xf32, #tpu.memory_space<hbm>> -> memref<1x640x128xf32, #tpu.memory_space<hbm>>
      %dma_start3A_11 = tpu.memref_squeeze %dma_start3A_10 : memref<1x640x128xf32, #tpu.memory_space<hbm>> -> memref<640x128xf32, #tpu.memory_space<hbm>>
      %dma_start3A_12 = arith.constant 0 : i32
      %dma_start3A_13 = tpu.memref_slice %arg10[%mul3A_2, %dma_start3A_12] : memref<10008x128xf32, #tpu.memory_space<vmem_shared>> -> memref<640x128xf32, #tpu.memory_space<vmem_shared>>
      tpu.enqueue_dma source(%dma_start3A_13 : memref<640x128xf32, #tpu.memory_space<vmem_shared>>) target(%dma_start3A_11 : memref<640x128xf32, #tpu.memory_space<hbm>>) target_semaphore(%run_scoped3A : memref<!tpu.dma_semaphore, #tpu.memory_space<semaphore_mem>>)
      %dma_wait3A = arith.constant 0 : i32
      %dma_wait3A_14 = tpu.memref_slice %arg6[%arg0, %mul3A_2, %dma_wait3A] : memref<2x10000x128xf32, #tpu.memory_space<hbm>> -> memref<1x640x128xf32, #tpu.memory_space<hbm>>
      %dma_wait3A_15 = tpu.memref_squeeze %dma_wait3A_14 : memref<1x640x128xf32, #tpu.memory_space<hbm>> -> memref<640x128xf32, #tpu.memory_space<hbm>>
      %dma_wait3A_16 = arith.constant 0 : i32
      %dma_wait3A_17 = tpu.memref_slice %arg10[%mul3A_2, %dma_wait3A_16] : memref<10008x128xf32, #tpu.memory_space<vmem_shared>> -> memref<640x128xf32, #tpu.memory_space<vmem_shared>>
      tpu.wait_dma2 semaphore(%run_scoped3A : memref<!tpu.dma_semaphore, #tpu.memory_space<semaphore_mem>>) src(%dma_wait3A_17 : memref<640x128xf32, #tpu.memory_space<vmem_shared>>) dst(%dma_wait3A_15 : memref<640x128xf32, #tpu.memory_space<hbm>>)
      tpu.yield
    }) : () -> ()
    return
  }
}

#map = affine_map<(d0, d1) -> (0, 0)>
#map1 = affine_map<(d0, d1) -> (0)>
#map2 = affine_map<(d0, d1) -> (0, 0, 0)>
module attributes {stable_mosaic.version = 14 : i64} {
  func.func @agg(%arg0: i32, %arg1: i32, %arg2: memref<10000x128xf32, #tpu.memory_space<hbm>>, %arg3: memref<163840xi32, #tpu.memory_space<hbm>>, %arg4: memref<163840xi32, #tpu.memory_space<hbm>>, %arg5: memref<10000x128xf32, #tpu.memory_space<hbm>>, %arg6: memref<163840xi32, #tpu.memory_space<hbm>>, %arg7: memref<163840xi32, #tpu.memory_space<hbm>>, %arg8: memref<10000x128xf32, #tpu.memory_space<hbm>>, %arg9: memref<2x10000x128xf32, #tpu.memory_space<hbm>>, %arg10: memref<128xi32, #tpu.memory_space<vmem>>, %arg11: memref<128xi32, #tpu.memory_space<vmem>>, %arg12: memref<128x128xf32, #tpu.memory_space<vmem>>, %arg13: memref<10008x128xf32, #tpu.memory_space<vmem_shared>>, %arg14: memref<!tpu.dma_semaphore, #tpu.memory_space<semaphore_mem>>) attributes {dimension_semantics = [#tpu.dimension_semantics<core_parallel>, #tpu.dimension_semantics<subcore_parallel>], iteration_bounds = array<i64: 2, 16>, scalar_prefetch = 0 : i64, scratch_operands = 5 : i64, tpu.core_type = #tpu.core_type<sc_vector_subcore>, window_params = [{transform_indices = #map}, {transform_indices = #map1}, {transform_indices = #map1}, {transform_indices = #map}, {transform_indices = #map1}, {transform_indices = #map1}, {transform_indices = #map}, {transform_indices = #map2}]} {
    %mul3A = arith.constant 16 : i32
    %mul3A_0 = arith.muli %arg0, %mul3A : i32
    %add3A = arith.addi %mul3A_0, %arg1 : i32
    %mul3A_1 = arith.constant 624 : i32
    %mul3A_2 = arith.muli %arg1, %mul3A_1 : i32
    "tpu.region"() ({
      %run_scoped3A = tpu.sem_alloc : memref<!tpu.dma_semaphore, #tpu.memory_space<semaphore_mem>>
      %dma_start3A = arith.constant 0 : i32
      %dma_start3A_15 = tpu.memref_slice %arg13[%mul3A_2, %dma_start3A] : memref<10008x128xf32, #tpu.memory_space<vmem_shared>> -> memref<640x128xf32, #tpu.memory_space<vmem_shared>>
      %dma_start3A_16 = arith.constant 0 : i32
      %dma_start3A_17 = tpu.memref_slice %arg8[%mul3A_2, %dma_start3A_16] : memref<10000x128xf32, #tpu.memory_space<hbm>> -> memref<640x128xf32, #tpu.memory_space<hbm>>
      tpu.enqueue_dma source(%dma_start3A_17 : memref<640x128xf32, #tpu.memory_space<hbm>>) target(%dma_start3A_15 : memref<640x128xf32, #tpu.memory_space<vmem_shared>>) target_semaphore(%run_scoped3A : memref<!tpu.dma_semaphore, #tpu.memory_space<semaphore_mem>>)
      %dma_wait3A = arith.constant 0 : i32
      %dma_wait3A_18 = tpu.memref_slice %arg13[%mul3A_2, %dma_wait3A] : memref<10008x128xf32, #tpu.memory_space<vmem_shared>> -> memref<640x128xf32, #tpu.memory_space<vmem_shared>>
      %dma_wait3A_19 = arith.constant 0 : i32
      %dma_wait3A_20 = tpu.memref_slice %arg8[%mul3A_2, %dma_wait3A_19] : memref<10000x128xf32, #tpu.memory_space<hbm>> -> memref<640x128xf32, #tpu.memory_space<hbm>>
      tpu.wait_dma2 semaphore(%run_scoped3A : memref<!tpu.dma_semaphore, #tpu.memory_space<semaphore_mem>>) src(%dma_wait3A_20 : memref<640x128xf32, #tpu.memory_space<hbm>>) dst(%dma_wait3A_18 : memref<640x128xf32, #tpu.memory_space<vmem_shared>>)
      tpu.yield
    }) : () -> ()
    %barrier3A = arith.constant 0 : index
    tpu.barrier barrier_id(%barrier3A)
    %mul3A_3 = arith.constant 5120 : i32
    %mul3A_4 = arith.muli %add3A, %mul3A_3 : i32
    %scan3A = arith.constant 0 : i32
    %scan3A_5 = arith.constant 40 : i32
    %scan3A_6 = arith.addi %scan3A, %scan3A_5 : i32
    %scan3A_7 = arith.constant 1 : i32
    scf.for %scan3A_15 = %scan3A to %scan3A_6 step %scan3A_7  : i32 {
      %mul3A_16 = arith.constant 128 : i32
      %mul3A_17 = arith.muli %scan3A_15, %mul3A_16 : i32
      %add3A_18 = arith.addi %mul3A_4, %mul3A_17 : i32
      "tpu.region"() ({
        %run_scoped3A = tpu.sem_alloc : memref<!tpu.dma_semaphore, #tpu.memory_space<semaphore_mem>>
        %dma_start3A_23 = tpu.memref_slice %arg3[%add3A_18] : memref<163840xi32, #tpu.memory_space<hbm>> -> memref<128xi32, #tpu.memory_space<hbm>>
        %dma_start3A_24 = tpu.memref_slice %arg3[%add3A_18] : memref<163840xi32, #tpu.memory_space<hbm>> -> memref<128xi32, #tpu.memory_space<hbm>>
        tpu.enqueue_dma source(%dma_start3A_24 : memref<128xi32, #tpu.memory_space<hbm>>) target(%arg10 : memref<128xi32, #tpu.memory_space<vmem>>) target_semaphore(%run_scoped3A : memref<!tpu.dma_semaphore, #tpu.memory_space<semaphore_mem>>)
        %dma_wait3A_25 = tpu.memref_slice %arg3[%add3A_18] : memref<163840xi32, #tpu.memory_space<hbm>> -> memref<128xi32, #tpu.memory_space<hbm>>
        %dma_wait3A_26 = tpu.memref_slice %arg3[%add3A_18] : memref<163840xi32, #tpu.memory_space<hbm>> -> memref<128xi32, #tpu.memory_space<hbm>>
        tpu.wait_dma2 semaphore(%run_scoped3A : memref<!tpu.dma_semaphore, #tpu.memory_space<semaphore_mem>>) src(%dma_wait3A_26 : memref<128xi32, #tpu.memory_space<hbm>>) dst(%arg10 : memref<128xi32, #tpu.memory_space<vmem>>)
        tpu.yield
      }) : () -> ()
      "tpu.region"() ({
        %run_scoped3A = tpu.sem_alloc : memref<!tpu.dma_semaphore, #tpu.memory_space<semaphore_mem>>
        %dma_start3A_23 = tpu.memref_slice %arg4[%add3A_18] : memref<163840xi32, #tpu.memory_space<hbm>> -> memref<128xi32, #tpu.memory_space<hbm>>
        %dma_start3A_24 = tpu.memref_slice %arg4[%add3A_18] : memref<163840xi32, #tpu.memory_space<hbm>> -> memref<128xi32, #tpu.memory_space<hbm>>
        tpu.enqueue_dma source(%dma_start3A_24 : memref<128xi32, #tpu.memory_space<hbm>>) target(%arg11 : memref<128xi32, #tpu.memory_space<vmem>>) target_semaphore(%run_scoped3A : memref<!tpu.dma_semaphore, #tpu.memory_space<semaphore_mem>>)
        %dma_wait3A_25 = tpu.memref_slice %arg4[%add3A_18] : memref<163840xi32, #tpu.memory_space<hbm>> -> memref<128xi32, #tpu.memory_space<hbm>>
        %dma_wait3A_26 = tpu.memref_slice %arg4[%add3A_18] : memref<163840xi32, #tpu.memory_space<hbm>> -> memref<128xi32, #tpu.memory_space<hbm>>
        tpu.wait_dma2 semaphore(%run_scoped3A : memref<!tpu.dma_semaphore, #tpu.memory_space<semaphore_mem>>) src(%dma_wait3A_26 : memref<128xi32, #tpu.memory_space<hbm>>) dst(%arg11 : memref<128xi32, #tpu.memory_space<vmem>>)
        tpu.yield
      }) : () -> ()
      %dma_start3A = arith.constant 0 : i32
      %dma_start3A_19 = arith.constant 0 : i32
      %dma_start3A_20 = tpu.memref_slice %arg2[%dma_start3A, %dma_start3A_19] : memref<10000x128xf32, #tpu.memory_space<hbm>> -> memref<10000x128xf32, #tpu.memory_space<hbm>>
      tpu.enqueue_indirect_dma source(%dma_start3A_20 : memref<10000x128xf32, #tpu.memory_space<hbm>>) target(%arg12 : memref<128x128xf32, #tpu.memory_space<vmem>>) offsets(%arg10 : memref<128xi32, #tpu.memory_space<vmem>>) semaphore(%arg14 : memref<!tpu.dma_semaphore, #tpu.memory_space<semaphore_mem>>)
      %dma_wait3A = arith.constant 0 : i32
      %dma_wait3A_21 = arith.constant 0 : i32
      %dma_wait3A_22 = tpu.memref_slice %arg2[%dma_wait3A, %dma_wait3A_21] : memref<10000x128xf32, #tpu.memory_space<hbm>> -> memref<10000x128xf32, #tpu.memory_space<hbm>>
      tpu.wait_indirect_dma semaphore(%arg14 : memref<!tpu.dma_semaphore, #tpu.memory_space<semaphore_mem>>) src(%dma_wait3A_22 : memref<10000x128xf32, #tpu.memory_space<hbm>>) dst(%arg12 : memref<128x128xf32, #tpu.memory_space<vmem>>)
      "tpu.region"() ({
        %run_scoped3A = tpu.sem_alloc : memref<!tpu.dma_semaphore, #tpu.memory_space<semaphore_mem>>
        %dma_start3A_23 = arith.constant 0 : i32
        %dma_start3A_24 = arith.constant 0 : i32
        %dma_start3A_25 = tpu.memref_slice %arg13[%dma_start3A_23, %dma_start3A_24] : memref<10008x128xf32, #tpu.memory_space<vmem_shared>> -> memref<10008x128xf32, #tpu.memory_space<vmem_shared>>
        tpu.enqueue_indirect_dma source(%arg12 : memref<128x128xf32, #tpu.memory_space<vmem>>) target(%dma_start3A_25 : memref<10008x128xf32, #tpu.memory_space<vmem_shared>>) offsets(%arg11 : memref<128xi32, #tpu.memory_space<vmem>>) semaphore(%run_scoped3A : memref<!tpu.dma_semaphore, #tpu.memory_space<semaphore_mem>>) {add = true}
        %dma_wait3A_26 = arith.constant 0 : i32
        %dma_wait3A_27 = arith.constant 0 : i32
        %dma_wait3A_28 = tpu.memref_slice %arg13[%dma_wait3A_26, %dma_wait3A_27] : memref<10008x128xf32, #tpu.memory_space<vmem_shared>> -> memref<10008x128xf32, #tpu.memory_space<vmem_shared>>
        tpu.wait_indirect_dma semaphore(%run_scoped3A : memref<!tpu.dma_semaphore, #tpu.memory_space<semaphore_mem>>) src(%arg12 : memref<128x128xf32, #tpu.memory_space<vmem>>) dst(%dma_wait3A_28 : memref<10008x128xf32, #tpu.memory_space<vmem_shared>>)
        tpu.yield
      }) : () -> ()
    }
    %scan3A_8 = arith.constant 40 : i32
    %scan3A_9 = arith.constant 0 : i32
    %scan3A_10 = arith.constant 40 : i32
    %scan3A_11 = arith.addi %scan3A_9, %scan3A_10 : i32
    %scan3A_12 = arith.constant 1 : i32
    scf.for %scan3A_15 = %scan3A_9 to %scan3A_11 step %scan3A_12  : i32 {
      %mul3A_16 = arith.constant 128 : i32
      %mul3A_17 = arith.muli %scan3A_15, %mul3A_16 : i32
      %add3A_18 = arith.addi %mul3A_4, %mul3A_17 : i32
      "tpu.region"() ({
        %run_scoped3A = tpu.sem_alloc : memref<!tpu.dma_semaphore, #tpu.memory_space<semaphore_mem>>
        %dma_start3A_23 = tpu.memref_slice %arg6[%add3A_18] : memref<163840xi32, #tpu.memory_space<hbm>> -> memref<128xi32, #tpu.memory_space<hbm>>
        %dma_start3A_24 = tpu.memref_slice %arg6[%add3A_18] : memref<163840xi32, #tpu.memory_space<hbm>> -> memref<128xi32, #tpu.memory_space<hbm>>
        tpu.enqueue_dma source(%dma_start3A_24 : memref<128xi32, #tpu.memory_space<hbm>>) target(%arg10 : memref<128xi32, #tpu.memory_space<vmem>>) target_semaphore(%run_scoped3A : memref<!tpu.dma_semaphore, #tpu.memory_space<semaphore_mem>>)
        %dma_wait3A_25 = tpu.memref_slice %arg6[%add3A_18] : memref<163840xi32, #tpu.memory_space<hbm>> -> memref<128xi32, #tpu.memory_space<hbm>>
        %dma_wait3A_26 = tpu.memref_slice %arg6[%add3A_18] : memref<163840xi32, #tpu.memory_space<hbm>> -> memref<128xi32, #tpu.memory_space<hbm>>
        tpu.wait_dma2 semaphore(%run_scoped3A : memref<!tpu.dma_semaphore, #tpu.memory_space<semaphore_mem>>) src(%dma_wait3A_26 : memref<128xi32, #tpu.memory_space<hbm>>) dst(%arg10 : memref<128xi32, #tpu.memory_space<vmem>>)
        tpu.yield
      }) : () -> ()
      "tpu.region"() ({
        %run_scoped3A = tpu.sem_alloc : memref<!tpu.dma_semaphore, #tpu.memory_space<semaphore_mem>>
        %dma_start3A_23 = tpu.memref_slice %arg7[%add3A_18] : memref<163840xi32, #tpu.memory_space<hbm>> -> memref<128xi32, #tpu.memory_space<hbm>>
        %dma_start3A_24 = tpu.memref_slice %arg7[%add3A_18] : memref<163840xi32, #tpu.memory_space<hbm>> -> memref<128xi32, #tpu.memory_space<hbm>>
        tpu.enqueue_dma source(%dma_start3A_24 : memref<128xi32, #tpu.memory_space<hbm>>) target(%arg11 : memref<128xi32, #tpu.memory_space<vmem>>) target_semaphore(%run_scoped3A : memref<!tpu.dma_semaphore, #tpu.memory_space<semaphore_mem>>)
        %dma_wait3A_25 = tpu.memref_slice %arg7[%add3A_18] : memref<163840xi32, #tpu.memory_space<hbm>> -> memref<128xi32, #tpu.memory_space<hbm>>
        %dma_wait3A_26 = tpu.memref_slice %arg7[%add3A_18] : memref<163840xi32, #tpu.memory_space<hbm>> -> memref<128xi32, #tpu.memory_space<hbm>>
        tpu.wait_dma2 semaphore(%run_scoped3A : memref<!tpu.dma_semaphore, #tpu.memory_space<semaphore_mem>>) src(%dma_wait3A_26 : memref<128xi32, #tpu.memory_space<hbm>>) dst(%arg11 : memref<128xi32, #tpu.memory_space<vmem>>)
        tpu.yield
      }) : () -> ()
      %dma_start3A = arith.constant 0 : i32
      %dma_start3A_19 = arith.constant 0 : i32
      %dma_start3A_20 = tpu.memref_slice %arg5[%dma_start3A, %dma_start3A_19] : memref<10000x128xf32, #tpu.memory_space<hbm>> -> memref<10000x128xf32, #tpu.memory_space<hbm>>
      tpu.enqueue_indirect_dma source(%dma_start3A_20 : memref<10000x128xf32, #tpu.memory_space<hbm>>) target(%arg12 : memref<128x128xf32, #tpu.memory_space<vmem>>) offsets(%arg10 : memref<128xi32, #tpu.memory_space<vmem>>) semaphore(%arg14 : memref<!tpu.dma_semaphore, #tpu.memory_space<semaphore_mem>>)
      %dma_wait3A = arith.constant 0 : i32
      %dma_wait3A_21 = arith.constant 0 : i32
      %dma_wait3A_22 = tpu.memref_slice %arg5[%dma_wait3A, %dma_wait3A_21] : memref<10000x128xf32, #tpu.memory_space<hbm>> -> memref<10000x128xf32, #tpu.memory_space<hbm>>
      tpu.wait_indirect_dma semaphore(%arg14 : memref<!tpu.dma_semaphore, #tpu.memory_space<semaphore_mem>>) src(%dma_wait3A_22 : memref<10000x128xf32, #tpu.memory_space<hbm>>) dst(%arg12 : memref<128x128xf32, #tpu.memory_space<vmem>>)
      "tpu.region"() ({
        %run_scoped3A = tpu.sem_alloc : memref<!tpu.dma_semaphore, #tpu.memory_space<semaphore_mem>>
        %dma_start3A_23 = arith.constant 0 : i32
        %dma_start3A_24 = arith.constant 0 : i32
        %dma_start3A_25 = tpu.memref_slice %arg13[%dma_start3A_23, %dma_start3A_24] : memref<10008x128xf32, #tpu.memory_space<vmem_shared>> -> memref<10008x128xf32, #tpu.memory_space<vmem_shared>>
        tpu.enqueue_indirect_dma source(%arg12 : memref<128x128xf32, #tpu.memory_space<vmem>>) target(%dma_start3A_25 : memref<10008x128xf32, #tpu.memory_space<vmem_shared>>) offsets(%arg11 : memref<128xi32, #tpu.memory_space<vmem>>) semaphore(%run_scoped3A : memref<!tpu.dma_semaphore, #tpu.memory_space<semaphore_mem>>) {add = true}
        %dma_wait3A_26 = arith.constant 0 : i32
        %dma_wait3A_27 = arith.constant 0 : i32
        %dma_wait3A_28 = tpu.memref_slice %arg13[%dma_wait3A_26, %dma_wait3A_27] : memref<10008x128xf32, #tpu.memory_space<vmem_shared>> -> memref<10008x128xf32, #tpu.memory_space<vmem_shared>>
        tpu.wait_indirect_dma semaphore(%run_scoped3A : memref<!tpu.dma_semaphore, #tpu.memory_space<semaphore_mem>>) src(%arg12 : memref<128x128xf32, #tpu.memory_space<vmem>>) dst(%dma_wait3A_28 : memref<10008x128xf32, #tpu.memory_space<vmem_shared>>)
        tpu.yield
      }) : () -> ()
    }
    %scan3A_13 = arith.constant 40 : i32
    %barrier3A_14 = arith.constant 0 : index
    tpu.barrier barrier_id(%barrier3A_14)
    "tpu.region"() ({
      %run_scoped3A = tpu.sem_alloc : memref<!tpu.dma_semaphore, #tpu.memory_space<semaphore_mem>>
      %dma_start3A = arith.constant 0 : i32
      %dma_start3A_15 = tpu.memref_slice %arg9[%arg0, %mul3A_2, %dma_start3A] : memref<2x10000x128xf32, #tpu.memory_space<hbm>> -> memref<1x640x128xf32, #tpu.memory_space<hbm>>
      %dma_start3A_16 = tpu.memref_squeeze %dma_start3A_15 : memref<1x640x128xf32, #tpu.memory_space<hbm>> -> memref<640x128xf32, #tpu.memory_space<hbm>>
      %dma_start3A_17 = arith.constant 0 : i32
      %dma_start3A_18 = tpu.memref_slice %arg13[%mul3A_2, %dma_start3A_17] : memref<10008x128xf32, #tpu.memory_space<vmem_shared>> -> memref<640x128xf32, #tpu.memory_space<vmem_shared>>
      tpu.enqueue_dma source(%dma_start3A_18 : memref<640x128xf32, #tpu.memory_space<vmem_shared>>) target(%dma_start3A_16 : memref<640x128xf32, #tpu.memory_space<hbm>>) target_semaphore(%run_scoped3A : memref<!tpu.dma_semaphore, #tpu.memory_space<semaphore_mem>>)
      %dma_wait3A = arith.constant 0 : i32
      %dma_wait3A_19 = tpu.memref_slice %arg9[%arg0, %mul3A_2, %dma_wait3A] : memref<2x10000x128xf32, #tpu.memory_space<hbm>> -> memref<1x640x128xf32, #tpu.memory_space<hbm>>
      %dma_wait3A_20 = tpu.memref_squeeze %dma_wait3A_19 : memref<1x640x128xf32, #tpu.memory_space<hbm>> -> memref<640x128xf32, #tpu.memory_space<hbm>>
      %dma_wait3A_21 = arith.constant 0 : i32
      %dma_wait3A_22 = tpu.memref_slice %arg13[%mul3A_2, %dma_wait3A_21] : memref<10008x128xf32, #tpu.memory_space<vmem_shared>> -> memref<640x128xf32, #tpu.memory_space<vmem_shared>>
      tpu.wait_dma2 semaphore(%run_scoped3A : memref<!tpu.dma_semaphore, #tpu.memory_space<semaphore_mem>>) src(%dma_wait3A_22 : memref<640x128xf32, #tpu.memory_space<vmem_shared>>) dst(%dma_wait3A_20 : memref<640x128xf32, #tpu.memory_space<hbm>>)
      tpu.yield
    }) : () -> ()
    return
  }
}

#map = affine_map<(d0, d1) -> (0, 0)>
#map1 = affine_map<(d0, d1) -> (0)>
#map2 = affine_map<(d0, d1) -> (0, 0, 0)>
module attributes {stable_mosaic.version = 14 : i64} {
  func.func @agg(%arg0: i32, %arg1: i32, %arg2: memref<10000x128xf32, #tpu.memory_space<hbm>>, %arg3: memref<163840xi32, #tpu.memory_space<hbm>>, %arg4: memref<163840xi32, #tpu.memory_space<hbm>>, %arg5: memref<10000x128xf32, #tpu.memory_space<hbm>>, %arg6: memref<2x10000x128xf32, #tpu.memory_space<hbm>>, %arg7: memref<128xi32, #tpu.memory_space<vmem>>, %arg8: memref<128xi32, #tpu.memory_space<vmem>>, %arg9: memref<128x128xf32, #tpu.memory_space<vmem>>, %arg10: memref<10008x128xf32, #tpu.memory_space<vmem_shared>>, %arg11: memref<!tpu.dma_semaphore, #tpu.memory_space<semaphore_mem>>) attributes {dimension_semantics = [#tpu.dimension_semantics<core_parallel>, #tpu.dimension_semantics<subcore_parallel>], iteration_bounds = array<i64: 2, 16>, scalar_prefetch = 0 : i64, scratch_operands = 5 : i64, tpu.core_type = #tpu.core_type<sc_vector_subcore>, window_params = [{transform_indices = #map}, {transform_indices = #map1}, {transform_indices = #map1}, {transform_indices = #map}, {transform_indices = #map2}]} {
    %mul3A = arith.constant 16 : i32
    %mul3A_0 = arith.muli %arg0, %mul3A : i32
    %add3A = arith.addi %mul3A_0, %arg1 : i32
    %mul3A_1 = arith.constant 624 : i32
    %mul3A_2 = arith.muli %arg1, %mul3A_1 : i32
    "tpu.region"() ({
      %run_scoped3A = tpu.sem_alloc : memref<!tpu.dma_semaphore, #tpu.memory_space<semaphore_mem>>
      %dma_start3A = arith.constant 0 : i32
      %dma_start3A_10 = tpu.memref_slice %arg10[%mul3A_2, %dma_start3A] : memref<10008x128xf32, #tpu.memory_space<vmem_shared>> -> memref<640x128xf32, #tpu.memory_space<vmem_shared>>
      %dma_start3A_11 = arith.constant 0 : i32
      %dma_start3A_12 = tpu.memref_slice %arg5[%mul3A_2, %dma_start3A_11] : memref<10000x128xf32, #tpu.memory_space<hbm>> -> memref<640x128xf32, #tpu.memory_space<hbm>>
      tpu.enqueue_dma source(%dma_start3A_12 : memref<640x128xf32, #tpu.memory_space<hbm>>) target(%dma_start3A_10 : memref<640x128xf32, #tpu.memory_space<vmem_shared>>) target_semaphore(%run_scoped3A : memref<!tpu.dma_semaphore, #tpu.memory_space<semaphore_mem>>)
      %dma_wait3A = arith.constant 0 : i32
      %dma_wait3A_13 = tpu.memref_slice %arg10[%mul3A_2, %dma_wait3A] : memref<10008x128xf32, #tpu.memory_space<vmem_shared>> -> memref<640x128xf32, #tpu.memory_space<vmem_shared>>
      %dma_wait3A_14 = arith.constant 0 : i32
      %dma_wait3A_15 = tpu.memref_slice %arg5[%mul3A_2, %dma_wait3A_14] : memref<10000x128xf32, #tpu.memory_space<hbm>> -> memref<640x128xf32, #tpu.memory_space<hbm>>
      tpu.wait_dma2 semaphore(%run_scoped3A : memref<!tpu.dma_semaphore, #tpu.memory_space<semaphore_mem>>) src(%dma_wait3A_15 : memref<640x128xf32, #tpu.memory_space<hbm>>) dst(%dma_wait3A_13 : memref<640x128xf32, #tpu.memory_space<vmem_shared>>)
      tpu.yield
    }) : () -> ()
    %barrier3A = arith.constant 0 : index
    tpu.barrier barrier_id(%barrier3A)
    %mul3A_3 = arith.constant 5120 : i32
    %mul3A_4 = arith.muli %add3A, %mul3A_3 : i32
    %scan3A = arith.constant 0 : i32
    %scan3A_5 = arith.constant 40 : i32
    %scan3A_6 = arith.addi %scan3A, %scan3A_5 : i32
    %scan3A_7 = arith.constant 1 : i32
    scf.for %scan3A_10 = %scan3A to %scan3A_6 step %scan3A_7  : i32 {
      %mul3A_11 = arith.constant 128 : i32
      %mul3A_12 = arith.muli %scan3A_10, %mul3A_11 : i32
      %add3A_13 = arith.addi %mul3A_4, %mul3A_12 : i32
      "tpu.region"() ({
        %run_scoped3A = tpu.sem_alloc : memref<!tpu.dma_semaphore, #tpu.memory_space<semaphore_mem>>
        %dma_start3A_18 = tpu.memref_slice %arg3[%add3A_13] : memref<163840xi32, #tpu.memory_space<hbm>> -> memref<128xi32, #tpu.memory_space<hbm>>
        %dma_start3A_19 = tpu.memref_slice %arg3[%add3A_13] : memref<163840xi32, #tpu.memory_space<hbm>> -> memref<128xi32, #tpu.memory_space<hbm>>
        tpu.enqueue_dma source(%dma_start3A_19 : memref<128xi32, #tpu.memory_space<hbm>>) target(%arg7 : memref<128xi32, #tpu.memory_space<vmem>>) target_semaphore(%run_scoped3A : memref<!tpu.dma_semaphore, #tpu.memory_space<semaphore_mem>>)
        %dma_wait3A_20 = tpu.memref_slice %arg3[%add3A_13] : memref<163840xi32, #tpu.memory_space<hbm>> -> memref<128xi32, #tpu.memory_space<hbm>>
        %dma_wait3A_21 = tpu.memref_slice %arg3[%add3A_13] : memref<163840xi32, #tpu.memory_space<hbm>> -> memref<128xi32, #tpu.memory_space<hbm>>
        tpu.wait_dma2 semaphore(%run_scoped3A : memref<!tpu.dma_semaphore, #tpu.memory_space<semaphore_mem>>) src(%dma_wait3A_21 : memref<128xi32, #tpu.memory_space<hbm>>) dst(%arg7 : memref<128xi32, #tpu.memory_space<vmem>>)
        tpu.yield
      }) : () -> ()
      "tpu.region"() ({
        %run_scoped3A = tpu.sem_alloc : memref<!tpu.dma_semaphore, #tpu.memory_space<semaphore_mem>>
        %dma_start3A_18 = tpu.memref_slice %arg4[%add3A_13] : memref<163840xi32, #tpu.memory_space<hbm>> -> memref<128xi32, #tpu.memory_space<hbm>>
        %dma_start3A_19 = tpu.memref_slice %arg4[%add3A_13] : memref<163840xi32, #tpu.memory_space<hbm>> -> memref<128xi32, #tpu.memory_space<hbm>>
        tpu.enqueue_dma source(%dma_start3A_19 : memref<128xi32, #tpu.memory_space<hbm>>) target(%arg8 : memref<128xi32, #tpu.memory_space<vmem>>) target_semaphore(%run_scoped3A : memref<!tpu.dma_semaphore, #tpu.memory_space<semaphore_mem>>)
        %dma_wait3A_20 = tpu.memref_slice %arg4[%add3A_13] : memref<163840xi32, #tpu.memory_space<hbm>> -> memref<128xi32, #tpu.memory_space<hbm>>
        %dma_wait3A_21 = tpu.memref_slice %arg4[%add3A_13] : memref<163840xi32, #tpu.memory_space<hbm>> -> memref<128xi32, #tpu.memory_space<hbm>>
        tpu.wait_dma2 semaphore(%run_scoped3A : memref<!tpu.dma_semaphore, #tpu.memory_space<semaphore_mem>>) src(%dma_wait3A_21 : memref<128xi32, #tpu.memory_space<hbm>>) dst(%arg8 : memref<128xi32, #tpu.memory_space<vmem>>)
        tpu.yield
      }) : () -> ()
      %dma_start3A = arith.constant 0 : i32
      %dma_start3A_14 = arith.constant 0 : i32
      %dma_start3A_15 = tpu.memref_slice %arg2[%dma_start3A, %dma_start3A_14] : memref<10000x128xf32, #tpu.memory_space<hbm>> -> memref<10000x128xf32, #tpu.memory_space<hbm>>
      tpu.enqueue_indirect_dma source(%dma_start3A_15 : memref<10000x128xf32, #tpu.memory_space<hbm>>) target(%arg9 : memref<128x128xf32, #tpu.memory_space<vmem>>) offsets(%arg7 : memref<128xi32, #tpu.memory_space<vmem>>) semaphore(%arg11 : memref<!tpu.dma_semaphore, #tpu.memory_space<semaphore_mem>>)
      %dma_wait3A = arith.constant 0 : i32
      %dma_wait3A_16 = arith.constant 0 : i32
      %dma_wait3A_17 = tpu.memref_slice %arg2[%dma_wait3A, %dma_wait3A_16] : memref<10000x128xf32, #tpu.memory_space<hbm>> -> memref<10000x128xf32, #tpu.memory_space<hbm>>
      tpu.wait_indirect_dma semaphore(%arg11 : memref<!tpu.dma_semaphore, #tpu.memory_space<semaphore_mem>>) src(%dma_wait3A_17 : memref<10000x128xf32, #tpu.memory_space<hbm>>) dst(%arg9 : memref<128x128xf32, #tpu.memory_space<vmem>>)
      "tpu.region"() ({
        %run_scoped3A = tpu.sem_alloc : memref<!tpu.dma_semaphore, #tpu.memory_space<semaphore_mem>>
        %dma_start3A_18 = arith.constant 0 : i32
        %dma_start3A_19 = arith.constant 0 : i32
        %dma_start3A_20 = tpu.memref_slice %arg10[%dma_start3A_18, %dma_start3A_19] : memref<10008x128xf32, #tpu.memory_space<vmem_shared>> -> memref<10008x128xf32, #tpu.memory_space<vmem_shared>>
        tpu.enqueue_indirect_dma source(%arg9 : memref<128x128xf32, #tpu.memory_space<vmem>>) target(%dma_start3A_20 : memref<10008x128xf32, #tpu.memory_space<vmem_shared>>) offsets(%arg8 : memref<128xi32, #tpu.memory_space<vmem>>) semaphore(%run_scoped3A : memref<!tpu.dma_semaphore, #tpu.memory_space<semaphore_mem>>) {add = true}
        %dma_wait3A_21 = arith.constant 0 : i32
        %dma_wait3A_22 = arith.constant 0 : i32
        %dma_wait3A_23 = tpu.memref_slice %arg10[%dma_wait3A_21, %dma_wait3A_22] : memref<10008x128xf32, #tpu.memory_space<vmem_shared>> -> memref<10008x128xf32, #tpu.memory_space<vmem_shared>>
        tpu.wait_indirect_dma semaphore(%run_scoped3A : memref<!tpu.dma_semaphore, #tpu.memory_space<semaphore_mem>>) src(%arg9 : memref<128x128xf32, #tpu.memory_space<vmem>>) dst(%dma_wait3A_23 : memref<10008x128xf32, #tpu.memory_space<vmem_shared>>)
        tpu.yield
      }) : () -> ()
    }
    %scan3A_8 = arith.constant 40 : i32
    %barrier3A_9 = arith.constant 0 : index
    tpu.barrier barrier_id(%barrier3A_9)
    "tpu.region"() ({
      %run_scoped3A = tpu.sem_alloc : memref<!tpu.dma_semaphore, #tpu.memory_space<semaphore_mem>>
      %dma_start3A = arith.constant 0 : i32
      %dma_start3A_10 = tpu.memref_slice %arg6[%arg0, %mul3A_2, %dma_start3A] : memref<2x10000x128xf32, #tpu.memory_space<hbm>> -> memref<1x640x128xf32, #tpu.memory_space<hbm>>
      %dma_start3A_11 = tpu.memref_squeeze %dma_start3A_10 : memref<1x640x128xf32, #tpu.memory_space<hbm>> -> memref<640x128xf32, #tpu.memory_space<hbm>>
      %dma_start3A_12 = arith.constant 0 : i32
      %dma_start3A_13 = tpu.memref_slice %arg10[%mul3A_2, %dma_start3A_12] : memref<10008x128xf32, #tpu.memory_space<vmem_shared>> -> memref<640x128xf32, #tpu.memory_space<vmem_shared>>
      tpu.enqueue_dma source(%dma_start3A_13 : memref<640x128xf32, #tpu.memory_space<vmem_shared>>) target(%dma_start3A_11 : memref<640x128xf32, #tpu.memory_space<hbm>>) target_semaphore(%run_scoped3A : memref<!tpu.dma_semaphore, #tpu.memory_space<semaphore_mem>>)
      %dma_wait3A = arith.constant 0 : i32
      %dma_wait3A_14 = tpu.memref_slice %arg6[%arg0, %mul3A_2, %dma_wait3A] : memref<2x10000x128xf32, #tpu.memory_space<hbm>> -> memref<1x640x128xf32, #tpu.memory_space<hbm>>
      %dma_wait3A_15 = tpu.memref_squeeze %dma_wait3A_14 : memref<1x640x128xf32, #tpu.memory_space<hbm>> -> memref<640x128xf32, #tpu.memory_space<hbm>>
      %dma_wait3A_16 = arith.constant 0 : i32
      %dma_wait3A_17 = tpu.memref_slice %arg10[%mul3A_2, %dma_wait3A_16] : memref<10008x128xf32, #tpu.memory_space<vmem_shared>> -> memref<640x128xf32, #tpu.memory_space<vmem_shared>>
      tpu.wait_dma2 semaphore(%run_scoped3A : memref<!tpu.dma_semaphore, #tpu.memory_space<semaphore_mem>>) src(%dma_wait3A_17 : memref<640x128xf32, #tpu.memory_space<vmem_shared>>) dst(%dma_wait3A_15 : memref<640x128xf32, #tpu.memory_space<hbm>>)
      tpu.yield
    }) : () -> ()
    return
  }
}

#map = affine_map<(d0, d1) -> (0, 0)>
#map1 = affine_map<(d0, d1) -> (0)>
#map2 = affine_map<(d0, d1) -> (0, 0, 0)>
module attributes {stable_mosaic.version = 14 : i64} {
  func.func @agg(%arg0: i32, %arg1: i32, %arg2: memref<10000x128xf32, #tpu.memory_space<hbm>>, %arg3: memref<163840xi32, #tpu.memory_space<hbm>>, %arg4: memref<163840xi32, #tpu.memory_space<hbm>>, %arg5: memref<10000x128xf32, #tpu.memory_space<hbm>>, %arg6: memref<2x10000x128xf32, #tpu.memory_space<hbm>>, %arg7: memref<128xi32, #tpu.memory_space<vmem>>, %arg8: memref<128xi32, #tpu.memory_space<vmem>>, %arg9: memref<128x128xf32, #tpu.memory_space<vmem>>, %arg10: memref<10008x128xf32, #tpu.memory_space<vmem_shared>>, %arg11: memref<!tpu.dma_semaphore, #tpu.memory_space<semaphore_mem>>) attributes {dimension_semantics = [#tpu.dimension_semantics<core_parallel>, #tpu.dimension_semantics<subcore_parallel>], iteration_bounds = array<i64: 2, 16>, scalar_prefetch = 0 : i64, scratch_operands = 5 : i64, tpu.core_type = #tpu.core_type<sc_vector_subcore>, window_params = [{transform_indices = #map}, {transform_indices = #map1}, {transform_indices = #map1}, {transform_indices = #map}, {transform_indices = #map2}]} {
    %mul3A = arith.constant 16 : i32
    %mul3A_0 = arith.muli %arg0, %mul3A : i32
    %add3A = arith.addi %mul3A_0, %arg1 : i32
    %mul3A_1 = arith.constant 624 : i32
    %mul3A_2 = arith.muli %arg1, %mul3A_1 : i32
    "tpu.region"() ({
      %run_scoped3A = tpu.sem_alloc : memref<!tpu.dma_semaphore, #tpu.memory_space<semaphore_mem>>
      %dma_start3A = arith.constant 0 : i32
      %dma_start3A_10 = tpu.memref_slice %arg10[%mul3A_2, %dma_start3A] : memref<10008x128xf32, #tpu.memory_space<vmem_shared>> -> memref<640x128xf32, #tpu.memory_space<vmem_shared>>
      %dma_start3A_11 = arith.constant 0 : i32
      %dma_start3A_12 = tpu.memref_slice %arg5[%mul3A_2, %dma_start3A_11] : memref<10000x128xf32, #tpu.memory_space<hbm>> -> memref<640x128xf32, #tpu.memory_space<hbm>>
      tpu.enqueue_dma source(%dma_start3A_12 : memref<640x128xf32, #tpu.memory_space<hbm>>) target(%dma_start3A_10 : memref<640x128xf32, #tpu.memory_space<vmem_shared>>) target_semaphore(%run_scoped3A : memref<!tpu.dma_semaphore, #tpu.memory_space<semaphore_mem>>)
      %dma_wait3A = arith.constant 0 : i32
      %dma_wait3A_13 = tpu.memref_slice %arg10[%mul3A_2, %dma_wait3A] : memref<10008x128xf32, #tpu.memory_space<vmem_shared>> -> memref<640x128xf32, #tpu.memory_space<vmem_shared>>
      %dma_wait3A_14 = arith.constant 0 : i32
      %dma_wait3A_15 = tpu.memref_slice %arg5[%mul3A_2, %dma_wait3A_14] : memref<10000x128xf32, #tpu.memory_space<hbm>> -> memref<640x128xf32, #tpu.memory_space<hbm>>
      tpu.wait_dma2 semaphore(%run_scoped3A : memref<!tpu.dma_semaphore, #tpu.memory_space<semaphore_mem>>) src(%dma_wait3A_15 : memref<640x128xf32, #tpu.memory_space<hbm>>) dst(%dma_wait3A_13 : memref<640x128xf32, #tpu.memory_space<vmem_shared>>)
      tpu.yield
    }) : () -> ()
    %barrier3A = arith.constant 0 : index
    tpu.barrier barrier_id(%barrier3A)
    %mul3A_3 = arith.constant 5120 : i32
    %mul3A_4 = arith.muli %add3A, %mul3A_3 : i32
    %scan3A = arith.constant 0 : i32
    %scan3A_5 = arith.constant 40 : i32
    %scan3A_6 = arith.addi %scan3A, %scan3A_5 : i32
    %scan3A_7 = arith.constant 1 : i32
    scf.for %scan3A_10 = %scan3A to %scan3A_6 step %scan3A_7  : i32 {
      %mul3A_11 = arith.constant 128 : i32
      %mul3A_12 = arith.muli %scan3A_10, %mul3A_11 : i32
      %add3A_13 = arith.addi %mul3A_4, %mul3A_12 : i32
      "tpu.region"() ({
        %run_scoped3A = tpu.sem_alloc : memref<!tpu.dma_semaphore, #tpu.memory_space<semaphore_mem>>
        %dma_start3A_18 = tpu.memref_slice %arg3[%add3A_13] : memref<163840xi32, #tpu.memory_space<hbm>> -> memref<128xi32, #tpu.memory_space<hbm>>
        %dma_start3A_19 = tpu.memref_slice %arg3[%add3A_13] : memref<163840xi32, #tpu.memory_space<hbm>> -> memref<128xi32, #tpu.memory_space<hbm>>
        tpu.enqueue_dma source(%dma_start3A_19 : memref<128xi32, #tpu.memory_space<hbm>>) target(%arg7 : memref<128xi32, #tpu.memory_space<vmem>>) target_semaphore(%run_scoped3A : memref<!tpu.dma_semaphore, #tpu.memory_space<semaphore_mem>>)
        %dma_wait3A_20 = tpu.memref_slice %arg3[%add3A_13] : memref<163840xi32, #tpu.memory_space<hbm>> -> memref<128xi32, #tpu.memory_space<hbm>>
        %dma_wait3A_21 = tpu.memref_slice %arg3[%add3A_13] : memref<163840xi32, #tpu.memory_space<hbm>> -> memref<128xi32, #tpu.memory_space<hbm>>
        tpu.wait_dma2 semaphore(%run_scoped3A : memref<!tpu.dma_semaphore, #tpu.memory_space<semaphore_mem>>) src(%dma_wait3A_21 : memref<128xi32, #tpu.memory_space<hbm>>) dst(%arg7 : memref<128xi32, #tpu.memory_space<vmem>>)
        tpu.yield
      }) : () -> ()
      "tpu.region"() ({
        %run_scoped3A = tpu.sem_alloc : memref<!tpu.dma_semaphore, #tpu.memory_space<semaphore_mem>>
        %dma_start3A_18 = tpu.memref_slice %arg4[%add3A_13] : memref<163840xi32, #tpu.memory_space<hbm>> -> memref<128xi32, #tpu.memory_space<hbm>>
        %dma_start3A_19 = tpu.memref_slice %arg4[%add3A_13] : memref<163840xi32, #tpu.memory_space<hbm>> -> memref<128xi32, #tpu.memory_space<hbm>>
        tpu.enqueue_dma source(%dma_start3A_19 : memref<128xi32, #tpu.memory_space<hbm>>) target(%arg8 : memref<128xi32, #tpu.memory_space<vmem>>) target_semaphore(%run_scoped3A : memref<!tpu.dma_semaphore, #tpu.memory_space<semaphore_mem>>)
        %dma_wait3A_20 = tpu.memref_slice %arg4[%add3A_13] : memref<163840xi32, #tpu.memory_space<hbm>> -> memref<128xi32, #tpu.memory_space<hbm>>
        %dma_wait3A_21 = tpu.memref_slice %arg4[%add3A_13] : memref<163840xi32, #tpu.memory_space<hbm>> -> memref<128xi32, #tpu.memory_space<hbm>>
        tpu.wait_dma2 semaphore(%run_scoped3A : memref<!tpu.dma_semaphore, #tpu.memory_space<semaphore_mem>>) src(%dma_wait3A_21 : memref<128xi32, #tpu.memory_space<hbm>>) dst(%arg8 : memref<128xi32, #tpu.memory_space<vmem>>)
        tpu.yield
      }) : () -> ()
      %dma_start3A = arith.constant 0 : i32
      %dma_start3A_14 = arith.constant 0 : i32
      %dma_start3A_15 = tpu.memref_slice %arg2[%dma_start3A, %dma_start3A_14] : memref<10000x128xf32, #tpu.memory_space<hbm>> -> memref<10000x128xf32, #tpu.memory_space<hbm>>
      tpu.enqueue_indirect_dma source(%dma_start3A_15 : memref<10000x128xf32, #tpu.memory_space<hbm>>) target(%arg9 : memref<128x128xf32, #tpu.memory_space<vmem>>) offsets(%arg7 : memref<128xi32, #tpu.memory_space<vmem>>) semaphore(%arg11 : memref<!tpu.dma_semaphore, #tpu.memory_space<semaphore_mem>>)
      %dma_wait3A = arith.constant 0 : i32
      %dma_wait3A_16 = arith.constant 0 : i32
      %dma_wait3A_17 = tpu.memref_slice %arg2[%dma_wait3A, %dma_wait3A_16] : memref<10000x128xf32, #tpu.memory_space<hbm>> -> memref<10000x128xf32, #tpu.memory_space<hbm>>
      tpu.wait_indirect_dma semaphore(%arg11 : memref<!tpu.dma_semaphore, #tpu.memory_space<semaphore_mem>>) src(%dma_wait3A_17 : memref<10000x128xf32, #tpu.memory_space<hbm>>) dst(%arg9 : memref<128x128xf32, #tpu.memory_space<vmem>>)
      "tpu.region"() ({
        %run_scoped3A = tpu.sem_alloc : memref<!tpu.dma_semaphore, #tpu.memory_space<semaphore_mem>>
        %dma_start3A_18 = arith.constant 0 : i32
        %dma_start3A_19 = arith.constant 0 : i32
        %dma_start3A_20 = tpu.memref_slice %arg10[%dma_start3A_18, %dma_start3A_19] : memref<10008x128xf32, #tpu.memory_space<vmem_shared>> -> memref<10008x128xf32, #tpu.memory_space<vmem_shared>>
        tpu.enqueue_indirect_dma source(%arg9 : memref<128x128xf32, #tpu.memory_space<vmem>>) target(%dma_start3A_20 : memref<10008x128xf32, #tpu.memory_space<vmem_shared>>) offsets(%arg8 : memref<128xi32, #tpu.memory_space<vmem>>) semaphore(%run_scoped3A : memref<!tpu.dma_semaphore, #tpu.memory_space<semaphore_mem>>) {add = true}
        %dma_wait3A_21 = arith.constant 0 : i32
        %dma_wait3A_22 = arith.constant 0 : i32
        %dma_wait3A_23 = tpu.memref_slice %arg10[%dma_wait3A_21, %dma_wait3A_22] : memref<10008x128xf32, #tpu.memory_space<vmem_shared>> -> memref<10008x128xf32, #tpu.memory_space<vmem_shared>>
        tpu.wait_indirect_dma semaphore(%run_scoped3A : memref<!tpu.dma_semaphore, #tpu.memory_space<semaphore_mem>>) src(%arg9 : memref<128x128xf32, #tpu.memory_space<vmem>>) dst(%dma_wait3A_23 : memref<10008x128xf32, #tpu.memory_space<vmem_shared>>)
        tpu.yield
      }) : () -> ()
    }
    %scan3A_8 = arith.constant 40 : i32
    %barrier3A_9 = arith.constant 0 : index
    tpu.barrier barrier_id(%barrier3A_9)
    "tpu.region"() ({
      %run_scoped3A = tpu.sem_alloc : memref<!tpu.dma_semaphore, #tpu.memory_space<semaphore_mem>>
      %dma_start3A = arith.constant 0 : i32
      %dma_start3A_10 = tpu.memref_slice %arg6[%arg0, %mul3A_2, %dma_start3A] : memref<2x10000x128xf32, #tpu.memory_space<hbm>> -> memref<1x640x128xf32, #tpu.memory_space<hbm>>
      %dma_start3A_11 = tpu.memref_squeeze %dma_start3A_10 : memref<1x640x128xf32, #tpu.memory_space<hbm>> -> memref<640x128xf32, #tpu.memory_space<hbm>>
      %dma_start3A_12 = arith.constant 0 : i32
      %dma_start3A_13 = tpu.memref_slice %arg10[%mul3A_2, %dma_start3A_12] : memref<10008x128xf32, #tpu.memory_space<vmem_shared>> -> memref<640x128xf32, #tpu.memory_space<vmem_shared>>
      tpu.enqueue_dma source(%dma_start3A_13 : memref<640x128xf32, #tpu.memory_space<vmem_shared>>) target(%dma_start3A_11 : memref<640x128xf32, #tpu.memory_space<hbm>>) target_semaphore(%run_scoped3A : memref<!tpu.dma_semaphore, #tpu.memory_space<semaphore_mem>>)
      %dma_wait3A = arith.constant 0 : i32
      %dma_wait3A_14 = tpu.memref_slice %arg6[%arg0, %mul3A_2, %dma_wait3A] : memref<2x10000x128xf32, #tpu.memory_space<hbm>> -> memref<1x640x128xf32, #tpu.memory_space<hbm>>
      %dma_wait3A_15 = tpu.memref_squeeze %dma_wait3A_14 : memref<1x640x128xf32, #tpu.memory_space<hbm>> -> memref<640x128xf32, #tpu.memory_space<hbm>>
      %dma_wait3A_16 = arith.constant 0 : i32
      %dma_wait3A_17 = tpu.memref_slice %arg10[%mul3A_2, %dma_wait3A_16] : memref<10008x128xf32, #tpu.memory_space<vmem_shared>> -> memref<640x128xf32, #tpu.memory_space<vmem_shared>>
      tpu.wait_dma2 semaphore(%run_scoped3A : memref<!tpu.dma_semaphore, #tpu.memory_space<semaphore_mem>>) src(%dma_wait3A_17 : memref<640x128xf32, #tpu.memory_space<vmem_shared>>) dst(%dma_wait3A_15 : memref<640x128xf32, #tpu.memory_space<hbm>>)
      tpu.yield
    }) : () -> ()
    return
  }
}

#map = affine_map<(d0, d1) -> (0, 0)>
#map1 = affine_map<(d0, d1) -> (0)>
#map2 = affine_map<(d0, d1) -> (0, 0, 0)>
module attributes {stable_mosaic.version = 14 : i64} {
  func.func @agg(%arg0: i32, %arg1: i32, %arg2: memref<10000x128xf32, #tpu.memory_space<hbm>>, %arg3: memref<163840xi32, #tpu.memory_space<hbm>>, %arg4: memref<163840xi32, #tpu.memory_space<hbm>>, %arg5: memref<10000x128xf32, #tpu.memory_space<hbm>>, %arg6: memref<2x10000x128xf32, #tpu.memory_space<hbm>>, %arg7: memref<128xi32, #tpu.memory_space<vmem>>, %arg8: memref<128xi32, #tpu.memory_space<vmem>>, %arg9: memref<128x128xf32, #tpu.memory_space<vmem>>, %arg10: memref<10008x128xf32, #tpu.memory_space<vmem_shared>>, %arg11: memref<!tpu.dma_semaphore, #tpu.memory_space<semaphore_mem>>) attributes {dimension_semantics = [#tpu.dimension_semantics<core_parallel>, #tpu.dimension_semantics<subcore_parallel>], iteration_bounds = array<i64: 2, 16>, scalar_prefetch = 0 : i64, scratch_operands = 5 : i64, tpu.core_type = #tpu.core_type<sc_vector_subcore>, window_params = [{transform_indices = #map}, {transform_indices = #map1}, {transform_indices = #map1}, {transform_indices = #map}, {transform_indices = #map2}]} {
    %mul3A = arith.constant 16 : i32
    %mul3A_0 = arith.muli %arg0, %mul3A : i32
    %add3A = arith.addi %mul3A_0, %arg1 : i32
    %mul3A_1 = arith.constant 624 : i32
    %mul3A_2 = arith.muli %arg1, %mul3A_1 : i32
    "tpu.region"() ({
      %run_scoped3A = tpu.sem_alloc : memref<!tpu.dma_semaphore, #tpu.memory_space<semaphore_mem>>
      %dma_start3A = arith.constant 0 : i32
      %dma_start3A_10 = tpu.memref_slice %arg10[%mul3A_2, %dma_start3A] : memref<10008x128xf32, #tpu.memory_space<vmem_shared>> -> memref<640x128xf32, #tpu.memory_space<vmem_shared>>
      %dma_start3A_11 = arith.constant 0 : i32
      %dma_start3A_12 = tpu.memref_slice %arg5[%mul3A_2, %dma_start3A_11] : memref<10000x128xf32, #tpu.memory_space<hbm>> -> memref<640x128xf32, #tpu.memory_space<hbm>>
      tpu.enqueue_dma source(%dma_start3A_12 : memref<640x128xf32, #tpu.memory_space<hbm>>) target(%dma_start3A_10 : memref<640x128xf32, #tpu.memory_space<vmem_shared>>) target_semaphore(%run_scoped3A : memref<!tpu.dma_semaphore, #tpu.memory_space<semaphore_mem>>)
      %dma_wait3A = arith.constant 0 : i32
      %dma_wait3A_13 = tpu.memref_slice %arg10[%mul3A_2, %dma_wait3A] : memref<10008x128xf32, #tpu.memory_space<vmem_shared>> -> memref<640x128xf32, #tpu.memory_space<vmem_shared>>
      %dma_wait3A_14 = arith.constant 0 : i32
      %dma_wait3A_15 = tpu.memref_slice %arg5[%mul3A_2, %dma_wait3A_14] : memref<10000x128xf32, #tpu.memory_space<hbm>> -> memref<640x128xf32, #tpu.memory_space<hbm>>
      tpu.wait_dma2 semaphore(%run_scoped3A : memref<!tpu.dma_semaphore, #tpu.memory_space<semaphore_mem>>) src(%dma_wait3A_15 : memref<640x128xf32, #tpu.memory_space<hbm>>) dst(%dma_wait3A_13 : memref<640x128xf32, #tpu.memory_space<vmem_shared>>)
      tpu.yield
    }) : () -> ()
    %barrier3A = arith.constant 0 : index
    tpu.barrier barrier_id(%barrier3A)
    %mul3A_3 = arith.constant 5120 : i32
    %mul3A_4 = arith.muli %add3A, %mul3A_3 : i32
    %scan3A = arith.constant 0 : i32
    %scan3A_5 = arith.constant 40 : i32
    %scan3A_6 = arith.addi %scan3A, %scan3A_5 : i32
    %scan3A_7 = arith.constant 1 : i32
    scf.for %scan3A_10 = %scan3A to %scan3A_6 step %scan3A_7  : i32 {
      %mul3A_11 = arith.constant 128 : i32
      %mul3A_12 = arith.muli %scan3A_10, %mul3A_11 : i32
      %add3A_13 = arith.addi %mul3A_4, %mul3A_12 : i32
      "tpu.region"() ({
        %run_scoped3A = tpu.sem_alloc : memref<!tpu.dma_semaphore, #tpu.memory_space<semaphore_mem>>
        %dma_start3A_18 = tpu.memref_slice %arg3[%add3A_13] : memref<163840xi32, #tpu.memory_space<hbm>> -> memref<128xi32, #tpu.memory_space<hbm>>
        %dma_start3A_19 = tpu.memref_slice %arg3[%add3A_13] : memref<163840xi32, #tpu.memory_space<hbm>> -> memref<128xi32, #tpu.memory_space<hbm>>
        tpu.enqueue_dma source(%dma_start3A_19 : memref<128xi32, #tpu.memory_space<hbm>>) target(%arg7 : memref<128xi32, #tpu.memory_space<vmem>>) target_semaphore(%run_scoped3A : memref<!tpu.dma_semaphore, #tpu.memory_space<semaphore_mem>>)
        %dma_wait3A_20 = tpu.memref_slice %arg3[%add3A_13] : memref<163840xi32, #tpu.memory_space<hbm>> -> memref<128xi32, #tpu.memory_space<hbm>>
        %dma_wait3A_21 = tpu.memref_slice %arg3[%add3A_13] : memref<163840xi32, #tpu.memory_space<hbm>> -> memref<128xi32, #tpu.memory_space<hbm>>
        tpu.wait_dma2 semaphore(%run_scoped3A : memref<!tpu.dma_semaphore, #tpu.memory_space<semaphore_mem>>) src(%dma_wait3A_21 : memref<128xi32, #tpu.memory_space<hbm>>) dst(%arg7 : memref<128xi32, #tpu.memory_space<vmem>>)
        tpu.yield
      }) : () -> ()
      "tpu.region"() ({
        %run_scoped3A = tpu.sem_alloc : memref<!tpu.dma_semaphore, #tpu.memory_space<semaphore_mem>>
        %dma_start3A_18 = tpu.memref_slice %arg4[%add3A_13] : memref<163840xi32, #tpu.memory_space<hbm>> -> memref<128xi32, #tpu.memory_space<hbm>>
        %dma_start3A_19 = tpu.memref_slice %arg4[%add3A_13] : memref<163840xi32, #tpu.memory_space<hbm>> -> memref<128xi32, #tpu.memory_space<hbm>>
        tpu.enqueue_dma source(%dma_start3A_19 : memref<128xi32, #tpu.memory_space<hbm>>) target(%arg8 : memref<128xi32, #tpu.memory_space<vmem>>) target_semaphore(%run_scoped3A : memref<!tpu.dma_semaphore, #tpu.memory_space<semaphore_mem>>)
        %dma_wait3A_20 = tpu.memref_slice %arg4[%add3A_13] : memref<163840xi32, #tpu.memory_space<hbm>> -> memref<128xi32, #tpu.memory_space<hbm>>
        %dma_wait3A_21 = tpu.memref_slice %arg4[%add3A_13] : memref<163840xi32, #tpu.memory_space<hbm>> -> memref<128xi32, #tpu.memory_space<hbm>>
        tpu.wait_dma2 semaphore(%run_scoped3A : memref<!tpu.dma_semaphore, #tpu.memory_space<semaphore_mem>>) src(%dma_wait3A_21 : memref<128xi32, #tpu.memory_space<hbm>>) dst(%arg8 : memref<128xi32, #tpu.memory_space<vmem>>)
        tpu.yield
      }) : () -> ()
      %dma_start3A = arith.constant 0 : i32
      %dma_start3A_14 = arith.constant 0 : i32
      %dma_start3A_15 = tpu.memref_slice %arg2[%dma_start3A, %dma_start3A_14] : memref<10000x128xf32, #tpu.memory_space<hbm>> -> memref<10000x128xf32, #tpu.memory_space<hbm>>
      tpu.enqueue_indirect_dma source(%dma_start3A_15 : memref<10000x128xf32, #tpu.memory_space<hbm>>) target(%arg9 : memref<128x128xf32, #tpu.memory_space<vmem>>) offsets(%arg7 : memref<128xi32, #tpu.memory_space<vmem>>) semaphore(%arg11 : memref<!tpu.dma_semaphore, #tpu.memory_space<semaphore_mem>>)
      %dma_wait3A = arith.constant 0 : i32
      %dma_wait3A_16 = arith.constant 0 : i32
      %dma_wait3A_17 = tpu.memref_slice %arg2[%dma_wait3A, %dma_wait3A_16] : memref<10000x128xf32, #tpu.memory_space<hbm>> -> memref<10000x128xf32, #tpu.memory_space<hbm>>
      tpu.wait_indirect_dma semaphore(%arg11 : memref<!tpu.dma_semaphore, #tpu.memory_space<semaphore_mem>>) src(%dma_wait3A_17 : memref<10000x128xf32, #tpu.memory_space<hbm>>) dst(%arg9 : memref<128x128xf32, #tpu.memory_space<vmem>>)
      "tpu.region"() ({
        %run_scoped3A = tpu.sem_alloc : memref<!tpu.dma_semaphore, #tpu.memory_space<semaphore_mem>>
        %dma_start3A_18 = arith.constant 0 : i32
        %dma_start3A_19 = arith.constant 0 : i32
        %dma_start3A_20 = tpu.memref_slice %arg10[%dma_start3A_18, %dma_start3A_19] : memref<10008x128xf32, #tpu.memory_space<vmem_shared>> -> memref<10008x128xf32, #tpu.memory_space<vmem_shared>>
        tpu.enqueue_indirect_dma source(%arg9 : memref<128x128xf32, #tpu.memory_space<vmem>>) target(%dma_start3A_20 : memref<10008x128xf32, #tpu.memory_space<vmem_shared>>) offsets(%arg8 : memref<128xi32, #tpu.memory_space<vmem>>) semaphore(%run_scoped3A : memref<!tpu.dma_semaphore, #tpu.memory_space<semaphore_mem>>) {add = true}
        %dma_wait3A_21 = arith.constant 0 : i32
        %dma_wait3A_22 = arith.constant 0 : i32
        %dma_wait3A_23 = tpu.memref_slice %arg10[%dma_wait3A_21, %dma_wait3A_22] : memref<10008x128xf32, #tpu.memory_space<vmem_shared>> -> memref<10008x128xf32, #tpu.memory_space<vmem_shared>>
        tpu.wait_indirect_dma semaphore(%run_scoped3A : memref<!tpu.dma_semaphore, #tpu.memory_space<semaphore_mem>>) src(%arg9 : memref<128x128xf32, #tpu.memory_space<vmem>>) dst(%dma_wait3A_23 : memref<10008x128xf32, #tpu.memory_space<vmem_shared>>)
        tpu.yield
      }) : () -> ()
    }
    %scan3A_8 = arith.constant 40 : i32
    %barrier3A_9 = arith.constant 0 : index
    tpu.barrier barrier_id(%barrier3A_9)
    "tpu.region"() ({
      %run_scoped3A = tpu.sem_alloc : memref<!tpu.dma_semaphore, #tpu.memory_space<semaphore_mem>>
      %dma_start3A = arith.constant 0 : i32
      %dma_start3A_10 = tpu.memref_slice %arg6[%arg0, %mul3A_2, %dma_start3A] : memref<2x10000x128xf32, #tpu.memory_space<hbm>> -> memref<1x640x128xf32, #tpu.memory_space<hbm>>
      %dma_start3A_11 = tpu.memref_squeeze %dma_start3A_10 : memref<1x640x128xf32, #tpu.memory_space<hbm>> -> memref<640x128xf32, #tpu.memory_space<hbm>>
      %dma_start3A_12 = arith.constant 0 : i32
      %dma_start3A_13 = tpu.memref_slice %arg10[%mul3A_2, %dma_start3A_12] : memref<10008x128xf32, #tpu.memory_space<vmem_shared>> -> memref<640x128xf32, #tpu.memory_space<vmem_shared>>
      tpu.enqueue_dma source(%dma_start3A_13 : memref<640x128xf32, #tpu.memory_space<vmem_shared>>) target(%dma_start3A_11 : memref<640x128xf32, #tpu.memory_space<hbm>>) target_semaphore(%run_scoped3A : memref<!tpu.dma_semaphore, #tpu.memory_space<semaphore_mem>>)
      %dma_wait3A = arith.constant 0 : i32
      %dma_wait3A_14 = tpu.memref_slice %arg6[%arg0, %mul3A_2, %dma_wait3A] : memref<2x10000x128xf32, #tpu.memory_space<hbm>> -> memref<1x640x128xf32, #tpu.memory_space<hbm>>
      %dma_wait3A_15 = tpu.memref_squeeze %dma_wait3A_14 : memref<1x640x128xf32, #tpu.memory_space<hbm>> -> memref<640x128xf32, #tpu.memory_space<hbm>>
      %dma_wait3A_16 = arith.constant 0 : i32
      %dma_wait3A_17 = tpu.memref_slice %arg10[%mul3A_2, %dma_wait3A_16] : memref<10008x128xf32, #tpu.memory_space<vmem_shared>> -> memref<640x128xf32, #tpu.memory_space<vmem_shared>>
      tpu.wait_dma2 semaphore(%run_scoped3A : memref<!tpu.dma_semaphore, #tpu.memory_space<semaphore_mem>>) src(%dma_wait3A_17 : memref<640x128xf32, #tpu.memory_space<vmem_shared>>) dst(%dma_wait3A_15 : memref<640x128xf32, #tpu.memory_space<hbm>>)
      tpu.yield
    }) : () -> ()
    return
  }
}

module attributes {stable_mosaic.version = 14 : i64} {
  func.func @_proj_first_body(%arg0: memref<10000x128xf32, #tpu.memory_space<vmem>>, %arg1: memref<10000x128xf32, #tpu.memory_space<vmem>>, %arg2: memref<128x128xf32, #tpu.memory_space<vmem>>, %arg3: memref<128x128xf32, #tpu.memory_space<vmem>>, %arg4: memref<128x128xf32, #tpu.memory_space<vmem>>, %arg5: memref<10000x128xf32, #tpu.memory_space<vmem>>, %arg6: memref<10000x128xf32, #tpu.memory_space<vmem>>, %arg7: memref<10000x128xf32, #tpu.memory_space<vmem>>) attributes {dimension_semantics = [], scalar_prefetch = 0 : i64, scratch_operands = 0 : i64, tpu.core_type = #tpu.core_type<tc>} {
    %get3A = arith.constant 0 : index
    %get3A_0 = arith.constant 0 : index
    %get3A_1 = vector.load %arg0[%get3A, %get3A_0] : memref<10000x128xf32, #tpu.memory_space<vmem>>, vector<10000x128xf32>
    %get3A_2 = arith.constant 0 : index
    %get3A_3 = arith.constant 0 : index
    %get3A_4 = vector.load %arg1[%get3A_2, %get3A_3] : memref<10000x128xf32, #tpu.memory_space<vmem>>, vector<10000x128xf32>
    %get3A_5 = arith.constant 0 : index
    %get3A_6 = arith.constant 0 : index
    %get3A_7 = vector.load %arg2[%get3A_5, %get3A_6] : memref<128x128xf32, #tpu.memory_space<vmem>>, vector<128x128xf32>
    %dot_general3A = arith.constant dense<0.000000e+00> : vector<10000x128xf32>
    %dot_general3A_8 = tpu.matmul %get3A_1, %get3A_7, %dot_general3A {dimension_numbers = #tpu.dot_dimension_numbers<[1], [0], [0], [1], [0, 0, 1, 1], [], []>, transpose_lhs_hint = false} : vector<10000x128xf32>, vector<128x128xf32>, vector<10000x128xf32> -> vector<10000x128xf32>
    %swap3A = arith.constant 0 : index
    %swap3A_9 = arith.constant 0 : index
    %swap3A_10 = vector.load %arg5[%swap3A, %swap3A_9] : memref<10000x128xf32, #tpu.memory_space<vmem>>, vector<10000x128xf32>
    tpu.vector_store %arg5[%swap3A, %swap3A_9], %dot_general3A_8 {strides = array<i32>} : memref<10000x128xf32, #tpu.memory_space<vmem>>, vector<10000x128xf32>,
    %get3A_11 = arith.constant 0 : index
    %get3A_12 = arith.constant 0 : index
    %get3A_13 = vector.load %arg4[%get3A_11, %get3A_12] : memref<128x128xf32, #tpu.memory_space<vmem>>, vector<128x128xf32>
    %dot_general3A_14 = arith.constant dense<0.000000e+00> : vector<10000x128xf32>
    %dot_general3A_15 = tpu.matmul %get3A_1, %get3A_13, %dot_general3A_14 {dimension_numbers = #tpu.dot_dimension_numbers<[1], [0], [0], [1], [0, 0, 1, 1], [], []>, transpose_lhs_hint = false} : vector<10000x128xf32>, vector<128x128xf32>, vector<10000x128xf32> -> vector<10000x128xf32>
    %swap3A_16 = arith.constant 0 : index
    %swap3A_17 = arith.constant 0 : index
    %swap3A_18 = vector.load %arg7[%swap3A_16, %swap3A_17] : memref<10000x128xf32, #tpu.memory_space<vmem>>, vector<10000x128xf32>
    tpu.vector_store %arg7[%swap3A_16, %swap3A_17], %dot_general3A_15 {strides = array<i32>} : memref<10000x128xf32, #tpu.memory_space<vmem>>, vector<10000x128xf32>,
    %get3A_19 = arith.constant 0 : index
    %get3A_20 = arith.constant 0 : index
    %get3A_21 = vector.load %arg3[%get3A_19, %get3A_20] : memref<128x128xf32, #tpu.memory_space<vmem>>, vector<128x128xf32>
    %dot_general3A_22 = arith.constant dense<0.000000e+00> : vector<10000x128xf32>
    %dot_general3A_23 = tpu.matmul %get3A_4, %get3A_21, %dot_general3A_22 {dimension_numbers = #tpu.dot_dimension_numbers<[1], [0], [0], [1], [0, 0, 1, 1], [], []>, transpose_lhs_hint = false} : vector<10000x128xf32>, vector<128x128xf32>, vector<10000x128xf32> -> vector<10000x128xf32>
    %swap3A_24 = arith.constant 0 : index
    %swap3A_25 = arith.constant 0 : index
    %swap3A_26 = vector.load %arg6[%swap3A_24, %swap3A_25] : memref<10000x128xf32, #tpu.memory_space<vmem>>, vector<10000x128xf32>
    tpu.vector_store %arg6[%swap3A_24, %swap3A_25], %dot_general3A_23 {strides = array<i32>} : memref<10000x128xf32, #tpu.memory_space<vmem>>, vector<10000x128xf32>,
    return
  }
}

module attributes {stable_mosaic.version = 14 : i64} {
  func.func @_proj_mid_body(%arg0: memref<2x10000x128xf32, #tpu.memory_space<vmem>>, %arg1: memref<2x10000x128xf32, #tpu.memory_space<vmem>>, %arg2: memref<128x128xf32, #tpu.memory_space<vmem>>, %arg3: memref<128x128xf32, #tpu.memory_space<vmem>>, %arg4: memref<128x128xf32, #tpu.memory_space<vmem>>, %arg5: memref<10000x128xf32, #tpu.memory_space<vmem>>, %arg6: memref<10000x128xf32, #tpu.memory_space<vmem>>, %arg7: memref<10000x128xf32, #tpu.memory_space<vmem>>) attributes {dimension_semantics = [], scalar_prefetch = 0 : i64, scratch_operands = 0 : i64, tpu.core_type = #tpu.core_type<tc>} {
    %get3A = arith.constant 0 : index
    %get3A_0 = arith.constant 0 : index
    %get3A_1 = arith.constant 0 : index
    %get3A_2 = vector.load %arg0[%get3A, %get3A_0, %get3A_1] : memref<2x10000x128xf32, #tpu.memory_space<vmem>>, vector<1x10000x128xf32>
    %get3A_3 = vector.shape_cast %get3A_2 : vector<1x10000x128xf32> to vector<10000x128xf32>
    %get3A_4 = arith.constant 1 : index
    %get3A_5 = arith.constant 0 : index
    %get3A_6 = arith.constant 0 : index
    %get3A_7 = vector.load %arg0[%get3A_4, %get3A_5, %get3A_6] : memref<2x10000x128xf32, #tpu.memory_space<vmem>>, vector<1x10000x128xf32>
    %get3A_8 = vector.shape_cast %get3A_7 : vector<1x10000x128xf32> to vector<10000x128xf32>
    %add3A = arith.addf %get3A_3, %get3A_8 : vector<10000x128xf32>
    %max3A = arith.constant 0.000000e+00 : f32
    %max3A_9 = vector.broadcast %max3A : f32 to vector<10000x128xf32>
    %max3A_10 = arith.maximumf %add3A, %max3A_9 : vector<10000x128xf32>
    %get3A_11 = arith.constant 0 : index
    %get3A_12 = arith.constant 0 : index
    %get3A_13 = arith.constant 0 : index
    %get3A_14 = vector.load %arg1[%get3A_11, %get3A_12, %get3A_13] : memref<2x10000x128xf32, #tpu.memory_space<vmem>>, vector<1x10000x128xf32>
    %get3A_15 = vector.shape_cast %get3A_14 : vector<1x10000x128xf32> to vector<10000x128xf32>
    %get3A_16 = arith.constant 1 : index
    %get3A_17 = arith.constant 0 : index
    %get3A_18 = arith.constant 0 : index
    %get3A_19 = vector.load %arg1[%get3A_16, %get3A_17, %get3A_18] : memref<2x10000x128xf32, #tpu.memory_space<vmem>>, vector<1x10000x128xf32>
    %get3A_20 = vector.shape_cast %get3A_19 : vector<1x10000x128xf32> to vector<10000x128xf32>
    %add3A_21 = arith.addf %get3A_15, %get3A_20 : vector<10000x128xf32>
    %max3A_22 = arith.constant 0.000000e+00 : f32
    %max3A_23 = vector.broadcast %max3A_22 : f32 to vector<10000x128xf32>
    %max3A_24 = arith.maximumf %add3A_21, %max3A_23 : vector<10000x128xf32>
    %get3A_25 = arith.constant 0 : index
    %get3A_26 = arith.constant 0 : index
    %get3A_27 = vector.load %arg2[%get3A_25, %get3A_26] : memref<128x128xf32, #tpu.memory_space<vmem>>, vector<128x128xf32>
    %dot_general3A = arith.constant dense<0.000000e+00> : vector<10000x128xf32>
    %dot_general3A_28 = tpu.matmul %max3A_10, %get3A_27, %dot_general3A {dimension_numbers = #tpu.dot_dimension_numbers<[1], [0], [0], [1], [0, 0, 1, 1], [], []>, transpose_lhs_hint = false} : vector<10000x128xf32>, vector<128x128xf32>, vector<10000x128xf32> -> vector<10000x128xf32>
    %swap3A = arith.constant 0 : index
    %swap3A_29 = arith.constant 0 : index
    %swap3A_30 = vector.load %arg5[%swap3A, %swap3A_29] : memref<10000x128xf32, #tpu.memory_space<vmem>>, vector<10000x128xf32>
    tpu.vector_store %arg5[%swap3A, %swap3A_29], %dot_general3A_28 {strides = array<i32>} : memref<10000x128xf32, #tpu.memory_space<vmem>>, vector<10000x128xf32>,
    %get3A_31 = arith.constant 0 : index
    %get3A_32 = arith.constant 0 : index
    %get3A_33 = vector.load %arg4[%get3A_31, %get3A_32] : memref<128x128xf32, #tpu.memory_space<vmem>>, vector<128x128xf32>
    %dot_general3A_34 = arith.constant dense<0.000000e+00> : vector<10000x128xf32>
    %dot_general3A_35 = tpu.matmul %max3A_10, %get3A_33, %dot_general3A_34 {dimension_numbers = #tpu.dot_dimension_numbers<[1], [0], [0], [1], [0, 0, 1, 1], [], []>, transpose_lhs_hint = false} : vector<10000x128xf32>, vector<128x128xf32>, vector<10000x128xf32> -> vector<10000x128xf32>
    %swap3A_36 = arith.constant 0 : index
    %swap3A_37 = arith.constant 0 : index
    %swap3A_38 = vector.load %arg7[%swap3A_36, %swap3A_37] : memref<10000x128xf32, #tpu.memory_space<vmem>>, vector<10000x128xf32>
    tpu.vector_store %arg7[%swap3A_36, %swap3A_37], %dot_general3A_35 {strides = array<i32>} : memref<10000x128xf32, #tpu.memory_space<vmem>>, vector<10000x128xf32>,
    %get3A_39 = arith.constant 0 : index
    %get3A_40 = arith.constant 0 : index
    %get3A_41 = vector.load %arg3[%get3A_39, %get3A_40] : memref<128x128xf32, #tpu.memory_space<vmem>>, vector<128x128xf32>
    %dot_general3A_42 = arith.constant dense<0.000000e+00> : vector<10000x128xf32>
    %dot_general3A_43 = tpu.matmul %max3A_24, %get3A_41, %dot_general3A_42 {dimension_numbers = #tpu.dot_dimension_numbers<[1], [0], [0], [1], [0, 0, 1, 1], [], []>, transpose_lhs_hint = false} : vector<10000x128xf32>, vector<128x128xf32>, vector<10000x128xf32> -> vector<10000x128xf32>
    %swap3A_44 = arith.constant 0 : index
    %swap3A_45 = arith.constant 0 : index
    %swap3A_46 = vector.load %arg6[%swap3A_44, %swap3A_45] : memref<10000x128xf32, #tpu.memory_space<vmem>>, vector<10000x128xf32>
    tpu.vector_store %arg6[%swap3A_44, %swap3A_45], %dot_general3A_43 {strides = array<i32>} : memref<10000x128xf32, #tpu.memory_space<vmem>>, vector<10000x128xf32>,
    return
  }
}

module attributes {stable_mosaic.version = 14 : i64} {
  func.func @_combine_body(%arg0: memref<2x10000x128xf32, #tpu.memory_space<vmem>>, %arg1: memref<2x10000x128xf32, #tpu.memory_space<vmem>>, %arg2: memref<10000x128xf32, #tpu.memory_space<vmem>>, %arg3: memref<10000x128xf32, #tpu.memory_space<vmem>>) attributes {dimension_semantics = [], scalar_prefetch = 0 : i64, scratch_operands = 0 : i64, tpu.core_type = #tpu.core_type<tc>} {
    %get3A = arith.constant 0 : index
    %get3A_0 = arith.constant 0 : index
    %get3A_1 = arith.constant 0 : index
    %get3A_2 = vector.load %arg0[%get3A, %get3A_0, %get3A_1] : memref<2x10000x128xf32, #tpu.memory_space<vmem>>, vector<1x10000x128xf32>
    %get3A_3 = vector.shape_cast %get3A_2 : vector<1x10000x128xf32> to vector<10000x128xf32>
    %get3A_4 = arith.constant 1 : index
    %get3A_5 = arith.constant 0 : index
    %get3A_6 = arith.constant 0 : index
    %get3A_7 = vector.load %arg0[%get3A_4, %get3A_5, %get3A_6] : memref<2x10000x128xf32, #tpu.memory_space<vmem>>, vector<1x10000x128xf32>
    %get3A_8 = vector.shape_cast %get3A_7 : vector<1x10000x128xf32> to vector<10000x128xf32>
    %add3A = arith.addf %get3A_3, %get3A_8 : vector<10000x128xf32>
    %max3A = arith.constant 0.000000e+00 : f32
    %max3A_9 = vector.broadcast %max3A : f32 to vector<10000x128xf32>
    %max3A_10 = arith.maximumf %add3A, %max3A_9 : vector<10000x128xf32>
    %swap3A = arith.constant 0 : index
    %swap3A_11 = arith.constant 0 : index
    %swap3A_12 = vector.load %arg2[%swap3A, %swap3A_11] : memref<10000x128xf32, #tpu.memory_space<vmem>>, vector<10000x128xf32>
    tpu.vector_store %arg2[%swap3A, %swap3A_11], %max3A_10 {strides = array<i32>} : memref<10000x128xf32, #tpu.memory_space<vmem>>, vector<10000x128xf32>,
    %get3A_13 = arith.constant 0 : index
    %get3A_14 = arith.constant 0 : index
    %get3A_15 = arith.constant 0 : index
    %get3A_16 = vector.load %arg1[%get3A_13, %get3A_14, %get3A_15] : memref<2x10000x128xf32, #tpu.memory_space<vmem>>, vector<1x10000x128xf32>
    %get3A_17 = vector.shape_cast %get3A_16 : vector<1x10000x128xf32> to vector<10000x128xf32>
    %get3A_18 = arith.constant 1 : index
    %get3A_19 = arith.constant 0 : index
    %get3A_20 = arith.constant 0 : index
    %get3A_21 = vector.load %arg1[%get3A_18, %get3A_19, %get3A_20] : memref<2x10000x128xf32, #tpu.memory_space<vmem>>, vector<1x10000x128xf32>
    %get3A_22 = vector.shape_cast %get3A_21 : vector<1x10000x128xf32> to vector<10000x128xf32>
    %add3A_23 = arith.addf %get3A_17, %get3A_22 : vector<10000x128xf32>
    %max3A_24 = arith.constant 0.000000e+00 : f32
    %max3A_25 = vector.broadcast %max3A_24 : f32 to vector<10000x128xf32>
    %max3A_26 = arith.maximumf %add3A_23, %max3A_25 : vector<10000x128xf32>
    %swap3A_27 = arith.constant 0 : index
    %swap3A_28 = arith.constant 0 : index
    %swap3A_29 = vector.load %arg3[%swap3A_27, %swap3A_28] : memref<10000x128xf32, #tpu.memory_space<vmem>>, vector<10000x128xf32>
    tpu.vector_store %arg3[%swap3A_27, %swap3A_28], %max3A_26 {strides = array<i32>} : memref<10000x128xf32, #tpu.memory_space<vmem>>, vector<10000x128xf32>,
    return
  }
}

module attributes {stable_mosaic.version = 14 : i64} {
  func.func @_final_proj_body(%arg0: memref<2x10000x128xf32, #tpu.memory_space<vmem>>, %arg1: memref<2x10000x128xf32, #tpu.memory_space<vmem>>, %arg2: memref<2x10000x128xf32, #tpu.memory_space<vmem>>, %arg3: memref<128x16xf32, #tpu.memory_space<vmem>>, %arg4: memref<128x16xf32, #tpu.memory_space<vmem>>, %arg5: memref<128x16xf32, #tpu.memory_space<vmem>>, %arg6: memref<10000x16xf32, #tpu.memory_space<vmem>>, %arg7: memref<10000x16xf32, #tpu.memory_space<vmem>>) attributes {dimension_semantics = [], scalar_prefetch = 0 : i64, scratch_operands = 0 : i64, tpu.core_type = #tpu.core_type<tc>} {
    %get3A = arith.constant 0 : index
    %get3A_0 = arith.constant 0 : index
    %get3A_1 = arith.constant 0 : index
    %get3A_2 = vector.load %arg0[%get3A, %get3A_0, %get3A_1] : memref<2x10000x128xf32, #tpu.memory_space<vmem>>, vector<1x10000x128xf32>
    %get3A_3 = vector.shape_cast %get3A_2 : vector<1x10000x128xf32> to vector<10000x128xf32>
    %get3A_4 = arith.constant 1 : index
    %get3A_5 = arith.constant 0 : index
    %get3A_6 = arith.constant 0 : index
    %get3A_7 = vector.load %arg0[%get3A_4, %get3A_5, %get3A_6] : memref<2x10000x128xf32, #tpu.memory_space<vmem>>, vector<1x10000x128xf32>
    %get3A_8 = vector.shape_cast %get3A_7 : vector<1x10000x128xf32> to vector<10000x128xf32>
    %add3A = arith.addf %get3A_3, %get3A_8 : vector<10000x128xf32>
    %get3A_9 = arith.constant 0 : index
    %get3A_10 = arith.constant 0 : index
    %get3A_11 = vector.load %arg3[%get3A_9, %get3A_10] : memref<128x16xf32, #tpu.memory_space<vmem>>, vector<128x16xf32>
    %dot_general3A = arith.constant dense<0.000000e+00> : vector<10000x16xf32>
    %dot_general3A_12 = tpu.matmul %add3A, %get3A_11, %dot_general3A {dimension_numbers = #tpu.dot_dimension_numbers<[1], [0], [0], [1], [0, 0, 1, 1], [], []>, transpose_lhs_hint = false} : vector<10000x128xf32>, vector<128x16xf32>, vector<10000x16xf32> -> vector<10000x16xf32>
    %get3A_13 = arith.constant 0 : index
    %get3A_14 = arith.constant 0 : index
    %get3A_15 = arith.constant 0 : index
    %get3A_16 = vector.load %arg1[%get3A_13, %get3A_14, %get3A_15] : memref<2x10000x128xf32, #tpu.memory_space<vmem>>, vector<1x10000x128xf32>
    %get3A_17 = vector.shape_cast %get3A_16 : vector<1x10000x128xf32> to vector<10000x128xf32>
    %get3A_18 = arith.constant 1 : index
    %get3A_19 = arith.constant 0 : index
    %get3A_20 = arith.constant 0 : index
    %get3A_21 = vector.load %arg1[%get3A_18, %get3A_19, %get3A_20] : memref<2x10000x128xf32, #tpu.memory_space<vmem>>, vector<1x10000x128xf32>
    %get3A_22 = vector.shape_cast %get3A_21 : vector<1x10000x128xf32> to vector<10000x128xf32>
    %add3A_23 = arith.addf %get3A_17, %get3A_22 : vector<10000x128xf32>
    %get3A_24 = arith.constant 0 : index
    %get3A_25 = arith.constant 0 : index
    %get3A_26 = vector.load %arg4[%get3A_24, %get3A_25] : memref<128x16xf32, #tpu.memory_space<vmem>>, vector<128x16xf32>
    %dot_general3A_27 = arith.constant dense<0.000000e+00> : vector<10000x16xf32>
    %dot_general3A_28 = tpu.matmul %add3A_23, %get3A_26, %dot_general3A_27 {dimension_numbers = #tpu.dot_dimension_numbers<[1], [0], [0], [1], [0, 0, 1, 1], [], []>, transpose_lhs_hint = false} : vector<10000x128xf32>, vector<128x16xf32>, vector<10000x16xf32> -> vector<10000x16xf32>
    %add3A_29 = arith.addf %dot_general3A_12, %dot_general3A_28 : vector<10000x16xf32>
    %max3A = arith.constant 0.000000e+00 : f32
    %max3A_30 = vector.broadcast %max3A : f32 to vector<10000x16xf32>
    %max3A_31 = arith.maximumf %add3A_29, %max3A_30 : vector<10000x16xf32>
    %swap3A = arith.constant 0 : index
    %swap3A_32 = arith.constant 0 : index
    %swap3A_33 = vector.load %arg6[%swap3A, %swap3A_32] : memref<10000x16xf32, #tpu.memory_space<vmem>>, vector<10000x16xf32>
    tpu.vector_store %arg6[%swap3A, %swap3A_32], %max3A_31 {strides = array<i32>} : memref<10000x16xf32, #tpu.memory_space<vmem>>, vector<10000x16xf32>,
    %get3A_34 = arith.constant 0 : index
    %get3A_35 = arith.constant 0 : index
    %get3A_36 = arith.constant 0 : index
    %get3A_37 = vector.load %arg2[%get3A_34, %get3A_35, %get3A_36] : memref<2x10000x128xf32, #tpu.memory_space<vmem>>, vector<1x10000x128xf32>
    %get3A_38 = vector.shape_cast %get3A_37 : vector<1x10000x128xf32> to vector<10000x128xf32>
    %get3A_39 = arith.constant 1 : index
    %get3A_40 = arith.constant 0 : index
    %get3A_41 = arith.constant 0 : index
    %get3A_42 = vector.load %arg2[%get3A_39, %get3A_40, %get3A_41] : memref<2x10000x128xf32, #tpu.memory_space<vmem>>, vector<1x10000x128xf32>
    %get3A_43 = vector.shape_cast %get3A_42 : vector<1x10000x128xf32> to vector<10000x128xf32>
    %add3A_44 = arith.addf %get3A_38, %get3A_43 : vector<10000x128xf32>
    %get3A_45 = arith.constant 0 : index
    %get3A_46 = arith.constant 0 : index
    %get3A_47 = vector.load %arg5[%get3A_45, %get3A_46] : memref<128x16xf32, #tpu.memory_space<vmem>>, vector<128x16xf32>
    %dot_general3A_48 = arith.constant dense<0.000000e+00> : vector<10000x16xf32>
    %dot_general3A_49 = tpu.matmul %add3A_44, %get3A_47, %dot_general3A_48 {dimension_numbers = #tpu.dot_dimension_numbers<[1], [0], [0], [1], [0, 0, 1, 1], [], []>, transpose_lhs_hint = false} : vector<10000x128xf32>, vector<128x16xf32>, vector<10000x16xf32> -> vector<10000x16xf32>
    %max3A_50 = arith.constant 0.000000e+00 : f32
    %max3A_51 = vector.broadcast %max3A_50 : f32 to vector<10000x16xf32>
    %max3A_52 = arith.maximumf %dot_general3A_49, %max3A_51 : vector<10000x16xf32>
    %swap3A_53 = arith.constant 0 : index
    %swap3A_54 = arith.constant 0 : index
    %swap3A_55 = vector.load %arg7[%swap3A_53, %swap3A_54] : memref<10000x16xf32, #tpu.memory_space<vmem>>, vector<10000x16xf32>
    tpu.vector_store %arg7[%swap3A_53, %swap3A_54], %max3A_52 {strides = array<i32>} : memref<10000x16xf32, #tpu.memory_space<vmem>>, vector<10000x16xf32>,
    return
  }
}

</mosaic_0001>

<sc_bundles>
// kernel: kernel.13.cloned.1.call-start
scs
__scs_entry_jumppad:
0x0: {  	(pc) =	sbr.rel $0x88, $3  }
0x1: {  	(tag) =	ssettag $0x0;
	lr =	simm.s32 $0x1  }
0x2: {  	[smem:$0x3F93] =	sst lr;
	_ =	strace $0xD0000000  }
0x3: {  	_ = 	snop  }
0x4: {  	_ = 	snop  }
0x5: {  	_ = 	snop  }
0x6: {  	_ = 	snop  }
0x7: {  	_ = 	snop  }
__scs_overlays_trampoline_lowered:
0x8: {  	[smem:$0x3FA2] =	sst s0  }
0x9: {  	[smem:$0x3FA3] =	sst s1  }
0xa: {  	[smem:$0x3FA4] =	sst s2  }
0xb: {  	[smem:$0x3FA5] =	sst s3  }
0xc: {  	[smem:$0x3FA6] =	sst s4  }
0xd: {  	[smem:$0x3FA7] =	sst s5  }
0xe: {  	[smem:$0x3FA8] =	sst s6  }
0xf: {  	[smem:$0x3FA9] =	sst s7  }
0x10: {  	[smem:$0x3FAA] =	sst s8  }
0x11: {  	[smem:$0x3FAB] =	sst s9;
	s0 =	simm.s32 @!p0 $0x0  }
0x12: {  	s1 =	sld [smem:$0x3F91];
	s0 =	simm.s32 @p0 $0x1  }
0x13: {  	[smem:$0x3FAC] =	sst s0;
	s0 =	simm.s32 @!p1 $0x0  }
0x14: {  	s2 =	sld [smem:$0x3F90];
	s0 =	simm.s32 @p1 $0x1  }
0x15: {  	[smem:$0x3FAD] =	sst s0;
	s0 =	simm.s32 @!p2 $0x0  }
0x16: {  	s3 =	sld [smem:$0x3FDB];
	s0 =	simm.s32 @p2 $0x1  }
0x17: {  	s4 =	simm.s32 $0x1BF5;
	[smem:$0x3FAF] =	sst s0  }
0x18: {  	s0 =	sld [smem:$0x3F92];
	_ =	swait.ge [sflag:s4], $0x0  }
0x19: {  	s7 =	sld [smem:$0x3F93]  }
0x1a: {  	s8 =	sadd.s32 $0xFFFFE003, lr  }
0x1b: {  	s9 =	sadd.s32 $0xFFFFFEF7, lr;
	s5 =	simm.s32 $0xFFFFFFFF;
	p2 =	slt.u32 s8, $0xFFFFF086  }
0x1c: {  	p1 =	slt.u32 s9, $0xF7A;
	s5 =	simm.s32 @!p2 $0x0  }
0x1d: {  	s5 =	simm.s32 @p1 $0x1;
	p0 =	seq.s32 s7, s2  }
0x1e: {  	s7 =	smul.u32 @!p0 $0xF7A, s2;
	p2 =	seq.s32 @!p0 s5, $0x0  }
0x1f: {  	s9 =	smul.u32 $0xF7A, s1;
	s8 =	simm.s32 @!p0 $0x1BF5;
	p2 =	por !p2, p0  }
0x20: {  	[sflag:s8] =	ssyncset.s32 @!p0 $0xFFFFF086;
	s6 =	sadd.s32 @!p0 s3, s7;
	s7 =	simm.s32 @!p0 $0x108  }
0x21: {  	s3 =	sadd.s32 s3, s9;
	s6 =	sadd.s32 @!p0 $0x88, s6;
	s7 =	simm.s32 @p2 $0x1082  }
0x22: {  	[simem:s7], [sflag:s8] =	dma.local @!p0 [hbm:s6], $0xF7A  }
0x23: {  	s9 =	sor.u32 $0xD0000000, s2;
	s6 =	simm.s32 $0x108;
	_ =	swait.ge @!p0 [sflag:s8], $0x0  }
0x24: {  	s3 =	sadd.s32 $0x88, s3;
	s6 =	simm.s32 @!p1 $0x1082;
	[sflag:s4] =	ssyncset.s32 $0xFFFFF086  }
0x25: {  	[simem:s6], [sflag:s4] =	dma.local [hbm:s3], $0xF7A  }
0x26: {  	[smem:$0x3F93] =	sst s1;
	(tag) =	ssettag s2;
	_ =	strace s9  }
0x27: {  	s1 =	sld [smem:$0x3FA3]  }
0x28: {  	s2 =	sld [smem:$0x3FA4]  }
0x29: {  	s4 =	sld [smem:$0x3FA6]  }
0x2a: {  	p0 =	seq.s32 s5, $0x0;
	s5 =	sld [smem:$0x3FA7]  }
0x2b: {  	s6 =	sld [smem:$0x3FA8]  }
0x2c: {  	s7 =	sld [smem:$0x3FA9]  }
0x2d: {  	s3 =	simm.s32 $0x108;
	s8 =	sld [smem:$0x3FAA]  }
0x2e: {  	s3 =	simm.s32 @!p0 $0x1082;
	s9 =	sld [smem:$0x3FAB]  }
0x2f: {  	lr =	sadd.s32 s0, s3;
	s0 =	sld [smem:$0x3FA2]  }
0x30: {  	s3 =	sld [smem:$0x3FA5]  }
0x31: {  	[smem:$0x3FAE] =	sst s10  }
0x32: {  	s10 =	sld [smem:$0x3FAC];
	_ =	sdelay $0x3  }
0x33: {  	p0 =	seq.s32 s10, $0x1;
	s10 =	sld [smem:$0x3FAE];
	_ =	sdelay $0x3  }
0x34: {  	[smem:$0x3FAE] =	sst s10  }
0x35: {  	s10 =	sld [smem:$0x3FAD];
	_ =	sdelay $0x3  }
0x36: {  	p1 =	seq.s32 s10, $0x1;
	s10 =	sld [smem:$0x3FAE];
	_ =	sdelay $0x3  }
0x37: {  	[smem:$0x3FAE] =	sst s10  }
0x38: {  	s10 =	sld [smem:$0x3FAF]  }
0x39: {  	_ = 	snop;
	(pc) =	sbr.ind lr, $3  }
0x3a: {  	_ = 	snop  }
0x3b: {  	_ = 	snop  }
0x3c: {  	p2 =	seq.s32 s10, $0x1;
	s10 =	sld [smem:$0x3FAE]  }
0x3d: {  	_ =	shalt  }
0x3e: {  	_ =	shalt  }
0x3f: {  	_ =	shalt  }
0x40: {  	_ =	shalt  }
0x41: {  	_ =	shalt  }
0x42: {  	_ =	shalt  }
0x43: {  	_ =	shalt  }
0x44: {  	_ =	shalt  }
0x45: {  	_ =	shalt  }
0x46: {  	_ =	shalt  }
0x47: {  	_ =	shalt  }
0x48: {  	_ =	shalt  }
0x49: {  	_ =	shalt  }
0x4a: {  	_ =	shalt  }
0x4b: {  	_ =	shalt  }
0x4c: {  	_ =	shalt  }
0x4d: {  	_ =	shalt  }
0x4e: {  	_ =	shalt  }
0x4f: {  	_ =	shalt  }
0x50: {  	_ =	shalt  }
0x51: {  	_ =	shalt  }
0x52: {  	_ =	shalt  }
0x53: {  	_ =	shalt  }
0x54: {  	_ =	shalt  }
0x55: {  	_ =	shalt  }
0x56: {  	_ =	shalt  }
0x57: {  	_ =	shalt  }
0x58: {  	_ =	shalt  }
0x59: {  	_ =	shalt  }
0x5a: {  	_ =	shalt  }
0x5b: {  	_ =	shalt  }
0x5c: {  	_ =	shalt  }
0x5d: {  	_ =	shalt  }
0x5e: {  	_ =	shalt  }
0x5f: {  	_ =	shalt  }
0x60: {  	_ =	shalt  }
0x61: {  	_ =	shalt  }
0x62: {  	_ =	shalt  }
0x63: {  	_ =	shalt  }
0x64: {  	_ =	shalt  }
0x65: {  	_ =	shalt  }
0x66: {  	_ =	shalt  }
0x67: {  	_ =	shalt  }
0x68: {  	_ =	shalt  }
0x69: {  	_ =	shalt  }
0x6a: {  	_ =	shalt  }
0x6b: {  	_ =	shalt  }
0x6c: {  	_ =	shalt  }
0x6d: {  	_ =	shalt  }
0x6e: {  	_ =	shalt  }
0x6f: {  	_ =	shalt  }
0x70: {  	_ =	shalt  }
0x71: {  	_ =	shalt  }
0x72: {  	_ =	shalt  }
0x73: {  	_ =	shalt  }
0x74: {  	_ =	shalt  }
0x75: {  	_ =	shalt  }
0x76: {  	_ =	shalt  }
0x77: {  	_ =	shalt  }
0x78: {  	_ =	shalt  }
0x79: {  	_ =	shalt  }
0x7a: {  	_ =	shalt  }
0x7b: {  	_ =	shalt  }
0x7c: {  	_ =	shalt  }
0x7d: {  	_ =	shalt  }
0x7e: {  	_ =	shalt  }
0x7f: {  	_ =	shalt  }
0x80: {  	_ =	shalt  }
0x81: {  	_ =	shalt  }
0x82: {  	_ =	shalt  }
0x83: {  	_ =	shalt  }
0x84: {  	_ =	shalt  }
0x85: {  	_ =	shalt  }
0x86: {  	_ =	shalt  }
0x87: {  	_ =	shalt  }
.Lfunc_end0:
.L_simem_size_0:
called_computation_lowered:
.L_overlay_start_0:
0x88: {  	s2 =	sld [smem:$0x3FD9]  }
0x89: {  	s3 =	sld [smem:$0x3FFE];
	_ =	sdelay $0x1  }
0x8a: {  	s1 =	srdreg.scid  }
0x8b: {  	s0 =	sand.u32 $0x1, s1  }
0x8c: {  	s16 =	sshll.u32 s0, $0xA;
	s2 =	sadd.s32 s3, s2  }
0x8d: {  	s2 =	sadd.s32 s2, s16  }
0x8e: {  	[smem:$0x3FBA] =	sst s2  }
0x8f: {  	_ = 	snop  }
0x90: {  	(tm) =	ssettm $0x1  }
0x91: {  	s17 =	sld [smem:$0x3FFB];
	_ =	sdelay $0x3  }
0x92: {  	_ =	strace s17  }
0x93: {  	s2 =	sld [smem:$0x3FFC];
	_ =	sdelay $0x3  }
0x94: {  	_ =	strace s2  }
0x95: {  	s2 =	sld [smem:$0x3FFD];
	_ =	sdelay $0x3  }
0x96: {  	_ =	strace s2  }
0x97: {  	_ =	strace $0x8FFFFFFF  }
0x98: {  	s18 =	sld [smem:$0x3FDB];
	_ =	sdelay $0x1  }
0x99: {  	s19 =	simm.s32 $_scs_section_size  }
0x9a: {  	s4 =	simm.s32 $_size__tile_overlayer_lowered;
	s5 =	simm.s32 $_tile_overlayer_lowered  }
0x9b: {  	s22 =	simm.s32 $0x1BFF;
	s21 =	sshll.u32 s5, $0x1;
	s2 =	sadd.s32 s19, s18  }
0x9c: {  	s6 =	simm.s32 $0x0;
	s20 =	sshll.u32 s4, $0x1;
	s4 =	sadd.s32 s21, s2  }
0x9d: {  	[timem:s6], [sflag:s22] =	dma.local [hbm:s4], s20  }
0x9e: {  	_ =	swait.ge [sflag:s22], s20  }
0x9f: {  	s3 =	ssub.s32 $0x0, s20;
	[sflag:s22] =	ssyncset.done $0x0  }
0xa0: {  	[sflag:s22] =	ssyncadd.s32 s3;
	_ =	sdelay $0x1  }
0xa1: {  	s23 =	simm.s32 $0x1B8B  }
0xa2: {  	_ =	swait.ge [sflag:s23], $0x1  }
0xa3: {  	[sflag:s23] =	ssyncset.done $0x0  }
0xa4: {  	s25 =	simm.s32 $0x1B8E;
	s24 =	sld [smem:$0x3FFE];
	[sflag:s23] =	ssyncadd.s32 $0xFFFFFFFF  }
0xa5: {  	s26 =	simm.s32 $execute0_lowered;
	[smem:$0x3FD2] =	sst s25  }
0xa6: {  	s4 =	sshll.u32 s26, $0x1;
	_ =	strace $0x80000046;
	[dreg:$0x1] =	wrdreg $0xFFFFFFFF  }
0xa7: {  	s28 =	simm.s32 $_size_execute0_lowered;
	s2 =	sadd.s32 s2, s4;
	[dreg:$0x0] =	wrdreg $0x0  }
0xa8: {  	s4 =	sshll.u32 s28, $0x1;
	[dreg:$0x2] =	wrdreg s2  }
0xa9: {  	[dreg:$0x3] =	wrdreg s4  }
0xaa: {  	[dreg:$0x4] =	wrdreg $0xC0  }
0xab: {  	_ =	task [dreg:s6], $0x5FFFF  }
0xac: {  	[dreg:$0x1] =	wrdreg $0xFFFFFFFF  }
0xad: {  	[dreg:$0x0] =	wrdreg $0x60  }
0xae: {  	[dreg:$0x2] =	wrdreg s24  }
0xaf: {  	[dreg:$0x3] =	wrdreg $0x41000  }
0xb0: {  	[dreg:$0x4] =	wrdreg $0x9  }
0xb1: {  	_ =	task.clear_ibuf [dreg:s6], $0x5FFFF;
	_ =	strace $0x90000046  }
0xb2: {  	s29 =	simm.s32 $0x9;
	_ =	strace $0x80000048  }
0xb3: {  	_ =	swait.ge [sflag:s29], $0x1  }
0xb4: {  	[sflag:s29] =	ssyncadd.s32 $0xFFFFFFFF  }
0xb5: {  	_ =	strace $0x90000048  }
0xb6: {  	_ =	sfence  }
0xb7: {  	s30 =	sld [smem:$0x0];
	_ =	sdelay $0x2  }
0xb8: {  	s31 =	sshll.u32 s1, $0xD;
	s1 =	sshrl.u32 s1, $0x2  }
0xb9: {  	s3 =	sand.u32 $0x4000, s31;
	s1 =	sadd.s32 s1, s30  }
0xba: {  	s0 =	sor.u32 s3, s0;
	s1 =	sshll.u32 s1, $0x11  }
0xbb: {  	s0 =	sor.u32 s1, s0  }
0xbc: {  	s0 =	sadd.s32 $0x8F2B, s0  }
0xbd: {  	[sflag:s0] =	ssyncadd.remote.s32 $0x1  }
0xbe: {  	_ =	sfence.sel $0xFFFF  }
0xbf: {  	[dreg:$0x0] =	wrdreg $0xFFFFFFFF;
	(pc) =	sbr.abs _section_cstart, $3  }
0xc0: {  	[dreg:$0x1] =	wrdreg $0xFFFFFFFF  }
0xc1: {  	_ =	task.clear_ibuf [dreg:s6], $0x2FFFF;
	_ =	strace $0x9FFFFFFF  }
0xc2: {  	(tm) =	ssettm $0x7FFFFFFF  }
0xc3: {  	_ =	shalt  }
tec
execute0_lowered:
.L_overlay_start_1:
0x0: {  	(tag) =	ssettag $0x1  }
0x1: {  	s6 =	rddreg [dreg:$0x0];
	s0 =	srdreg.scid  }
0x2: {  	s2 =	rddreg [dreg:$0x1];
	s1 =	stileid.u32;
	s3 =	simm.s32 $0x0  }
0x3: {  	s15 =	simm.s32 $0x2;
	s16 =	simm.s32 $0x80;
	s5 =	smul.u32 $0x1400, s1  }
0x4: {  	s17 =	simm.s32 $0x100;
	s18 =	simm.s32 $0x1;
	s8 =	smul.u32 $0x13800, s1  }
0x5: {  	s7 =	sand.u32 $0x1, s0;
	s0 =	rddreg [dreg:$0x2];
	s28 =	smul.u32 $0x4E000, s1  }
0x6: {  	s19 =	simm.s32 $0x0;
	[smem:$0x7FF] =	sst s3;
	s4 =	smul.u32 $0x14000, s7  }
0x7: {  	s31 =	sshll.u32 s1, $0x6;
	s10 =	smul.u32 $0x138800, s7;
	s7 =	ssub.s32 $0x2, s7  }
0x8: {  	_ =	strace $0x80000047;
	s26 =	sshrl.u32 s8, $0x3;
	s29 =	sshrl.u32 s7, $0x1  }
0x9: {  	s30 =	sshrl.u32 s28, $0x2;
	s9 =	sadd.s32 s5, s4;
	s4 =	sadd.s32 $0x3E400, s6  }
0xa: {  	s5 =	sadd.s32 $0x17200, s6;
	s8 =	sadd.s32 s8, s10;
	s11 =	ssub.s32 s7, s29  }
0xb: {  	s14 =	sadd.s32 s30, s2;
	s7 =	sor.u32 $0x1C02, s31;
	s9 =	sshrl.u32 s9, $0x3  }
0xc: {  	s8 =	sshrl.u32 s8, $0x3;
	s13 =	sadd.s32 s9, s6;
	s9 =	sadd.s32 s26, s6  }
0xd: {  	s14 =	sshrl.u32 s14, $0x3;
	s8 =	sadd.s32 s8, s6;
	s6 =	sadd.s32 $0x8C800, s9  }
0xe: {  	s8 =	sadd.s32 $0xB3A00, s8;
	s9 =	smax.u32 s11, $0x1;
	s10 =	sadd.s32 $0xD200, s13  }
0xf: {  	s11 =	sadd.s32 $0x3200, s13;
	s12 =	sadd.s32 $0x12200, s13;
	s13 =	sadd.s32 $0x8200, s13  }
.LBB2_1:
0x10: {  	[spmem:s14], [sflag:s7] =	dma.local [hbm:s6], $0x2800  }
0x11: {  	_ =	swait.ge [sflag:s15], $0x2800  }
0x12: {  	[sflag:s15] =	ssyncset.done $0x0  }
0x13: {  	[sflag:s15] =	ssyncadd.s32 $0xFFFFD800  }
0x14: {  	s20 =	sadd.s32 $0x0, s11;
	[bflag:$0x0] =	sbarrier.arrive $0xFFFF  }
0x15: {  	[tilespmem:s3], [sflag:$0x2] =	stream.linear.gather [hbm4b:s20+s3], $0x80, $0x38;
	[tilespmem:$0x179C0] =	vst v63  }
0x16: {  	_ =	swait.ge [sflag:s15], $0x80  }
0x17: {  	[sflag:s15] =	ssyncset.done $0x0  }
0x18: {  	s31 =	sadd.s32 $0x0, s10;
	[sflag:s15] =	ssyncadd.s32 $0xFFFFFF80  }
0x19: {  	[tilespmem:s16], [sflag:$0x2] =	stream.linear.gather [hbm4b:s31+s3], $0x80, $0x38;
	[tilespmem:$0x179C0] =	vst v63  }
0x1a: {  	_ =	swait.ge [sflag:s15], $0x80  }
0x1b: {  	[sflag:s15] =	ssyncset.done $0x0  }
0x1c: {  	[sflag:s15] =	ssyncadd.s32 $0xFFFFFF80  }
0x1d: {  	[tilespmem:s17], [sflag:$0x1] =	stream.indirect.gather [hbm4b:s4+s16], $0x80, s3, s16, $0xb8;
	[tilespmem:$0x179C0] =	vst v63  }
0x1e: {  	_ =	swait.ge [sflag:s18], $0x4000  }
0x1f: {  	[sflag:s18] =	ssyncset.done $0x0  }
0x20: {  	[sflag:s18] =	ssyncadd.s32 $0xFFFFC000  }
0x21: {  	[spmem:s2] =	stream.indirect.scatter.add.f32 [tilespmem:s17], [sflag:$0x2], $0x80, s16, s16, $0xb8;
	[tilespmem:$0x179C0] =	vst v63  }
0x22: {  	s21 =	simm.s32 $0x10;
	_ =	swait.ge [sflag:s15], $0x4000  }
0x23: {  	s23 =	sadd.s32 $0x10, s11;
	s22 =	simm.s32 $0x20;
	[sflag:s15] =	ssyncset.done $0x0  }
.LBB2_2:
0x24: {  	s24 =	sadd.s32 s22, s11  }
0x25: {  	s20 =	simm.s32 $0x0;
	[sflag:s15] =	ssyncadd.s32 $0xFFFFC000;
	s25 =	smov.u32 s22  }
0x26: {  	[tilespmem:s20], [sflag:$0x2] =	stream.linear.gather [hbm4b:s23+s20], $0x80, $0x38;
	[tilespmem:$0x179C0] =	vst v63  }
0x27: {  	p0 =	sne.s32 s22, $0x270;
	s22 =	sadd.s32 $0x10, s22;
	_ =	swait.ge [sflag:s15], $0x80  }
0x28: {  	s23 =	smov.u32 s24;
	[sflag:s15] =	ssyncset.done $0x0  }
0x29: {  	s24 =	sadd.s32 s21, s10;
	s21 =	smov.u32 s25;
	[sflag:s15] =	ssyncadd.s32 $0xFFFFFF80  }
0x2a: {  	[tilespmem:s16], [sflag:$0x2] =	stream.linear.gather [hbm4b:s24+s20], $0x80, $0x38;
	[tilespmem:$0x179C0] =	vst v63  }
0x2b: {  	_ =	swait.ge [sflag:s15], $0x80  }
0x2c: {  	[sflag:s15] =	ssyncset.done $0x0  }
0x2d: {  	[sflag:s15] =	ssyncadd.s32 $0xFFFFFF80  }
0x2e: {  	[tilespmem:s17], [sflag:$0x1] =	stream.indirect.gather [hbm4b:s4+s16], $0x80, s20, s16, $0xb8;
	[tilespmem:$0x179C0] =	vst v63  }
0x2f: {  	_ =	swait.ge [sflag:s18], $0x4000  }
.Ltmp0:
0x30: {  	[sflag:s18] =	ssyncset.done $0x0;
	(pc) =	sbr.rel @p0 .LBB2_2-.Ltmp0, $4  }
0x31: {  	[sflag:s18] =	ssyncadd.s32 $0xFFFFC000  }
0x32: {  	[spmem:s2] =	stream.indirect.scatter.add.f32 [tilespmem:s17], [sflag:$0x2], $0x80, s16, s16, $0xb8;
	[tilespmem:$0x179C0] =	vst v63  }
0x33: {  	_ =	swait.ge [sflag:s15], $0x4000  }
0x34: {  	[sflag:s15] =	ssyncset.done $0x0  }
0x35: {  	[sflag:s15] =	ssyncadd.s32 $0xFFFFC000  }
0x36: {  	[tilespmem:s20], [sflag:$0x2] =	stream.linear.gather [hbm4b:s23+s20], $0x80, $0x38;
	[tilespmem:$0x179C0] =	vst v63  }
0x37: {  	_ =	swait.ge [sflag:s15], $0x80  }
0x38: {  	[sflag:s15] =	ssyncset.done $0x0  }
0x39: {  	s21 =	sadd.s32 s21, s10;
	[sflag:s15] =	ssyncadd.s32 $0xFFFFFF80  }
0x3a: {  	[tilespmem:s16], [sflag:$0x2] =	stream.linear.gather [hbm4b:s21+s20], $0x80, $0x38;
	[tilespmem:$0x179C0] =	vst v63  }
0x3b: {  	_ =	swait.ge [sflag:s15], $0x80  }
0x3c: {  	[sflag:s15] =	ssyncset.done $0x0  }
0x3d: {  	[sflag:s15] =	ssyncadd.s32 $0xFFFFFF80  }
0x3e: {  	[tilespmem:s17], [sflag:$0x1] =	stream.indirect.gather [hbm4b:s4+s16], $0x80, s20, s16, $0xb8;
	[tilespmem:$0x179C0] =	vst v63  }
0x3f: {  	_ =	swait.ge [sflag:s18], $0x4000  }
0x40: {  	p1 =	por $0x1, $0x1;
	[sflag:s18] =	ssyncset.done $0x0  }
.Ltmp1:
0x41: {  	[sflag:s18] =	ssyncadd.s32 $0xFFFFC000;
	(pc) =	sbr.rel @!p1 .LBB2_8-.Ltmp1, $4  }
0x42: {  	[spmem:s2] =	stream.indirect.scatter.add.f32 [tilespmem:s17], [sflag:$0x2], $0x80, s16, s16, $0xb8;
	[tilespmem:$0x179C0] =	vst v63  }
0x43: {  	_ =	swait.ge [sflag:s15], $0x4000  }
0x44: {  	[sflag:s15] =	ssyncset.done $0x0  }
0x45: {  	p0 =	por $0x0, $0x0;
	s21 =	simm.s32 $0x10;
	[sflag:s15] =	ssyncadd.s32 $0xFFFFC000  }
0x46: {  	s20 =	sadd.s32 $0x0, s13  }
0x47: {  	[tilespmem:s3], [sflag:$0x2] =	stream.linear.gather [hbm4b:s20+s3], $0x80, $0x38;
	[tilespmem:$0x179C0] =	vst v63  }
0x48: {  	_ =	swait.ge [sflag:s15], $0x80  }
0x49: {  	[sflag:s15] =	ssyncset.done $0x0  }
0x4a: {  	s31 =	sadd.s32 $0x0, s12;
	[sflag:s15] =	ssyncadd.s32 $0xFFFFFF80  }
0x4b: {  	[tilespmem:s16], [sflag:$0x2] =	stream.linear.gather [hbm4b:s31+s3], $0x80, $0x38;
	[tilespmem:$0x179C0] =	vst v63  }
0x4c: {  	_ =	swait.ge [sflag:s15], $0x80  }
0x4d: {  	[sflag:s15] =	ssyncset.done $0x0  }
0x4e: {  	[sflag:s15] =	ssyncadd.s32 $0xFFFFFF80  }
0x4f: {  	[tilespmem:s17], [sflag:$0x1] =	stream.indirect.gather [hbm4b:s5+s16], $0x80, s3, s16, $0xb8;
	[tilespmem:$0x179C0] =	vst v63  }
0x50: {  	p1 =	por $0x1, $0x1;
	_ =	swait.ge [sflag:s18], $0x4000  }
.Ltmp2:
0x51: {  	[sflag:s18] =	ssyncset.done $0x0;
	(pc) =	sbr.rel @!p1 .LBB2_5-.Ltmp2, $4  }
0x52: {  	[sflag:s18] =	ssyncadd.s32 $0xFFFFC000  }
0x53: {  	[spmem:s2] =	stream.indirect.scatter.add.f32 [tilespmem:s17], [sflag:$0x2], $0x80, s16, s16, $0xb8;
	[tilespmem:$0x179C0] =	vst v63  }
0x54: {  	_ =	swait.ge [sflag:s15], $0x4000  }
0x55: {  	p0 =	por $0x1, $0x1;
	s20 =	simm.s32 $0x20;
	[sflag:s15] =	ssyncset.done $0x0  }
.LBB2_6:
0x56: {  	s22 =	sadd.s32 s21, s13  }
0x57: {  	[sflag:s15] =	ssyncadd.s32 $0xFFFFC000;
	s23 =	smov.u32 s20;
	s24 =	sadd.s32 $0x10, s20  }
0x58: {  	[tilespmem:s3], [sflag:$0x2] =	stream.linear.gather [hbm4b:s22+s3], $0x80, $0x38;
	[tilespmem:$0x179C0] =	vst v63  }
0x59: {  	p1 =	sne.s32 s20, $0x270;
	_ =	swait.ge [sflag:s15], $0x80  }
0x5a: {  	[sflag:s15] =	ssyncset.done $0x0  }
0x5b: {  	s20 =	sadd.s32 s21, s12;
	s21 =	smov.u32 s23;
	[sflag:s15] =	ssyncadd.s32 $0xFFFFFF80  }
0x5c: {  	[tilespmem:s16], [sflag:$0x2] =	stream.linear.gather [hbm4b:s20+s3], $0x80, $0x38;
	[tilespmem:$0x179C0] =	vst v63  }
0x5d: {  	_ =	swait.ge [sflag:s15], $0x80  }
0x5e: {  	[sflag:s15] =	ssyncset.done $0x0  }
0x5f: {  	[sflag:s15] =	ssyncadd.s32 $0xFFFFFF80  }
0x60: {  	[tilespmem:s17], [sflag:$0x1] =	stream.indirect.gather [hbm4b:s5+s16], $0x80, s3, s16, $0xb8;
	[tilespmem:$0x179C0] =	vst v63  }
0x61: {  	_ =	swait.ge [sflag:s18], $0x4000  }
.Ltmp3:
0x62: {  	[sflag:s18] =	ssyncset.done $0x0;
	(pc) =	sbr.rel @p1 .LBB2_6-.Ltmp3, $4  }
0x63: {  	[sflag:s18] =	ssyncadd.s32 $0xFFFFC000  }
0x64: {  	[spmem:s2] =	stream.indirect.scatter.add.f32 [tilespmem:s17], [sflag:$0x2], $0x80, s16, s16, $0xb8;
	[tilespmem:$0x179C0] =	vst v63  }
0x65: {  	_ =	swait.ge [sflag:s15], $0x4000  }
0x66: {  	s20 =	smov.u32 s24;
	[sflag:s15] =	ssyncset.done $0x0  }
0x67: {  	s20 =	smov.u32 s21  }
.LBB2_8:
0x68: {  	s21 =	sadd.s32 s20, s13;
	[sflag:s15] =	ssyncadd.s32 @p0 $0xFFFFC000  }
0x69: {  	[tilespmem:s3], [sflag:$0x2] =	stream.linear.gather [hbm4b:s21+s3], $0x80, $0x38;
	[tilespmem:$0x179C0] =	vst v63  }
0x6a: {  	_ =	swait.ge [sflag:s15], $0x80  }
0x6b: {  	[sflag:s15] =	ssyncset.done $0x0  }
0x6c: {  	s31 =	sadd.s32 s20, s12;
	[sflag:s15] =	ssyncadd.s32 $0xFFFFFF80  }
0x6d: {  	[tilespmem:s16], [sflag:$0x2] =	stream.linear.gather [hbm4b:s31+s3], $0x80, $0x38;
	[tilespmem:$0x179C0] =	vst v63  }
0x6e: {  	_ =	swait.ge [sflag:s15], $0x80  }
0x6f: {  	[sflag:s15] =	ssyncset.done $0x0  }
0x70: {  	[sflag:s15] =	ssyncadd.s32 $0xFFFFFF80  }
0x71: {  	[tilespmem:s17], [sflag:$0x1] =	stream.indirect.gather [hbm4b:s5+s16], $0x80, s3, s16, $0xb8;
	[tilespmem:$0x179C0] =	vst v63  }
0x72: {  	_ =	swait.ge [sflag:s18], $0x4000  }
0x73: {  	[sflag:s18] =	ssyncset.done $0x0  }
0x74: {  	[sflag:s18] =	ssyncadd.s32 $0xFFFFC000  }
0x75: {  	[spmem:s2] =	stream.indirect.scatter.add.f32 [tilespmem:s17], [sflag:$0x2], $0x80, s16, s16, $0xb8;
	[tilespmem:$0x179C0] =	vst v63  }
0x76: {  	_ =	swait.ge [sflag:s15], $0x4000  }
0x77: {  	[sflag:s15] =	ssyncset.done $0x0  }
0x78: {  	s19 =	sadd.s32 $0x1, s19;
	[sflag:s15] =	ssyncadd.s32 $0xFFFFC000  }
0x79: {  	p0 =	sne.s32 s19, s9;
	[bflag:$0x0] =	sbarrier.arrive $0xFFFF  }
0x7a: {  	[hbm:s8], [sflag:s7] =	dma.local [spmem:s14], $0x2800  }
.Ltmp4:
0x7b: {  	_ = 	snop;
	(pc) =	sbr.rel @p0 .LBB2_1-.Ltmp4, $4  }
.Ltmp5:
0x7c: {  	_ = 	snop;
	(pc) =	sbr.rel @!p0 .LBB2_9-.Ltmp5, $4  }
0x7d: {  	_ =	swait.ge [sflag:s15], $0x2800  }
0x7e: {  	[sflag:s15] =	ssyncset.done $0x0  }
0x7f: {  	[sflag:s15] =	ssyncadd.s32 $0xFFFFD800  }
0x80: {  	_ = 	snop  }
.LBB2_5:
.Ltmp6:
0x81: {  	(pc) =	sbr.rel .LBB2_8-.Ltmp6, $2  }
0x82: {  	_ =	sdelay $0x2  }
0x83: {  	s20 =	simm.s32 $0x10  }
.LBB2_9:
0x84: {  	_ =	sfence.sel $0x180000  }
0x85: {  	[bflag:$0x0] =	sbarrier.arrive $0xFFFF  }
0x86: {  	p0 =	sne.s32 s1, $0x0;
	_ =	strace $0x90000047  }
0x87: {  	s0 =	sadd.s32 @!p0 $0x100000, s0;
	[bflag:$0x2] =	sbarrier.arrive $0xFFFF  }
0x88: {  	[sflag:s0] =	ssyncadd.tile.s32 @!p0 $0x1;
	_ =	shalt  }
.Lfunc_end2:
_tile_overlayer_lowered:
.L_overlay_start_2:
0x89: {  	(tag) =	ssettag $0x2  }
0x8a: {  	s0 =	rddreg [dreg:$0x0];
	s2 =	stileid.u32  }
0x8b: {  	s1 =	rddreg [dreg:$0x1];
	p0 =	sne.s32 s2, $0x0  }
0x8c: {  	s3 =	rddreg [dreg:$0x2];
	[bflag:$0x3] =	sbarrier.arrive $0xFFFF;
	s2 =	simm.s32 @!p0 $0x1C02  }
0x8d: {  	[timem:s3], [sflag:s2] =	dma.local @!p0 [hbm:s0], s1  }
0x8e: {  	s0 =	simm.s32 @!p0 $0x2  }
0x8f: {  	_ =	swait.ge @!p0 [sflag:s0], s1  }
0x90: {  	s1 =	ssub.s32 @!p0 $0x0, s1;
	[sflag:s0] =	ssyncset.done @!p0 $0x0  }
0x91: {  	[sflag:s0] =	ssyncadd.s32 @!p0 s1  }
0x92: {  	[bflag:$0x3] =	sbarrier.arrive $0xFFFF  }
0x93: {  	_ =	shalt  }

// kernel: kernel.16.cloned.1.call-start
scs
__scs_entry_jumppad:
0x0: {  	(pc) =	sbr.rel $0x88, $3  }
0x1: {  	(tag) =	ssettag $0x0;
	lr =	simm.s32 $0x1  }
0x2: {  	[smem:$0x3F93] =	sst lr;
	_ =	strace $0xD0000000  }
0x3: {  	_ = 	snop  }
0x4: {  	_ = 	snop  }
0x5: {  	_ = 	snop  }
0x6: {  	_ = 	snop  }
0x7: {  	_ = 	snop  }
__scs_overlays_trampoline_lowered:
0x8: {  	[smem:$0x3FA2] =	sst s0  }
0x9: {  	[smem:$0x3FA3] =	sst s1  }
0xa: {  	[smem:$0x3FA4] =	sst s2  }
0xb: {  	[smem:$0x3FA5] =	sst s3  }
0xc: {  	[smem:$0x3FA6] =	sst s4  }
0xd: {  	[smem:$0x3FA7] =	sst s5  }
0xe: {  	[smem:$0x3FA8] =	sst s6  }
0xf: {  	[smem:$0x3FA9] =	sst s7  }
0x10: {  	[smem:$0x3FAA] =	sst s8  }
0x11: {  	[smem:$0x3FAB] =	sst s9;
	s0 =	simm.s32 @!p0 $0x0  }
0x12: {  	s1 =	sld [smem:$0x3F91];
	s0 =	simm.s32 @p0 $0x1  }
0x13: {  	[smem:$0x3FAC] =	sst s0;
	s0 =	simm.s32 @!p1 $0x0  }
0x14: {  	s2 =	sld [smem:$0x3F90];
	s0 =	simm.s32 @p1 $0x1  }
0x15: {  	[smem:$0x3FAD] =	sst s0;
	s0 =	simm.s32 @!p2 $0x0  }
0x16: {  	s3 =	sld [smem:$0x3FDB];
	s0 =	simm.s32 @p2 $0x1  }
0x17: {  	s4 =	simm.s32 $0x1BF5;
	[smem:$0x3FAF] =	sst s0  }
0x18: {  	s0 =	sld [smem:$0x3F92];
	_ =	swait.ge [sflag:s4], $0x0  }
0x19: {  	s7 =	sld [smem:$0x3F93]  }
0x1a: {  	s8 =	sadd.s32 $0xFFFFE003, lr  }
0x1b: {  	s9 =	sadd.s32 $0xFFFFFEF7, lr;
	s5 =	simm.s32 $0xFFFFFFFF;
	p2 =	slt.u32 s8, $0xFFFFF086  }
0x1c: {  	p1 =	slt.u32 s9, $0xF7A;
	s5 =	simm.s32 @!p2 $0x0  }
0x1d: {  	s5 =	simm.s32 @p1 $0x1;
	p0 =	seq.s32 s7, s2  }
0x1e: {  	s7 =	smul.u32 @!p0 $0xF7A, s2;
	p2 =	seq.s32 @!p0 s5, $0x0  }
0x1f: {  	s9 =	smul.u32 $0xF7A, s1;
	s8 =	simm.s32 @!p0 $0x1BF5;
	p2 =	por !p2, p0  }
0x20: {  	[sflag:s8] =	ssyncset.s32 @!p0 $0xFFFFF086;
	s6 =	sadd.s32 @!p0 s3, s7;
	s7 =	simm.s32 @!p0 $0x108  }
0x21: {  	s3 =	sadd.s32 s3, s9;
	s6 =	sadd.s32 @!p0 $0x88, s6;
	s7 =	simm.s32 @p2 $0x1082  }
0x22: {  	[simem:s7], [sflag:s8] =	dma.local @!p0 [hbm:s6], $0xF7A  }
0x23: {  	s9 =	sor.u32 $0xD0000000, s2;
	s6 =	simm.s32 $0x108;
	_ =	swait.ge @!p0 [sflag:s8], $0x0  }
0x24: {  	s3 =	sadd.s32 $0x88, s3;
	s6 =	simm.s32 @!p1 $0x1082;
	[sflag:s4] =	ssyncset.s32 $0xFFFFF086  }
0x25: {  	[simem:s6], [sflag:s4] =	dma.local [hbm:s3], $0xF7A  }
0x26: {  	[smem:$0x3F93] =	sst s1;
	(tag) =	ssettag s2;
	_ =	strace s9  }
0x27: {  	s1 =	sld [smem:$0x3FA3]  }
0x28: {  	s2 =	sld [smem:$0x3FA4]  }
0x29: {  	s4 =	sld [smem:$0x3FA6]  }
0x2a: {  	p0 =	seq.s32 s5, $0x0;
	s5 =	sld [smem:$0x3FA7]  }
0x2b: {  	s6 =	sld [smem:$0x3FA8]  }
0x2c: {  	s7 =	sld [smem:$0x3FA9]  }
0x2d: {  	s3 =	simm.s32 $0x108;
	s8 =	sld [smem:$0x3FAA]  }
0x2e: {  	s3 =	simm.s32 @!p0 $0x1082;
	s9 =	sld [smem:$0x3FAB]  }
0x2f: {  	lr =	sadd.s32 s0, s3;
	s0 =	sld [smem:$0x3FA2]  }
0x30: {  	s3 =	sld [smem:$0x3FA5]  }
0x31: {  	[smem:$0x3FAE] =	sst s10  }
0x32: {  	s10 =	sld [smem:$0x3FAC];
	_ =	sdelay $0x3  }
0x33: {  	p0 =	seq.s32 s10, $0x1;
	s10 =	sld [smem:$0x3FAE];
	_ =	sdelay $0x3  }
0x34: {  	[smem:$0x3FAE] =	sst s10  }
0x35: {  	s10 =	sld [smem:$0x3FAD];
	_ =	sdelay $0x3  }
0x36: {  	p1 =	seq.s32 s10, $0x1;
	s10 =	sld [smem:$0x3FAE];
	_ =	sdelay $0x3  }
0x37: {  	[smem:$0x3FAE] =	sst s10  }
0x38: {  	s10 =	sld [smem:$0x3FAF]  }
0x39: {  	_ = 	snop;
	(pc) =	sbr.ind lr, $3  }
0x3a: {  	_ = 	snop  }
0x3b: {  	_ = 	snop  }
0x3c: {  	p2 =	seq.s32 s10, $0x1;
	s10 =	sld [smem:$0x3FAE]  }
0x3d: {  	_ =	shalt  }
0x3e: {  	_ =	shalt  }
0x3f: {  	_ =	shalt  }
0x40: {  	_ =	shalt  }
0x41: {  	_ =	shalt  }
0x42: {  	_ =	shalt  }
0x43: {  	_ =	shalt  }
0x44: {  	_ =	shalt  }
0x45: {  	_ =	shalt  }
0x46: {  	_ =	shalt  }
0x47: {  	_ =	shalt  }
0x48: {  	_ =	shalt  }
0x49: {  	_ =	shalt  }
0x4a: {  	_ =	shalt  }
0x4b: {  	_ =	shalt  }
0x4c: {  	_ =	shalt  }
0x4d: {  	_ =	shalt  }
0x4e: {  	_ =	shalt  }
0x4f: {  	_ =	shalt  }
0x50: {  	_ =	shalt  }
0x51: {  	_ =	shalt  }
0x52: {  	_ =	shalt  }
0x53: {  	_ =	shalt  }
0x54: {  	_ =	shalt  }
0x55: {  	_ =	shalt  }
0x56: {  	_ =	shalt  }
0x57: {  	_ =	shalt  }
0x58: {  	_ =	shalt  }
0x59: {  	_ =	shalt  }
0x5a: {  	_ =	shalt  }
0x5b: {  	_ =	shalt  }
0x5c: {  	_ =	shalt  }
0x5d: {  	_ =	shalt  }
0x5e: {  	_ =	shalt  }
0x5f: {  	_ =	shalt  }
0x60: {  	_ =	shalt  }
0x61: {  	_ =	shalt  }
0x62: {  	_ =	shalt  }
0x63: {  	_ =	shalt  }
0x64: {  	_ =	shalt  }
0x65: {  	_ =	shalt  }
0x66: {  	_ =	shalt  }
0x67: {  	_ =	shalt  }
0x68: {  	_ =	shalt  }
0x69: {  	_ =	shalt  }
0x6a: {  	_ =	shalt  }
0x6b: {  	_ =	shalt  }
0x6c: {  	_ =	shalt  }
0x6d: {  	_ =	shalt  }
0x6e: {  	_ =	shalt  }
0x6f: {  	_ =	shalt  }
0x70: {  	_ =	shalt  }
0x71: {  	_ =	shalt  }
0x72: {  	_ =	shalt  }
0x73: {  	_ =	shalt  }
0x74: {  	_ =	shalt  }
0x75: {  	_ =	shalt  }
0x76: {  	_ =	shalt  }
0x77: {  	_ =	shalt  }
0x78: {  	_ =	shalt  }
0x79: {  	_ =	shalt  }
0x7a: {  	_ =	shalt  }
0x7b: {  	_ =	shalt  }
0x7c: {  	_ =	shalt  }
0x7d: {  	_ =	shalt  }
0x7e: {  	_ =	shalt  }
0x7f: {  	_ =	shalt  }
0x80: {  	_ =	shalt  }
0x81: {  	_ =	shalt  }
0x82: {  	_ =	shalt  }
0x83: {  	_ =	shalt  }
0x84: {  	_ =	shalt  }
0x85: {  	_ =	shalt  }
0x86: {  	_ =	shalt  }
0x87: {  	_ =	shalt  }
.Lfunc_end0:
.L_simem_size_0:
called_computation.1_lowered:
.L_overlay_start_0:
0x88: {  	s2 =	sld [smem:$0x3FD9]  }
0x89: {  	s3 =	sld [smem:$0x3FFE];
	_ =	sdelay $0x1  }
0x8a: {  	s1 =	srdreg.scid  }
0x8b: {  	s0 =	sand.u32 $0x1, s1  }
0x8c: {  	s17 =	sshll.u32 s0, $0xA;
	s2 =	sadd.s32 s3, s2  }
0x8d: {  	s2 =	sadd.s32 s2, s17  }
0x8e: {  	[smem:$0x3FBA] =	sst s2  }
0x8f: {  	_ = 	snop  }
0x90: {  	(tm) =	ssettm $0x1  }
0x91: {  	s18 =	sld [smem:$0x3FFB];
	_ =	sdelay $0x3  }
0x92: {  	_ =	strace s18  }
0x93: {  	s2 =	sld [smem:$0x3FFC];
	_ =	sdelay $0x3  }
0x94: {  	_ =	strace s2  }
0x95: {  	s2 =	sld [smem:$0x3FFD];
	_ =	sdelay $0x3  }
0x96: {  	_ =	strace s2  }
0x97: {  	_ =	strace $0x8FFFFFFF  }
0x98: {  	s19 =	sld [smem:$0x3FDB];
	_ =	sdelay $0x1  }
0x99: {  	s20 =	simm.s32 $_scs_section_size  }
0x9a: {  	s4 =	simm.s32 $_size__tile_overlayer_lowered;
	s5 =	simm.s32 $_tile_overlayer_lowered  }
0x9b: {  	s6 =	simm.s32 $0x1BFF;
	s21 =	sshll.u32 s5, $0x1;
	s3 =	sadd.s32 s20, s19  }
0x9c: {  	s22 =	simm.s32 $0x0;
	s4 =	sshll.u32 s4, $0x1;
	s5 =	sadd.s32 s21, s3  }
0x9d: {  	[timem:s22], [sflag:s6] =	dma.local [hbm:s5], s4  }
0x9e: {  	_ =	swait.ge [sflag:s6], s4  }
0x9f: {  	s4 =	ssub.s32 $0x0, s4;
	[sflag:s6] =	ssyncset.done $0x0  }
0xa0: {  	[sflag:s6] =	ssyncadd.s32 s4;
	_ =	sdelay $0x1  }
0xa1: {  	s23 =	simm.s32 $0x1B8B  }
0xa2: {  	_ =	swait.ge [sflag:s23], $0x1  }
0xa3: {  	[sflag:s23] =	ssyncset.done $0x0  }
0xa4: {  	[sflag:s23] =	ssyncadd.s32 $0xFFFFFFFF  }
0xa5: {  	s4 =	sld [smem:$0x0]  }
0xa6: {  	s5 =	sand.u32 $0xFFFFFFFE, s1  }
0xa7: {  	p0 =	sne.s32 s1, s5  }
0xa8: {  	s5 =	sshll.u32 @p0 s5, $0xE  }
0xa9: {  	s5 =	sadd.s32 @p0 $0x11B8D, s5;
	s6 =	sshll.u32 @p0 s4, $0x11  }
0xaa: {  	s5 =	sor.u32 @p0 s6, s5  }
0xab: {  	[sflag:s5] =	ssyncadd.remote.s32 @p0 $0x1;
	_ =	sdelay $0x1  }
0xac: {  	s5 =	simm.s32 @p0 $0x1B8D  }
0xad: {  	_ =	swait.eq @p0 [sflag:s5], $0x1  }
0xae: {  	[sflag:s5] =	ssyncadd.s32 @p0 $0xFFFFFFFF  }
0xaf: {  	s6 =	sshll.u32 @!p0 s1, $0xE  }
0xb0: {  	s6 =	sor.u32 @!p0 $0x4000, s6;
	s5 =	simm.s32 @!p0 $0x1B8D  }
0xb1: {  	s4 =	sshll.u32 @!p0 s4, $0x11;
	s6 =	sadd.s32 @!p0 $0x11B8D, s6;
	_ =	swait.eq @!p0 [sflag:s5], $0x1  }
0xb2: {  	s4 =	sor.u32 @!p0 s4, s6;
	[sflag:s5] =	ssyncadd.s32 @!p0 $0xFFFFFFFF  }
0xb3: {  	s25 =	simm.s32 $0x1B8E;
	s24 =	sld [smem:$0x3FFE];
	[sflag:s4] =	ssyncadd.remote.s32 @!p0 $0x1  }
0xb4: {  	s26 =	simm.s32 $execute0_lowered;
	[smem:$0x3FD2] =	sst s25  }
0xb5: {  	s5 =	sshll.u32 s26, $0x1;
	_ =	strace $0x80000049;
	[dreg:$0x1] =	wrdreg $0xFFFFFFFF  }
0xb6: {  	s28 =	simm.s32 $_size_execute0_lowered;
	s3 =	sadd.s32 s3, s5;
	[dreg:$0x0] =	wrdreg $0x0  }
0xb7: {  	s5 =	sshll.u32 s28, $0x1;
	[dreg:$0x2] =	wrdreg s3  }
0xb8: {  	[dreg:$0x3] =	wrdreg s5  }
0xb9: {  	[dreg:$0x4] =	wrdreg $0xC0  }
0xba: {  	_ =	task [dreg:s22], $0x5FFFF  }
0xbb: {  	[dreg:$0x1] =	wrdreg $0xFFFFFFFF  }
0xbc: {  	[dreg:$0x0] =	wrdreg $0x60  }
0xbd: {  	[dreg:$0x2] =	wrdreg s24  }
0xbe: {  	[dreg:$0x3] =	wrdreg $0x41000  }
0xbf: {  	[dreg:$0x4] =	wrdreg $0xA  }
0xc0: {  	_ =	task.clear_ibuf [dreg:s22], $0x5FFFF;
	_ =	strace $0x90000049  }
0xc1: {  	s29 =	simm.s32 $0xA;
	_ =	strace $0x8000004B  }
0xc2: {  	_ =	swait.ge [sflag:s29], $0x1  }
0xc3: {  	[sflag:s29] =	ssyncadd.s32 $0xFFFFFFFF  }
0xc4: {  	_ =	strace $0x9000004B  }
0xc5: {  	_ =	sfence  }
0xc6: {  	s30 =	sld [smem:$0x0];
	_ =	sdelay $0x2  }
0xc7: {  	s31 =	sshll.u32 s1, $0xD;
	s1 =	sshrl.u32 s1, $0x2  }
0xc8: {  	s4 =	sand.u32 $0x4000, s31;
	s1 =	sadd.s32 s1, s30  }
0xc9: {  	s0 =	sor.u32 s4, s0;
	s1 =	sshll.u32 s1, $0x11  }
0xca: {  	s0 =	sor.u32 s1, s0  }
0xcb: {  	s0 =	sadd.s32 $0x8F2B, s0  }
0xcc: {  	[sflag:s0] =	ssyncadd.remote.s32 $0x1  }
0xcd: {  	_ =	sfence.sel $0xFFFF  }
0xce: {  	[dreg:$0x0] =	wrdreg $0xFFFFFFFF;
	(pc) =	sbr.abs _section_cstart, $3  }
0xcf: {  	[dreg:$0x1] =	wrdreg $0xFFFFFFFF  }
0xd0: {  	_ =	task.clear_ibuf [dreg:s22], $0x2FFFF;
	_ =	strace $0x9FFFFFFF  }
0xd1: {  	(tm) =	ssettm $0x7FFFFFFF  }
tec
execute0_lowered:
.L_overlay_start_1:
0x0: {  	(tag) =	ssettag $0x1  }
0x1: {  	s5 =	rddreg [dreg:$0x0];
	s0 =	srdreg.scid  }
0x2: {  	s2 =	rddreg [dreg:$0x1];
	s1 =	stileid.u32  }
0x3: {  	s3 =	simm.s32 $0x0;
	s13 =	simm.s32 $0x80;
	s8 =	smul.u32 $0x13800, s1  }
0x4: {  	s14 =	simm.s32 $0x100;
	s15 =	simm.s32 $0x1;
	s26 =	smul.u32 $0x4E000, s1  }
0x5: {  	s6 =	sand.u32 $0x1, s0;
	s0 =	rddreg [dreg:$0x2];
	s30 =	smul.u32 $0x280, s1  }
0x6: {  	s16 =	simm.s32 $0x0;
	[smem:$0x7FF] =	sst s3;
	s7 =	smul.u32 $0x2800, s6  }
0x7: {  	s4 =	sadd.s32 $0x65600, s5;
	s31 =	sshll.u32 s1, $0x6;
	s9 =	smul.u32 $0x138800, s6  }
0x8: {  	_ =	strace $0x8000004A;
	s6 =	ssub.s32 $0x2, s6;
	s25 =	sshrl.u32 s8, $0x3  }
0x9: {  	s28 =	sshrl.u32 s6, $0x1;
	s29 =	sshrl.u32 s26, $0x2;
	s10 =	sadd.s32 s7, s5  }
0xa: {  	s8 =	sadd.s32 s8, s9;
	s7 =	sadd.s32 s25, s5;
	s11 =	ssub.s32 s6, s28  }
0xb: {  	s6 =	sor.u32 $0x1C02, s31;
	s8 =	sshrl.u32 s8, $0x3;
	s10 =	sadd.s32 s30, s10  }
0xc: {  	s8 =	sadd.s32 s8, s5;
	s5 =	sadd.s32 $0x8C800, s7;
	s9 =	sadd.s32 $0x106C00, s10  }
0xd: {  	s12 =	sadd.s32 s29, s2;
	s10 =	sadd.s32 $0x101C00, s10;
	s7 =	sadd.s32 $0x10BC00, s8  }
0xe: {  	s8 =	smax.u32 s11, $0x1;
	s11 =	sshrl.u32 s12, $0x3;
	s12 =	simm.s32 $0x2  }
.LBB2_1:
0xf: {  	[spmem:s11], [sflag:s6] =	dma.local [hbm:s5], $0x2800  }
0x10: {  	_ =	swait.ge [sflag:s12], $0x2800  }
0x11: {  	[sflag:s12] =	ssyncset.done $0x0  }
0x12: {  	[sflag:s12] =	ssyncadd.s32 $0xFFFFD800  }
0x13: {  	s17 =	sadd.s32 $0x0, s10;
	[bflag:$0x0] =	sbarrier.arrive $0xFFFF  }
0x14: {  	[tilespmem:s3], [sflag:$0x2] =	stream.linear.gather [hbm4b:s17+s3], $0x80, $0x38;
	[tilespmem:$0x179C0] =	vst v63  }
0x15: {  	_ =	swait.ge [sflag:s12], $0x80  }
0x16: {  	[sflag:s12] =	ssyncset.done $0x0  }
0x17: {  	s31 =	sadd.s32 $0x0, s9;
	[sflag:s12] =	ssyncadd.s32 $0xFFFFFF80  }
0x18: {  	[tilespmem:s13], [sflag:$0x2] =	stream.linear.gather [hbm4b:s31+s3], $0x80, $0x38;
	[tilespmem:$0x179C0] =	vst v63  }
0x19: {  	_ =	swait.ge [sflag:s12], $0x80  }
0x1a: {  	[sflag:s12] =	ssyncset.done $0x0  }
0x1b: {  	[sflag:s12] =	ssyncadd.s32 $0xFFFFFF80  }
0x1c: {  	[tilespmem:s14], [sflag:$0x1] =	stream.indirect.gather [hbm4b:s4+s13], $0x80, s3, s13, $0xb8;
	[tilespmem:$0x179C0] =	vst v63  }
0x1d: {  	_ =	swait.ge [sflag:s15], $0x4000  }
0x1e: {  	[sflag:s15] =	ssyncset.done $0x0  }
0x1f: {  	[sflag:s15] =	ssyncadd.s32 $0xFFFFC000  }
0x20: {  	[spmem:s2] =	stream.indirect.scatter.add.f32 [tilespmem:s14], [sflag:$0x2], $0x80, s13, s13, $0xb8;
	[tilespmem:$0x179C0] =	vst v63  }
0x21: {  	_ =	swait.ge [sflag:s12], $0x4000  }
0x22: {  	s18 =	simm.s32 $0x20;
	s17 =	simm.s32 $0x10;
	[sflag:s12] =	ssyncset.done $0x0  }
.LBB2_2:
0x23: {  	s19 =	sadd.s32 s17, s10  }
0x24: {  	[sflag:s12] =	ssyncadd.s32 $0xFFFFC000;
	s20 =	smov.u32 s18;
	s21 =	sadd.s32 $0x10, s18  }
0x25: {  	[tilespmem:s3], [sflag:$0x2] =	stream.linear.gather [hbm4b:s19+s3], $0x80, $0x38;
	[tilespmem:$0x179C0] =	vst v63  }
0x26: {  	p0 =	sne.s32 s18, $0x270;
	_ =	swait.ge [sflag:s12], $0x80  }
0x27: {  	[sflag:s12] =	ssyncset.done $0x0  }
0x28: {  	s18 =	sadd.s32 s17, s9;
	s17 =	smov.u32 s20;
	[sflag:s12] =	ssyncadd.s32 $0xFFFFFF80  }
0x29: {  	[tilespmem:s13], [sflag:$0x2] =	stream.linear.gather [hbm4b:s18+s3], $0x80, $0x38;
	[tilespmem:$0x179C0] =	vst v63  }
0x2a: {  	_ =	swait.ge [sflag:s12], $0x80  }
0x2b: {  	[sflag:s12] =	ssyncset.done $0x0  }
0x2c: {  	[sflag:s12] =	ssyncadd.s32 $0xFFFFFF80  }
0x2d: {  	[tilespmem:s14], [sflag:$0x1] =	stream.indirect.gather [hbm4b:s4+s13], $0x80, s3, s13, $0xb8;
	[tilespmem:$0x179C0] =	vst v63  }
0x2e: {  	_ =	swait.ge [sflag:s15], $0x4000  }
.Ltmp0:
0x2f: {  	[sflag:s15] =	ssyncset.done $0x0;
	(pc) =	sbr.rel @p0 .LBB2_2-.Ltmp0, $4  }
0x30: {  	[sflag:s15] =	ssyncadd.s32 $0xFFFFC000  }
0x31: {  	[spmem:s2] =	stream.indirect.scatter.add.f32 [tilespmem:s14], [sflag:$0x2], $0x80, s13, s13, $0xb8;
	[tilespmem:$0x179C0] =	vst v63  }
0x32: {  	_ =	swait.ge [sflag:s12], $0x4000  }
0x33: {  	s18 =	smov.u32 s21;
	[sflag:s12] =	ssyncset.done $0x0  }
0x34: {  	s18 =	sadd.s32 s17, s10;
	[sflag:s12] =	ssyncadd.s32 $0xFFFFC000  }
0x35: {  	[tilespmem:s3], [sflag:$0x2] =	stream.linear.gather [hbm4b:s18+s3], $0x80, $0x38;
	[tilespmem:$0x179C0] =	vst v63  }
0x36: {  	_ =	swait.ge [sflag:s12], $0x80  }
0x37: {  	[sflag:s12] =	ssyncset.done $0x0  }
0x38: {  	s31 =	sadd.s32 s17, s9;
	[sflag:s12] =	ssyncadd.s32 $0xFFFFFF80  }
0x39: {  	[tilespmem:s13], [sflag:$0x2] =	stream.linear.gather [hbm4b:s31+s3], $0x80, $0x38;
	[tilespmem:$0x179C0] =	vst v63  }
0x3a: {  	_ =	swait.ge [sflag:s12], $0x80  }
0x3b: {  	[sflag:s12] =	ssyncset.done $0x0  }
0x3c: {  	[sflag:s12] =	ssyncadd.s32 $0xFFFFFF80  }
0x3d: {  	[tilespmem:s14], [sflag:$0x1] =	stream.indirect.gather [hbm4b:s4+s13], $0x80, s3, s13, $0xb8;
	[tilespmem:$0x179C0] =	vst v63  }
0x3e: {  	_ =	swait.ge [sflag:s15], $0x4000  }
0x3f: {  	[sflag:s15] =	ssyncset.done $0x0  }
0x40: {  	[sflag:s15] =	ssyncadd.s32 $0xFFFFC000  }
0x41: {  	[spmem:s2] =	stream.indirect.scatter.add.f32 [tilespmem:s14], [sflag:$0x2], $0x80, s13, s13, $0xb8;
	[tilespmem:$0x179C0] =	vst v63  }
0x42: {  	_ =	swait.ge [sflag:s12], $0x4000  }
0x43: {  	s16 =	sadd.s32 $0x1, s16;
	[sflag:s12] =	ssyncset.done $0x0  }
0x44: {  	p0 =	sne.s32 s16, s8;
	[sflag:s12] =	ssyncadd.s32 $0xFFFFC000  }
.Ltmp1:
0x45: {  	[bflag:$0x0] =	sbarrier.arrive $0xFFFF;
	(pc) =	sbr.rel @p0 .LBB2_1-.Ltmp1, $4  }
0x46: {  	[hbm:s7], [sflag:s6] =	dma.local [spmem:s11], $0x2800  }
0x47: {  	_ =	swait.ge [sflag:s12], $0x2800  }
0x48: {  	[sflag:s12] =	ssyncset.done $0x0  }
0x49: {  	[sflag:s12] =	ssyncadd.s32 $0xFFFFD800  }
0x4a: {  	_ =	sfence.sel $0x180000  }
0x4b: {  	[bflag:$0x0] =	sbarrier.arrive $0xFFFF  }
0x4c: {  	p0 =	sne.s32 s1, $0x0;
	_ =	strace $0x9000004A  }
0x4d: {  	s0 =	sadd.s32 @!p0 $0x100000, s0;
	[bflag:$0x2] =	sbarrier.arrive $0xFFFF  }
0x4e: {  	[sflag:s0] =	ssyncadd.tile.s32 @!p0 $0x1;
	_ =	shalt  }
.Lfunc_end2:
_tile_overlayer_lowered:
.L_overlay_start_2:
0x4f: {  	(tag) =	ssettag $0x2  }
0x50: {  	s0 =	rddreg [dreg:$0x0];
	s2 =	stileid.u32  }
0x51: {  	s1 =	rddreg [dreg:$0x1];
	p0 =	sne.s32 s2, $0x0  }
0x52: {  	s3 =	rddreg [dreg:$0x2];
	[bflag:$0x3] =	sbarrier.arrive $0xFFFF;
	s2 =	simm.s32 @!p0 $0x1C02  }
0x53: {  	[timem:s3], [sflag:s2] =	dma.local @!p0 [hbm:s0], s1  }
0x54: {  	s0 =	simm.s32 @!p0 $0x2  }
0x55: {  	_ =	swait.ge @!p0 [sflag:s0], s1  }
0x56: {  	s1 =	ssub.s32 @!p0 $0x0, s1;
	[sflag:s0] =	ssyncset.done @!p0 $0x0  }
0x57: {  	[sflag:s0] =	ssyncadd.s32 @!p0 s1  }
0x58: {  	[bflag:$0x3] =	sbarrier.arrive $0xFFFF  }
0x59: {  	_ =	shalt  }

// kernel: kernel.19.cloned.1.call-start
scs
__scs_entry_jumppad:
0x0: {  	(pc) =	sbr.rel $0x88, $3  }
0x1: {  	(tag) =	ssettag $0x0;
	lr =	simm.s32 $0x1  }
0x2: {  	[smem:$0x3F93] =	sst lr;
	_ =	strace $0xD0000000  }
0x3: {  	_ = 	snop  }
0x4: {  	_ = 	snop  }
0x5: {  	_ = 	snop  }
0x6: {  	_ = 	snop  }
0x7: {  	_ = 	snop  }
__scs_overlays_trampoline_lowered:
0x8: {  	[smem:$0x3FA2] =	sst s0  }
0x9: {  	[smem:$0x3FA3] =	sst s1  }
0xa: {  	[smem:$0x3FA4] =	sst s2  }
0xb: {  	[smem:$0x3FA5] =	sst s3  }
0xc: {  	[smem:$0x3FA6] =	sst s4  }
0xd: {  	[smem:$0x3FA7] =	sst s5  }
0xe: {  	[smem:$0x3FA8] =	sst s6  }
0xf: {  	[smem:$0x3FA9] =	sst s7  }
0x10: {  	[smem:$0x3FAA] =	sst s8  }
0x11: {  	[smem:$0x3FAB] =	sst s9;
	s0 =	simm.s32 @!p0 $0x0  }
0x12: {  	s1 =	sld [smem:$0x3F91];
	s0 =	simm.s32 @p0 $0x1  }
0x13: {  	[smem:$0x3FAC] =	sst s0;
	s0 =	simm.s32 @!p1 $0x0  }
0x14: {  	s2 =	sld [smem:$0x3F90];
	s0 =	simm.s32 @p1 $0x1  }
0x15: {  	[smem:$0x3FAD] =	sst s0;
	s0 =	simm.s32 @!p2 $0x0  }
0x16: {  	s3 =	sld [smem:$0x3FDB];
	s0 =	simm.s32 @p2 $0x1  }
0x17: {  	s4 =	simm.s32 $0x1BF5;
	[smem:$0x3FAF] =	sst s0  }
0x18: {  	s0 =	sld [smem:$0x3F92];
	_ =	swait.ge [sflag:s4], $0x0  }
0x19: {  	s7 =	sld [smem:$0x3F93]  }
0x1a: {  	s8 =	sadd.s32 $0xFFFFE003, lr  }
0x1b: {  	s9 =	sadd.s32 $0xFFFFFEF7, lr;
	s5 =	simm.s32 $0xFFFFFFFF;
	p2 =	slt.u32 s8, $0xFFFFF086  }
0x1c: {  	p1 =	slt.u32 s9, $0xF7A;
	s5 =	simm.s32 @!p2 $0x0  }
0x1d: {  	s5 =	simm.s32 @p1 $0x1;
	p0 =	seq.s32 s7, s2  }
0x1e: {  	s7 =	smul.u32 @!p0 $0xF7A, s2;
	p2 =	seq.s32 @!p0 s5, $0x0  }
0x1f: {  	s9 =	smul.u32 $0xF7A, s1;
	s8 =	simm.s32 @!p0 $0x1BF5;
	p2 =	por !p2, p0  }
0x20: {  	[sflag:s8] =	ssyncset.s32 @!p0 $0xFFFFF086;
	s6 =	sadd.s32 @!p0 s3, s7;
	s7 =	simm.s32 @!p0 $0x108  }
0x21: {  	s3 =	sadd.s32 s3, s9;
	s6 =	sadd.s32 @!p0 $0x88, s6;
	s7 =	simm.s32 @p2 $0x1082  }
0x22: {  	[simem:s7], [sflag:s8] =	dma.local @!p0 [hbm:s6], $0xF7A  }
0x23: {  	s9 =	sor.u32 $0xD0000000, s2;
	s6 =	simm.s32 $0x108;
	_ =	swait.ge @!p0 [sflag:s8], $0x0  }
0x24: {  	s3 =	sadd.s32 $0x88, s3;
	s6 =	simm.s32 @!p1 $0x1082;
	[sflag:s4] =	ssyncset.s32 $0xFFFFF086  }
0x25: {  	[simem:s6], [sflag:s4] =	dma.local [hbm:s3], $0xF7A  }
0x26: {  	[smem:$0x3F93] =	sst s1;
	(tag) =	ssettag s2;
	_ =	strace s9  }
0x27: {  	s1 =	sld [smem:$0x3FA3]  }
0x28: {  	s2 =	sld [smem:$0x3FA4]  }
0x29: {  	s4 =	sld [smem:$0x3FA6]  }
0x2a: {  	p0 =	seq.s32 s5, $0x0;
	s5 =	sld [smem:$0x3FA7]  }
0x2b: {  	s6 =	sld [smem:$0x3FA8]  }
0x2c: {  	s7 =	sld [smem:$0x3FA9]  }
0x2d: {  	s3 =	simm.s32 $0x108;
	s8 =	sld [smem:$0x3FAA]  }
0x2e: {  	s3 =	simm.s32 @!p0 $0x1082;
	s9 =	sld [smem:$0x3FAB]  }
0x2f: {  	lr =	sadd.s32 s0, s3;
	s0 =	sld [smem:$0x3FA2]  }
0x30: {  	s3 =	sld [smem:$0x3FA5]  }
0x31: {  	[smem:$0x3FAE] =	sst s10  }
0x32: {  	s10 =	sld [smem:$0x3FAC];
	_ =	sdelay $0x3  }
0x33: {  	p0 =	seq.s32 s10, $0x1;
	s10 =	sld [smem:$0x3FAE];
	_ =	sdelay $0x3  }
0x34: {  	[smem:$0x3FAE] =	sst s10  }
0x35: {  	s10 =	sld [smem:$0x3FAD];
	_ =	sdelay $0x3  }
0x36: {  	p1 =	seq.s32 s10, $0x1;
	s10 =	sld [smem:$0x3FAE];
	_ =	sdelay $0x3  }
0x37: {  	[smem:$0x3FAE] =	sst s10  }
0x38: {  	s10 =	sld [smem:$0x3FAF]  }
0x39: {  	_ = 	snop;
	(pc) =	sbr.ind lr, $3  }
0x3a: {  	_ = 	snop  }
0x3b: {  	_ = 	snop  }
0x3c: {  	p2 =	seq.s32 s10, $0x1;
	s10 =	sld [smem:$0x3FAE]  }
0x3d: {  	_ =	shalt  }
0x3e: {  	_ =	shalt  }
0x3f: {  	_ =	shalt  }
0x40: {  	_ =	shalt  }
0x41: {  	_ =	shalt  }
0x42: {  	_ =	shalt  }
0x43: {  	_ =	shalt  }
0x44: {  	_ =	shalt  }
0x45: {  	_ =	shalt  }
0x46: {  	_ =	shalt  }
0x47: {  	_ =	shalt  }
0x48: {  	_ =	shalt  }
0x49: {  	_ =	shalt  }
0x4a: {  	_ =	shalt  }
0x4b: {  	_ =	shalt  }
0x4c: {  	_ =	shalt  }
0x4d: {  	_ =	shalt  }
0x4e: {  	_ =	shalt  }
0x4f: {  	_ =	shalt  }
0x50: {  	_ =	shalt  }
0x51: {  	_ =	shalt  }
0x52: {  	_ =	shalt  }
0x53: {  	_ =	shalt  }
0x54: {  	_ =	shalt  }
0x55: {  	_ =	shalt  }
0x56: {  	_ =	shalt  }
0x57: {  	_ =	shalt  }
0x58: {  	_ =	shalt  }
0x59: {  	_ =	shalt  }
0x5a: {  	_ =	shalt  }
0x5b: {  	_ =	shalt  }
0x5c: {  	_ =	shalt  }
0x5d: {  	_ =	shalt  }
0x5e: {  	_ =	shalt  }
0x5f: {  	_ =	shalt  }
0x60: {  	_ =	shalt  }
0x61: {  	_ =	shalt  }
0x62: {  	_ =	shalt  }
0x63: {  	_ =	shalt  }
0x64: {  	_ =	shalt  }
0x65: {  	_ =	shalt  }
0x66: {  	_ =	shalt  }
0x67: {  	_ =	shalt  }
0x68: {  	_ =	shalt  }
0x69: {  	_ =	shalt  }
0x6a: {  	_ =	shalt  }
0x6b: {  	_ =	shalt  }
0x6c: {  	_ =	shalt  }
0x6d: {  	_ =	shalt  }
0x6e: {  	_ =	shalt  }
0x6f: {  	_ =	shalt  }
0x70: {  	_ =	shalt  }
0x71: {  	_ =	shalt  }
0x72: {  	_ =	shalt  }
0x73: {  	_ =	shalt  }
0x74: {  	_ =	shalt  }
0x75: {  	_ =	shalt  }
0x76: {  	_ =	shalt  }
0x77: {  	_ =	shalt  }
0x78: {  	_ =	shalt  }
0x79: {  	_ =	shalt  }
0x7a: {  	_ =	shalt  }
0x7b: {  	_ =	shalt  }
0x7c: {  	_ =	shalt  }
0x7d: {  	_ =	shalt  }
0x7e: {  	_ =	shalt  }
0x7f: {  	_ =	shalt  }
0x80: {  	_ =	shalt  }
0x81: {  	_ =	shalt  }
0x82: {  	_ =	shalt  }
0x83: {  	_ =	shalt  }
0x84: {  	_ =	shalt  }
0x85: {  	_ =	shalt  }
0x86: {  	_ =	shalt  }
0x87: {  	_ =	shalt  }
.Lfunc_end0:
.L_simem_size_0:
called_computation.2_lowered:
.L_overlay_start_0:
0x88: {  	s2 =	sld [smem:$0x3FD9]  }
0x89: {  	s3 =	sld [smem:$0x3FFE];
	_ =	sdelay $0x1  }
0x8a: {  	s1 =	srdreg.scid  }
0x8b: {  	s0 =	sand.u32 $0x1, s1  }
0x8c: {  	s16 =	sshll.u32 s0, $0xA;
	s2 =	sadd.s32 s3, s2  }
0x8d: {  	s2 =	sadd.s32 s2, s16  }
0x8e: {  	[smem:$0x3FBA] =	sst s2  }
0x8f: {  	_ = 	snop  }
0x90: {  	(tm) =	ssettm $0x1  }
0x91: {  	s17 =	sld [smem:$0x3FFB];
	_ =	sdelay $0x3  }
0x92: {  	_ =	strace s17  }
0x93: {  	s2 =	sld [smem:$0x3FFC];
	_ =	sdelay $0x3  }
0x94: {  	_ =	strace s2  }
0x95: {  	s2 =	sld [smem:$0x3FFD];
	_ =	sdelay $0x3  }
0x96: {  	_ =	strace s2  }
0x97: {  	_ =	strace $0x8FFFFFFF  }
0x98: {  	s18 =	sld [smem:$0x3FDB];
	_ =	sdelay $0x1  }
0x99: {  	s19 =	simm.s32 $_scs_section_size  }
0x9a: {  	s4 =	simm.s32 $_size__tile_overlayer_lowered;
	s5 =	simm.s32 $_tile_overlayer_lowered  }
0x9b: {  	s22 =	simm.s32 $0x1BFF;
	s21 =	sshll.u32 s5, $0x1;
	s2 =	sadd.s32 s19, s18  }
0x9c: {  	s6 =	simm.s32 $0x0;
	s20 =	sshll.u32 s4, $0x1;
	s4 =	sadd.s32 s21, s2  }
0x9d: {  	[timem:s6], [sflag:s22] =	dma.local [hbm:s4], s20  }
0x9e: {  	_ =	swait.ge [sflag:s22], s20  }
0x9f: {  	s3 =	ssub.s32 $0x0, s20;
	[sflag:s22] =	ssyncset.done $0x0  }
0xa0: {  	[sflag:s22] =	ssyncadd.s32 s3;
	_ =	sdelay $0x1  }
0xa1: {  	s23 =	simm.s32 $0x1B8B  }
0xa2: {  	_ =	swait.ge [sflag:s23], $0x1  }
0xa3: {  	[sflag:s23] =	ssyncset.done $0x0  }
0xa4: {  	s25 =	simm.s32 $0x1B8E;
	s24 =	sld [smem:$0x3FFE];
	[sflag:s23] =	ssyncadd.s32 $0xFFFFFFFF  }
0xa5: {  	s26 =	simm.s32 $execute0_lowered;
	[smem:$0x3FD2] =	sst s25  }
0xa6: {  	s4 =	sshll.u32 s26, $0x1;
	_ =	strace $0x8000004C;
	[dreg:$0x1] =	wrdreg $0xFFFFFFFF  }
0xa7: {  	s28 =	simm.s32 $_size_execute0_lowered;
	s2 =	sadd.s32 s2, s4;
	[dreg:$0x0] =	wrdreg $0x0  }
0xa8: {  	s4 =	sshll.u32 s28, $0x1;
	[dreg:$0x2] =	wrdreg s2  }
0xa9: {  	[dreg:$0x3] =	wrdreg s4  }
0xaa: {  	[dreg:$0x4] =	wrdreg $0xC0  }
0xab: {  	_ =	task [dreg:s6], $0x5FFFF  }
0xac: {  	[dreg:$0x1] =	wrdreg $0xFFFFFFFF  }
0xad: {  	[dreg:$0x0] =	wrdreg $0x60  }
0xae: {  	[dreg:$0x2] =	wrdreg s24  }
0xaf: {  	[dreg:$0x3] =	wrdreg $0x41000  }
0xb0: {  	[dreg:$0x4] =	wrdreg $0x9  }
0xb1: {  	_ =	task.clear_ibuf [dreg:s6], $0x5FFFF;
	_ =	strace $0x9000004C  }
0xb2: {  	s29 =	simm.s32 $0x9;
	_ =	strace $0x8000004E  }
0xb3: {  	_ =	swait.ge [sflag:s29], $0x1  }
0xb4: {  	[sflag:s29] =	ssyncadd.s32 $0xFFFFFFFF  }
0xb5: {  	_ =	strace $0x9000004E  }
0xb6: {  	_ =	sfence  }
0xb7: {  	s30 =	sld [smem:$0x0];
	_ =	sdelay $0x2  }
0xb8: {  	s31 =	sshll.u32 s1, $0xD;
	s1 =	sshrl.u32 s1, $0x2  }
0xb9: {  	s3 =	sand.u32 $0x4000, s31;
	s1 =	sadd.s32 s1, s30  }
0xba: {  	s0 =	sor.u32 s3, s0;
	s1 =	sshll.u32 s1, $0x11  }
0xbb: {  	s0 =	sor.u32 s1, s0  }
0xbc: {  	s0 =	sadd.s32 $0x8F2B, s0  }
0xbd: {  	[sflag:s0] =	ssyncadd.remote.s32 $0x1  }
0xbe: {  	_ =	sfence.sel $0xFFFF  }
0xbf: {  	[dreg:$0x0] =	wrdreg $0xFFFFFFFF;
	(pc) =	sbr.abs _section_cstart, $3  }
0xc0: {  	[dreg:$0x1] =	wrdreg $0xFFFFFFFF  }
0xc1: {  	_ =	task.clear_ibuf [dreg:s6], $0x2FFFF;
	_ =	strace $0x9FFFFFFF  }
0xc2: {  	(tm) =	ssettm $0x7FFFFFFF  }
0xc3: {  	_ =	shalt  }
tec
execute0_lowered:
.L_overlay_start_1:
0x0: {  	(tag) =	ssettag $0x1  }
0x1: {  	s6 =	rddreg [dreg:$0x0];
	s0 =	srdreg.scid  }
0x2: {  	s2 =	rddreg [dreg:$0x1];
	s1 =	stileid.u32;
	s3 =	simm.s32 $0x0  }
0x3: {  	s15 =	simm.s32 $0x2;
	s16 =	simm.s32 $0x80;
	s5 =	smul.u32 $0x1400, s1  }
0x4: {  	s17 =	simm.s32 $0x100;
	s18 =	simm.s32 $0x1;
	s8 =	smul.u32 $0x13800, s1  }
0x5: {  	s7 =	sand.u32 $0x1, s0;
	s0 =	rddreg [dreg:$0x2];
	s28 =	smul.u32 $0x4E000, s1  }
0x6: {  	s19 =	simm.s32 $0x0;
	[smem:$0x7FF] =	sst s3;
	s4 =	smul.u32 $0x14000, s7  }
0x7: {  	s31 =	sshll.u32 s1, $0x6;
	s10 =	smul.u32 $0x138800, s7;
	s7 =	ssub.s32 $0x2, s7  }
0x8: {  	_ =	strace $0x8000004D;
	s26 =	sshrl.u32 s8, $0x3;
	s29 =	sshrl.u32 s7, $0x1  }
0x9: {  	s30 =	sshrl.u32 s28, $0x2;
	s9 =	sadd.s32 s5, s4;
	s4 =	sadd.s32 $0xB3A00, s6  }
0xa: {  	s5 =	sadd.s32 $0x17200, s6;
	s8 =	sadd.s32 s8, s10;
	s11 =	ssub.s32 s7, s29  }
0xb: {  	s14 =	sadd.s32 s30, s2;
	s7 =	sor.u32 $0x1C02, s31;
	s9 =	sshrl.u32 s9, $0x3  }
0xc: {  	s8 =	sshrl.u32 s8, $0x3;
	s13 =	sadd.s32 s9, s6;
	s9 =	sadd.s32 s26, s6  }
0xd: {  	s14 =	sshrl.u32 s14, $0x3;
	s8 =	sadd.s32 s8, s6;
	s6 =	sadd.s32 $0x8C800, s9  }
0xe: {  	s8 =	sadd.s32 $0x10BC00, s8;
	s9 =	smax.u32 s11, $0x1;
	s10 =	sadd.s32 $0xD200, s13  }
0xf: {  	s11 =	sadd.s32 $0x3200, s13;
	s12 =	sadd.s32 $0x12200, s13;
	s13 =	sadd.s32 $0x8200, s13  }
.LBB2_1:
0x10: {  	[spmem:s14], [sflag:s7] =	dma.local [hbm:s6], $0x2800  }
0x11: {  	_ =	swait.ge [sflag:s15], $0x2800  }
0x12: {  	[sflag:s15] =	ssyncset.done $0x0  }
0x13: {  	[sflag:s15] =	ssyncadd.s32 $0xFFFFD800  }
0x14: {  	s20 =	sadd.s32 $0x0, s11;
	[bflag:$0x0] =	sbarrier.arrive $0xFFFF  }
0x15: {  	[tilespmem:s3], [sflag:$0x2] =	stream.linear.gather [hbm4b:s20+s3], $0x80, $0x38;
	[tilespmem:$0x179C0] =	vst v63  }
0x16: {  	_ =	swait.ge [sflag:s15], $0x80  }
0x17: {  	[sflag:s15] =	ssyncset.done $0x0  }
0x18: {  	s31 =	sadd.s32 $0x0, s10;
	[sflag:s15] =	ssyncadd.s32 $0xFFFFFF80  }
0x19: {  	[tilespmem:s16], [sflag:$0x2] =	stream.linear.gather [hbm4b:s31+s3], $0x80, $0x38;
	[tilespmem:$0x179C0] =	vst v63  }
0x1a: {  	_ =	swait.ge [sflag:s15], $0x80  }
0x1b: {  	[sflag:s15] =	ssyncset.done $0x0  }
0x1c: {  	[sflag:s15] =	ssyncadd.s32 $0xFFFFFF80  }
0x1d: {  	[tilespmem:s17], [sflag:$0x1] =	stream.indirect.gather [hbm4b:s4+s16], $0x80, s3, s16, $0xb8;
	[tilespmem:$0x179C0] =	vst v63  }
0x1e: {  	_ =	swait.ge [sflag:s18], $0x4000  }
0x1f: {  	[sflag:s18] =	ssyncset.done $0x0  }
0x20: {  	[sflag:s18] =	ssyncadd.s32 $0xFFFFC000  }
0x21: {  	[spmem:s2] =	stream.indirect.scatter.add.f32 [tilespmem:s17], [sflag:$0x2], $0x80, s16, s16, $0xb8;
	[tilespmem:$0x179C0] =	vst v63  }
0x22: {  	s21 =	simm.s32 $0x10;
	_ =	swait.ge [sflag:s15], $0x4000  }
0x23: {  	s23 =	sadd.s32 $0x10, s11;
	s22 =	simm.s32 $0x20;
	[sflag:s15] =	ssyncset.done $0x0  }
.LBB2_2:
0x24: {  	s24 =	sadd.s32 s22, s11  }
0x25: {  	s20 =	simm.s32 $0x0;
	[sflag:s15] =	ssyncadd.s32 $0xFFFFC000;
	s25 =	smov.u32 s22  }
0x26: {  	[tilespmem:s20], [sflag:$0x2] =	stream.linear.gather [hbm4b:s23+s20], $0x80, $0x38;
	[tilespmem:$0x179C0] =	vst v63  }
0x27: {  	p0 =	sne.s32 s22, $0x270;
	s22 =	sadd.s32 $0x10, s22;
	_ =	swait.ge [sflag:s15], $0x80  }
0x28: {  	s23 =	smov.u32 s24;
	[sflag:s15] =	ssyncset.done $0x0  }
0x29: {  	s24 =	sadd.s32 s21, s10;
	s21 =	smov.u32 s25;
	[sflag:s15] =	ssyncadd.s32 $0xFFFFFF80  }
0x2a: {  	[tilespmem:s16], [sflag:$0x2] =	stream.linear.gather [hbm4b:s24+s20], $0x80, $0x38;
	[tilespmem:$0x179C0] =	vst v63  }
0x2b: {  	_ =	swait.ge [sflag:s15], $0x80  }
0x2c: {  	[sflag:s15] =	ssyncset.done $0x0  }
0x2d: {  	[sflag:s15] =	ssyncadd.s32 $0xFFFFFF80  }
0x2e: {  	[tilespmem:s17], [sflag:$0x1] =	stream.indirect.gather [hbm4b:s4+s16], $0x80, s20, s16, $0xb8;
	[tilespmem:$0x179C0] =	vst v63  }
0x2f: {  	_ =	swait.ge [sflag:s18], $0x4000  }
.Ltmp0:
0x30: {  	[sflag:s18] =	ssyncset.done $0x0;
	(pc) =	sbr.rel @p0 .LBB2_2-.Ltmp0, $4  }
0x31: {  	[sflag:s18] =	ssyncadd.s32 $0xFFFFC000  }
0x32: {  	[spmem:s2] =	stream.indirect.scatter.add.f32 [tilespmem:s17], [sflag:$0x2], $0x80, s16, s16, $0xb8;
	[tilespmem:$0x179C0] =	vst v63  }
0x33: {  	_ =	swait.ge [sflag:s15], $0x4000  }
0x34: {  	[sflag:s15] =	ssyncset.done $0x0  }
0x35: {  	[sflag:s15] =	ssyncadd.s32 $0xFFFFC000  }
0x36: {  	[tilespmem:s20], [sflag:$0x2] =	stream.linear.gather [hbm4b:s23+s20], $0x80, $0x38;
	[tilespmem:$0x179C0] =	vst v63  }
0x37: {  	_ =	swait.ge [sflag:s15], $0x80  }
0x38: {  	[sflag:s15] =	ssyncset.done $0x0  }
0x39: {  	s21 =	sadd.s32 s21, s10;
	[sflag:s15] =	ssyncadd.s32 $0xFFFFFF80  }
0x3a: {  	[tilespmem:s16], [sflag:$0x2] =	stream.linear.gather [hbm4b:s21+s20], $0x80, $0x38;
	[tilespmem:$0x179C0] =	vst v63  }
0x3b: {  	_ =	swait.ge [sflag:s15], $0x80  }
0x3c: {  	[sflag:s15] =	ssyncset.done $0x0  }
0x3d: {  	[sflag:s15] =	ssyncadd.s32 $0xFFFFFF80  }
0x3e: {  	[tilespmem:s17], [sflag:$0x1] =	stream.indirect.gather [hbm4b:s4+s16], $0x80, s20, s16, $0xb8;
	[tilespmem:$0x179C0] =	vst v63  }
0x3f: {  	_ =	swait.ge [sflag:s18], $0x4000  }
0x40: {  	p1 =	por $0x1, $0x1;
	[sflag:s18] =	ssyncset.done $0x0  }
.Ltmp1:
0x41: {  	[sflag:s18] =	ssyncadd.s32 $0xFFFFC000;
	(pc) =	sbr.rel @!p1 .LBB2_8-.Ltmp1, $4  }
0x42: {  	[spmem:s2] =	stream.indirect.scatter.add.f32 [tilespmem:s17], [sflag:$0x2], $0x80, s16, s16, $0xb8;
	[tilespmem:$0x179C0] =	vst v63  }
0x43: {  	_ =	swait.ge [sflag:s15], $0x4000  }
0x44: {  	[sflag:s15] =	ssyncset.done $0x0  }
0x45: {  	p0 =	por $0x0, $0x0;
	s21 =	simm.s32 $0x10;
	[sflag:s15] =	ssyncadd.s32 $0xFFFFC000  }
0x46: {  	s20 =	sadd.s32 $0x0, s13  }
0x47: {  	[tilespmem:s3], [sflag:$0x2] =	stream.linear.gather [hbm4b:s20+s3], $0x80, $0x38;
	[tilespmem:$0x179C0] =	vst v63  }
0x48: {  	_ =	swait.ge [sflag:s15], $0x80  }
0x49: {  	[sflag:s15] =	ssyncset.done $0x0  }
0x4a: {  	s31 =	sadd.s32 $0x0, s12;
	[sflag:s15] =	ssyncadd.s32 $0xFFFFFF80  }
0x4b: {  	[tilespmem:s16], [sflag:$0x2] =	stream.linear.gather [hbm4b:s31+s3], $0x80, $0x38;
	[tilespmem:$0x179C0] =	vst v63  }
0x4c: {  	_ =	swait.ge [sflag:s15], $0x80  }
0x4d: {  	[sflag:s15] =	ssyncset.done $0x0  }
0x4e: {  	[sflag:s15] =	ssyncadd.s32 $0xFFFFFF80  }
0x4f: {  	[tilespmem:s17], [sflag:$0x1] =	stream.indirect.gather [hbm4b:s5+s16], $0x80, s3, s16, $0xb8;
	[tilespmem:$0x179C0] =	vst v63  }
0x50: {  	p1 =	por $0x1, $0x1;
	_ =	swait.ge [sflag:s18], $0x4000  }
.Ltmp2:
0x51: {  	[sflag:s18] =	ssyncset.done $0x0;
	(pc) =	sbr.rel @!p1 .LBB2_5-.Ltmp2, $4  }
0x52: {  	[sflag:s18] =	ssyncadd.s32 $0xFFFFC000  }
0x53: {  	[spmem:s2] =	stream.indirect.scatter.add.f32 [tilespmem:s17], [sflag:$0x2], $0x80, s16, s16, $0xb8;
	[tilespmem:$0x179C0] =	vst v63  }
0x54: {  	_ =	swait.ge [sflag:s15], $0x4000  }
0x55: {  	p0 =	por $0x1, $0x1;
	s20 =	simm.s32 $0x20;
	[sflag:s15] =	ssyncset.done $0x0  }
.LBB2_6:
0x56: {  	s22 =	sadd.s32 s21, s13  }
0x57: {  	[sflag:s15] =	ssyncadd.s32 $0xFFFFC000;
	s23 =	smov.u32 s20;
	s24 =	sadd.s32 $0x10, s20  }
0x58: {  	[tilespmem:s3], [sflag:$0x2] =	stream.linear.gather [hbm4b:s22+s3], $0x80, $0x38;
	[tilespmem:$0x179C0] =	vst v63  }
0x59: {  	p1 =	sne.s32 s20, $0x270;
	_ =	swait.ge [sflag:s15], $0x80  }
0x5a: {  	[sflag:s15] =	ssyncset.done $0x0  }
0x5b: {  	s20 =	sadd.s32 s21, s12;
	s21 =	smov.u32 s23;
	[sflag:s15] =	ssyncadd.s32 $0xFFFFFF80  }
0x5c: {  	[tilespmem:s16], [sflag:$0x2] =	stream.linear.gather [hbm4b:s20+s3], $0x80, $0x38;
	[tilespmem:$0x179C0] =	vst v63  }
0x5d: {  	_ =	swait.ge [sflag:s15], $0x80  }
0x5e: {  	[sflag:s15] =	ssyncset.done $0x0  }
0x5f: {  	[sflag:s15] =	ssyncadd.s32 $0xFFFFFF80  }
0x60: {  	[tilespmem:s17], [sflag:$0x1] =	stream.indirect.gather [hbm4b:s5+s16], $0x80, s3, s16, $0xb8;
	[tilespmem:$0x179C0] =	vst v63  }
0x61: {  	_ =	swait.ge [sflag:s18], $0x4000  }
.Ltmp3:
0x62: {  	[sflag:s18] =	ssyncset.done $0x0;
	(pc) =	sbr.rel @p1 .LBB2_6-.Ltmp3, $4  }
0x63: {  	[sflag:s18] =	ssyncadd.s32 $0xFFFFC000  }
0x64: {  	[spmem:s2] =	stream.indirect.scatter.add.f32 [tilespmem:s17], [sflag:$0x2], $0x80, s16, s16, $0xb8;
	[tilespmem:$0x179C0] =	vst v63  }
0x65: {  	_ =	swait.ge [sflag:s15], $0x4000  }
0x66: {  	s20 =	smov.u32 s24;
	[sflag:s15] =	ssyncset.done $0x0  }
0x67: {  	s20 =	smov.u32 s21  }
.LBB2_8:
0x68: {  	s21 =	sadd.s32 s20, s13;
	[sflag:s15] =	ssyncadd.s32 @p0 $0xFFFFC000  }
0x69: {  	[tilespmem:s3], [sflag:$0x2] =	stream.linear.gather [hbm4b:s21+s3], $0x80, $0x38;
	[tilespmem:$0x179C0] =	vst v63  }
0x6a: {  	_ =	swait.ge [sflag:s15], $0x80  }
0x6b: {  	[sflag:s15] =	ssyncset.done $0x0  }
0x6c: {  	s31 =	sadd.s32 s20, s12;
	[sflag:s15] =	ssyncadd.s32 $0xFFFFFF80  }
0x6d: {  	[tilespmem:s16], [sflag:$0x2] =	stream.linear.gather [hbm4b:s31+s3], $0x80, $0x38;
	[tilespmem:$0x179C0] =	vst v63  }
0x6e: {  	_ =	swait.ge [sflag:s15], $0x80  }
0x6f: {  	[sflag:s15] =	ssyncset.done $0x0  }
0x70: {  	[sflag:s15] =	ssyncadd.s32 $0xFFFFFF80  }
0x71: {  	[tilespmem:s17], [sflag:$0x1] =	stream.indirect.gather [hbm4b:s5+s16], $0x80, s3, s16, $0xb8;
	[tilespmem:$0x179C0] =	vst v63  }
0x72: {  	_ =	swait.ge [sflag:s18], $0x4000  }
0x73: {  	[sflag:s18] =	ssyncset.done $0x0  }
0x74: {  	[sflag:s18] =	ssyncadd.s32 $0xFFFFC000  }
0x75: {  	[spmem:s2] =	stream.indirect.scatter.add.f32 [tilespmem:s17], [sflag:$0x2], $0x80, s16, s16, $0xb8;
	[tilespmem:$0x179C0] =	vst v63  }
0x76: {  	_ =	swait.ge [sflag:s15], $0x4000  }
0x77: {  	[sflag:s15] =	ssyncset.done $0x0  }
0x78: {  	s19 =	sadd.s32 $0x1, s19;
	[sflag:s15] =	ssyncadd.s32 $0xFFFFC000  }
0x79: {  	p0 =	sne.s32 s19, s9;
	[bflag:$0x0] =	sbarrier.arrive $0xFFFF  }
0x7a: {  	[hbm:s8], [sflag:s7] =	dma.local [spmem:s14], $0x2800  }
.Ltmp4:
0x7b: {  	_ = 	snop;
	(pc) =	sbr.rel @p0 .LBB2_1-.Ltmp4, $4  }
.Ltmp5:
0x7c: {  	_ = 	snop;
	(pc) =	sbr.rel @!p0 .LBB2_9-.Ltmp5, $4  }
0x7d: {  	_ =	swait.ge [sflag:s15], $0x2800  }
0x7e: {  	[sflag:s15] =	ssyncset.done $0x0  }
0x7f: {  	[sflag:s15] =	ssyncadd.s32 $0xFFFFD800  }
0x80: {  	_ = 	snop  }
.LBB2_5:
.Ltmp6:
0x81: {  	(pc) =	sbr.rel .LBB2_8-.Ltmp6, $2  }
0x82: {  	_ =	sdelay $0x2  }
0x83: {  	s20 =	simm.s32 $0x10  }
.LBB2_9:
0x84: {  	_ =	sfence.sel $0x180000  }
0x85: {  	[bflag:$0x0] =	sbarrier.arrive $0xFFFF  }
0x86: {  	p0 =	sne.s32 s1, $0x0;
	_ =	strace $0x9000004D  }
0x87: {  	s0 =	sadd.s32 @!p0 $0x100000, s0;
	[bflag:$0x2] =	sbarrier.arrive $0xFFFF  }
0x88: {  	[sflag:s0] =	ssyncadd.tile.s32 @!p0 $0x1;
	_ =	shalt  }
.Lfunc_end2:
_tile_overlayer_lowered:
.L_overlay_start_2:
0x89: {  	(tag) =	ssettag $0x2  }
0x8a: {  	s0 =	rddreg [dreg:$0x0];
	s2 =	stileid.u32  }
0x8b: {  	s1 =	rddreg [dreg:$0x1];
	p0 =	sne.s32 s2, $0x0  }
0x8c: {  	s3 =	rddreg [dreg:$0x2];
	[bflag:$0x3] =	sbarrier.arrive $0xFFFF;
	s2 =	simm.s32 @!p0 $0x1C02  }
0x8d: {  	[timem:s3], [sflag:s2] =	dma.local @!p0 [hbm:s0], s1  }
0x8e: {  	s0 =	simm.s32 @!p0 $0x2  }
0x8f: {  	_ =	swait.ge @!p0 [sflag:s0], s1  }
0x90: {  	s1 =	ssub.s32 @!p0 $0x0, s1;
	[sflag:s0] =	ssyncset.done @!p0 $0x0  }
0x91: {  	[sflag:s0] =	ssyncadd.s32 @!p0 s1  }
0x92: {  	[bflag:$0x3] =	sbarrier.arrive $0xFFFF  }
0x93: {  	_ =	shalt  }

// kernel: kernel.22.cloned.1.call-start
scs
__scs_entry_jumppad:
0x0: {  	(pc) =	sbr.rel $0x88, $3  }
0x1: {  	(tag) =	ssettag $0x0;
	lr =	simm.s32 $0x1  }
0x2: {  	[smem:$0x3F93] =	sst lr;
	_ =	strace $0xD0000000  }
0x3: {  	_ = 	snop  }
0x4: {  	_ = 	snop  }
0x5: {  	_ = 	snop  }
0x6: {  	_ = 	snop  }
0x7: {  	_ = 	snop  }
__scs_overlays_trampoline_lowered:
0x8: {  	[smem:$0x3FA2] =	sst s0  }
0x9: {  	[smem:$0x3FA3] =	sst s1  }
0xa: {  	[smem:$0x3FA4] =	sst s2  }
0xb: {  	[smem:$0x3FA5] =	sst s3  }
0xc: {  	[smem:$0x3FA6] =	sst s4  }
0xd: {  	[smem:$0x3FA7] =	sst s5  }
0xe: {  	[smem:$0x3FA8] =	sst s6  }
0xf: {  	[smem:$0x3FA9] =	sst s7  }
0x10: {  	[smem:$0x3FAA] =	sst s8  }
0x11: {  	[smem:$0x3FAB] =	sst s9;
	s0 =	simm.s32 @!p0 $0x0  }
0x12: {  	s1 =	sld [smem:$0x3F91];
	s0 =	simm.s32 @p0 $0x1  }
0x13: {  	[smem:$0x3FAC] =	sst s0;
	s0 =	simm.s32 @!p1 $0x0  }
0x14: {  	s2 =	sld [smem:$0x3F90];
	s0 =	simm.s32 @p1 $0x1  }
0x15: {  	[smem:$0x3FAD] =	sst s0;
	s0 =	simm.s32 @!p2 $0x0  }
0x16: {  	s3 =	sld [smem:$0x3FDB];
	s0 =	simm.s32 @p2 $0x1  }
0x17: {  	s4 =	simm.s32 $0x1BF5;
	[smem:$0x3FAF] =	sst s0  }
0x18: {  	s0 =	sld [smem:$0x3F92];
	_ =	swait.ge [sflag:s4], $0x0  }
0x19: {  	s7 =	sld [smem:$0x3F93]  }
0x1a: {  	s8 =	sadd.s32 $0xFFFFE003, lr  }
0x1b: {  	s9 =	sadd.s32 $0xFFFFFEF7, lr;
	s5 =	simm.s32 $0xFFFFFFFF;
	p2 =	slt.u32 s8, $0xFFFFF086  }
0x1c: {  	p1 =	slt.u32 s9, $0xF7A;
	s5 =	simm.s32 @!p2 $0x0  }
0x1d: {  	s5 =	simm.s32 @p1 $0x1;
	p0 =	seq.s32 s7, s2  }
0x1e: {  	s7 =	smul.u32 @!p0 $0xF7A, s2;
	p2 =	seq.s32 @!p0 s5, $0x0  }
0x1f: {  	s9 =	smul.u32 $0xF7A, s1;
	s8 =	simm.s32 @!p0 $0x1BF5;
	p2 =	por !p2, p0  }
0x20: {  	[sflag:s8] =	ssyncset.s32 @!p0 $0xFFFFF086;
	s6 =	sadd.s32 @!p0 s3, s7;
	s7 =	simm.s32 @!p0 $0x108  }
0x21: {  	s3 =	sadd.s32 s3, s9;
	s6 =	sadd.s32 @!p0 $0x88, s6;
	s7 =	simm.s32 @p2 $0x1082  }
0x22: {  	[simem:s7], [sflag:s8] =	dma.local @!p0 [hbm:s6], $0xF7A  }
0x23: {  	s9 =	sor.u32 $0xD0000000, s2;
	s6 =	simm.s32 $0x108;
	_ =	swait.ge @!p0 [sflag:s8], $0x0  }
0x24: {  	s3 =	sadd.s32 $0x88, s3;
	s6 =	simm.s32 @!p1 $0x1082;
	[sflag:s4] =	ssyncset.s32 $0xFFFFF086  }
0x25: {  	[simem:s6], [sflag:s4] =	dma.local [hbm:s3], $0xF7A  }
0x26: {  	[smem:$0x3F93] =	sst s1;
	(tag) =	ssettag s2;
	_ =	strace s9  }
0x27: {  	s1 =	sld [smem:$0x3FA3]  }
0x28: {  	s2 =	sld [smem:$0x3FA4]  }
0x29: {  	s4 =	sld [smem:$0x3FA6]  }
0x2a: {  	p0 =	seq.s32 s5, $0x0;
	s5 =	sld [smem:$0x3FA7]  }
0x2b: {  	s6 =	sld [smem:$0x3FA8]  }
0x2c: {  	s7 =	sld [smem:$0x3FA9]  }
0x2d: {  	s3 =	simm.s32 $0x108;
	s8 =	sld [smem:$0x3FAA]  }
0x2e: {  	s3 =	simm.s32 @!p0 $0x1082;
	s9 =	sld [smem:$0x3FAB]  }
0x2f: {  	lr =	sadd.s32 s0, s3;
	s0 =	sld [smem:$0x3FA2]  }
0x30: {  	s3 =	sld [smem:$0x3FA5]  }
0x31: {  	[smem:$0x3FAE] =	sst s10  }
0x32: {  	s10 =	sld [smem:$0x3FAC];
	_ =	sdelay $0x3  }
0x33: {  	p0 =	seq.s32 s10, $0x1;
	s10 =	sld [smem:$0x3FAE];
	_ =	sdelay $0x3  }
0x34: {  	[smem:$0x3FAE] =	sst s10  }
0x35: {  	s10 =	sld [smem:$0x3FAD];
	_ =	sdelay $0x3  }
0x36: {  	p1 =	seq.s32 s10, $0x1;
	s10 =	sld [smem:$0x3FAE];
	_ =	sdelay $0x3  }
0x37: {  	[smem:$0x3FAE] =	sst s10  }
0x38: {  	s10 =	sld [smem:$0x3FAF]  }
0x39: {  	_ = 	snop;
	(pc) =	sbr.ind lr, $3  }
0x3a: {  	_ = 	snop  }
0x3b: {  	_ = 	snop  }
0x3c: {  	p2 =	seq.s32 s10, $0x1;
	s10 =	sld [smem:$0x3FAE]  }
0x3d: {  	_ =	shalt  }
0x3e: {  	_ =	shalt  }
0x3f: {  	_ =	shalt  }
0x40: {  	_ =	shalt  }
0x41: {  	_ =	shalt  }
0x42: {  	_ =	shalt  }
0x43: {  	_ =	shalt  }
0x44: {  	_ =	shalt  }
0x45: {  	_ =	shalt  }
0x46: {  	_ =	shalt  }
0x47: {  	_ =	shalt  }
0x48: {  	_ =	shalt  }
0x49: {  	_ =	shalt  }
0x4a: {  	_ =	shalt  }
0x4b: {  	_ =	shalt  }
0x4c: {  	_ =	shalt  }
0x4d: {  	_ =	shalt  }
0x4e: {  	_ =	shalt  }
0x4f: {  	_ =	shalt  }
0x50: {  	_ =	shalt  }
0x51: {  	_ =	shalt  }
0x52: {  	_ =	shalt  }
0x53: {  	_ =	shalt  }
0x54: {  	_ =	shalt  }
0x55: {  	_ =	shalt  }
0x56: {  	_ =	shalt  }
0x57: {  	_ =	shalt  }
0x58: {  	_ =	shalt  }
0x59: {  	_ =	shalt  }
0x5a: {  	_ =	shalt  }
0x5b: {  	_ =	shalt  }
0x5c: {  	_ =	shalt  }
0x5d: {  	_ =	shalt  }
0x5e: {  	_ =	shalt  }
0x5f: {  	_ =	shalt  }
0x60: {  	_ =	shalt  }
0x61: {  	_ =	shalt  }
0x62: {  	_ =	shalt  }
0x63: {  	_ =	shalt  }
0x64: {  	_ =	shalt  }
0x65: {  	_ =	shalt  }
0x66: {  	_ =	shalt  }
0x67: {  	_ =	shalt  }
0x68: {  	_ =	shalt  }
0x69: {  	_ =	shalt  }
0x6a: {  	_ =	shalt  }
0x6b: {  	_ =	shalt  }
0x6c: {  	_ =	shalt  }
0x6d: {  	_ =	shalt  }
0x6e: {  	_ =	shalt  }
0x6f: {  	_ =	shalt  }
0x70: {  	_ =	shalt  }
0x71: {  	_ =	shalt  }
0x72: {  	_ =	shalt  }
0x73: {  	_ =	shalt  }
0x74: {  	_ =	shalt  }
0x75: {  	_ =	shalt  }
0x76: {  	_ =	shalt  }
0x77: {  	_ =	shalt  }
0x78: {  	_ =	shalt  }
0x79: {  	_ =	shalt  }
0x7a: {  	_ =	shalt  }
0x7b: {  	_ =	shalt  }
0x7c: {  	_ =	shalt  }
0x7d: {  	_ =	shalt  }
0x7e: {  	_ =	shalt  }
0x7f: {  	_ =	shalt  }
0x80: {  	_ =	shalt  }
0x81: {  	_ =	shalt  }
0x82: {  	_ =	shalt  }
0x83: {  	_ =	shalt  }
0x84: {  	_ =	shalt  }
0x85: {  	_ =	shalt  }
0x86: {  	_ =	shalt  }
0x87: {  	_ =	shalt  }
.Lfunc_end0:
.L_simem_size_0:
called_computation.3_lowered:
.L_overlay_start_0:
0x88: {  	s2 =	sld [smem:$0x3FD9]  }
0x89: {  	s3 =	sld [smem:$0x3FFE];
	_ =	sdelay $0x1  }
0x8a: {  	s1 =	srdreg.scid  }
0x8b: {  	s0 =	sand.u32 $0x1, s1  }
0x8c: {  	s17 =	sshll.u32 s0, $0xA;
	s2 =	sadd.s32 s3, s2  }
0x8d: {  	s2 =	sadd.s32 s2, s17  }
0x8e: {  	[smem:$0x3FBA] =	sst s2  }
0x8f: {  	_ = 	snop  }
0x90: {  	(tm) =	ssettm $0x1  }
0x91: {  	s18 =	sld [smem:$0x3FFB];
	_ =	sdelay $0x3  }
0x92: {  	_ =	strace s18  }
0x93: {  	s2 =	sld [smem:$0x3FFC];
	_ =	sdelay $0x3  }
0x94: {  	_ =	strace s2  }
0x95: {  	s2 =	sld [smem:$0x3FFD];
	_ =	sdelay $0x3  }
0x96: {  	_ =	strace s2  }
0x97: {  	_ =	strace $0x8FFFFFFF  }
0x98: {  	s19 =	sld [smem:$0x3FDB];
	_ =	sdelay $0x1  }
0x99: {  	s20 =	simm.s32 $_scs_section_size  }
0x9a: {  	s4 =	simm.s32 $_size__tile_overlayer_lowered;
	s5 =	simm.s32 $_tile_overlayer_lowered  }
0x9b: {  	s6 =	simm.s32 $0x1BFF;
	s21 =	sshll.u32 s5, $0x1;
	s3 =	sadd.s32 s20, s19  }
0x9c: {  	s22 =	simm.s32 $0x0;
	s4 =	sshll.u32 s4, $0x1;
	s5 =	sadd.s32 s21, s3  }
0x9d: {  	[timem:s22], [sflag:s6] =	dma.local [hbm:s5], s4  }
0x9e: {  	_ =	swait.ge [sflag:s6], s4  }
0x9f: {  	s4 =	ssub.s32 $0x0, s4;
	[sflag:s6] =	ssyncset.done $0x0  }
0xa0: {  	[sflag:s6] =	ssyncadd.s32 s4;
	_ =	sdelay $0x1  }
0xa1: {  	s23 =	simm.s32 $0x1B8B  }
0xa2: {  	_ =	swait.ge [sflag:s23], $0x1  }
0xa3: {  	[sflag:s23] =	ssyncset.done $0x0  }
0xa4: {  	[sflag:s23] =	ssyncadd.s32 $0xFFFFFFFF  }
0xa5: {  	s4 =	sld [smem:$0x0]  }
0xa6: {  	s5 =	sand.u32 $0xFFFFFFFE, s1  }
0xa7: {  	p0 =	sne.s32 s1, s5  }
0xa8: {  	s5 =	sshll.u32 @p0 s5, $0xE  }
0xa9: {  	s5 =	sadd.s32 @p0 $0x11B8D, s5;
	s6 =	sshll.u32 @p0 s4, $0x11  }
0xaa: {  	s5 =	sor.u32 @p0 s6, s5  }
0xab: {  	[sflag:s5] =	ssyncadd.remote.s32 @p0 $0x1;
	_ =	sdelay $0x1  }
0xac: {  	s5 =	simm.s32 @p0 $0x1B8D  }
0xad: {  	_ =	swait.eq @p0 [sflag:s5], $0x1  }
0xae: {  	[sflag:s5] =	ssyncadd.s32 @p0 $0xFFFFFFFF  }
0xaf: {  	s6 =	sshll.u32 @!p0 s1, $0xE  }
0xb0: {  	s6 =	sor.u32 @!p0 $0x4000, s6;
	s5 =	simm.s32 @!p0 $0x1B8D  }
0xb1: {  	s4 =	sshll.u32 @!p0 s4, $0x11;
	s6 =	sadd.s32 @!p0 $0x11B8D, s6;
	_ =	swait.eq @!p0 [sflag:s5], $0x1  }
0xb2: {  	s4 =	sor.u32 @!p0 s4, s6;
	[sflag:s5] =	ssyncadd.s32 @!p0 $0xFFFFFFFF  }
0xb3: {  	s25 =	simm.s32 $0x1B8E;
	s24 =	sld [smem:$0x3FFE];
	[sflag:s4] =	ssyncadd.remote.s32 @!p0 $0x1  }
0xb4: {  	s26 =	simm.s32 $execute0_lowered;
	[smem:$0x3FD2] =	sst s25  }
0xb5: {  	s5 =	sshll.u32 s26, $0x1;
	_ =	strace $0x8000004F;
	[dreg:$0x1] =	wrdreg $0xFFFFFFFF  }
0xb6: {  	s28 =	simm.s32 $_size_execute0_lowered;
	s3 =	sadd.s32 s3, s5;
	[dreg:$0x0] =	wrdreg $0x0  }
0xb7: {  	s5 =	sshll.u32 s28, $0x1;
	[dreg:$0x2] =	wrdreg s3  }
0xb8: {  	[dreg:$0x3] =	wrdreg s5  }
0xb9: {  	[dreg:$0x4] =	wrdreg $0xC0  }
0xba: {  	_ =	task [dreg:s22], $0x5FFFF  }
0xbb: {  	[dreg:$0x1] =	wrdreg $0xFFFFFFFF  }
0xbc: {  	[dreg:$0x0] =	wrdreg $0x60  }
0xbd: {  	[dreg:$0x2] =	wrdreg s24  }
0xbe: {  	[dreg:$0x3] =	wrdreg $0x41000  }
0xbf: {  	[dreg:$0x4] =	wrdreg $0xA  }
0xc0: {  	_ =	task.clear_ibuf [dreg:s22], $0x5FFFF;
	_ =	strace $0x9000004F  }
0xc1: {  	s29 =	simm.s32 $0xA;
	_ =	strace $0x80000051  }
0xc2: {  	_ =	swait.ge [sflag:s29], $0x1  }
0xc3: {  	[sflag:s29] =	ssyncadd.s32 $0xFFFFFFFF  }
0xc4: {  	_ =	strace $0x90000051  }
0xc5: {  	_ =	sfence  }
0xc6: {  	s30 =	sld [smem:$0x0];
	_ =	sdelay $0x2  }
0xc7: {  	s31 =	sshll.u32 s1, $0xD;
	s1 =	sshrl.u32 s1, $0x2  }
0xc8: {  	s4 =	sand.u32 $0x4000, s31;
	s1 =	sadd.s32 s1, s30  }
0xc9: {  	s0 =	sor.u32 s4, s0;
	s1 =	sshll.u32 s1, $0x11  }
0xca: {  	s0 =	sor.u32 s1, s0  }
0xcb: {  	s0 =	sadd.s32 $0x8F2B, s0  }
0xcc: {  	[sflag:s0] =	ssyncadd.remote.s32 $0x1  }
0xcd: {  	_ =	sfence.sel $0xFFFF  }
0xce: {  	[dreg:$0x0] =	wrdreg $0xFFFFFFFF;
	(pc) =	sbr.abs _section_cstart, $3  }
0xcf: {  	[dreg:$0x1] =	wrdreg $0xFFFFFFFF  }
0xd0: {  	_ =	task.clear_ibuf [dreg:s22], $0x2FFFF;
	_ =	strace $0x9FFFFFFF  }
0xd1: {  	(tm) =	ssettm $0x7FFFFFFF  }
tec
execute0_lowered:
.L_overlay_start_1:
0x0: {  	(tag) =	ssettag $0x1  }
0x1: {  	s5 =	rddreg [dreg:$0x0];
	s0 =	srdreg.scid  }
0x2: {  	s2 =	rddreg [dreg:$0x1];
	s1 =	stileid.u32  }
0x3: {  	s3 =	simm.s32 $0x0;
	s13 =	simm.s32 $0x80;
	s8 =	smul.u32 $0x13800, s1  }
0x4: {  	s14 =	simm.s32 $0x100;
	s15 =	simm.s32 $0x1;
	s26 =	smul.u32 $0x4E000, s1  }
0x5: {  	s6 =	sand.u32 $0x1, s0;
	s0 =	rddreg [dreg:$0x2];
	s30 =	smul.u32 $0x280, s1  }
0x6: {  	s16 =	simm.s32 $0x0;
	[smem:$0x7FF] =	sst s3;
	s7 =	smul.u32 $0x2800, s6  }
0x7: {  	s4 =	sadd.s32 $0x3E400, s5;
	s31 =	sshll.u32 s1, $0x6;
	s9 =	smul.u32 $0x138800, s6  }
0x8: {  	_ =	strace $0x80000050;
	s6 =	ssub.s32 $0x2, s6;
	s25 =	sshrl.u32 s8, $0x3  }
0x9: {  	s28 =	sshrl.u32 s6, $0x1;
	s29 =	sshrl.u32 s26, $0x2;
	s10 =	sadd.s32 s7, s5  }
0xa: {  	s8 =	sadd.s32 s8, s9;
	s7 =	sadd.s32 s25, s5;
	s11 =	ssub.s32 s6, s28  }
0xb: {  	s6 =	sor.u32 $0x1C02, s31;
	s8 =	sshrl.u32 s8, $0x3;
	s10 =	sadd.s32 s30, s10  }
0xc: {  	s8 =	sadd.s32 s8, s5;
	s5 =	sadd.s32 $0x8C800, s7;
	s9 =	sadd.s32 $0x106C00, s10  }
0xd: {  	s12 =	sadd.s32 s29, s2;
	s10 =	sadd.s32 $0x101C00, s10;
	s7 =	sadd.s32 $0x159E00, s8  }
0xe: {  	s8 =	smax.u32 s11, $0x1;
	s11 =	sshrl.u32 s12, $0x3;
	s12 =	simm.s32 $0x2  }
.LBB2_1:
0xf: {  	[spmem:s11], [sflag:s6] =	dma.local [hbm:s5], $0x2800  }
0x10: {  	_ =	swait.ge [sflag:s12], $0x2800  }
0x11: {  	[sflag:s12] =	ssyncset.done $0x0  }
0x12: {  	[sflag:s12] =	ssyncadd.s32 $0xFFFFD800  }
0x13: {  	s17 =	sadd.s32 $0x0, s10;
	[bflag:$0x0] =	sbarrier.arrive $0xFFFF  }
0x14: {  	[tilespmem:s3], [sflag:$0x2] =	stream.linear.gather [hbm4b:s17+s3], $0x80, $0x38;
	[tilespmem:$0x179C0] =	vst v63  }
0x15: {  	_ =	swait.ge [sflag:s12], $0x80  }
0x16: {  	[sflag:s12] =	ssyncset.done $0x0  }
0x17: {  	s31 =	sadd.s32 $0x0, s9;
	[sflag:s12] =	ssyncadd.s32 $0xFFFFFF80  }
0x18: {  	[tilespmem:s13], [sflag:$0x2] =	stream.linear.gather [hbm4b:s31+s3], $0x80, $0x38;
	[tilespmem:$0x179C0] =	vst v63  }
0x19: {  	_ =	swait.ge [sflag:s12], $0x80  }
0x1a: {  	[sflag:s12] =	ssyncset.done $0x0  }
0x1b: {  	[sflag:s12] =	ssyncadd.s32 $0xFFFFFF80  }
0x1c: {  	[tilespmem:s14], [sflag:$0x1] =	stream.indirect.gather [hbm4b:s4+s13], $0x80, s3, s13, $0xb8;
	[tilespmem:$0x179C0] =	vst v63  }
0x1d: {  	_ =	swait.ge [sflag:s15], $0x4000  }
0x1e: {  	[sflag:s15] =	ssyncset.done $0x0  }
0x1f: {  	[sflag:s15] =	ssyncadd.s32 $0xFFFFC000  }
0x20: {  	[spmem:s2] =	stream.indirect.scatter.add.f32 [tilespmem:s14], [sflag:$0x2], $0x80, s13, s13, $0xb8;
	[tilespmem:$0x179C0] =	vst v63  }
0x21: {  	_ =	swait.ge [sflag:s12], $0x4000  }
0x22: {  	s18 =	simm.s32 $0x20;
	s17 =	simm.s32 $0x10;
	[sflag:s12] =	ssyncset.done $0x0  }
.LBB2_2:
0x23: {  	s19 =	sadd.s32 s17, s10  }
0x24: {  	[sflag:s12] =	ssyncadd.s32 $0xFFFFC000;
	s20 =	smov.u32 s18;
	s21 =	sadd.s32 $0x10, s18  }
0x25: {  	[tilespmem:s3], [sflag:$0x2] =	stream.linear.gather [hbm4b:s19+s3], $0x80, $0x38;
	[tilespmem:$0x179C0] =	vst v63  }
0x26: {  	p0 =	sne.s32 s18, $0x270;
	_ =	swait.ge [sflag:s12], $0x80  }
0x27: {  	[sflag:s12] =	ssyncset.done $0x0  }
0x28: {  	s18 =	sadd.s32 s17, s9;
	s17 =	smov.u32 s20;
	[sflag:s12] =	ssyncadd.s32 $0xFFFFFF80  }
0x29: {  	[tilespmem:s13], [sflag:$0x2] =	stream.linear.gather [hbm4b:s18+s3], $0x80, $0x38;
	[tilespmem:$0x179C0] =	vst v63  }
0x2a: {  	_ =	swait.ge [sflag:s12], $0x80  }
0x2b: {  	[sflag:s12] =	ssyncset.done $0x0  }
0x2c: {  	[sflag:s12] =	ssyncadd.s32 $0xFFFFFF80  }
0x2d: {  	[tilespmem:s14], [sflag:$0x1] =	stream.indirect.gather [hbm4b:s4+s13], $0x80, s3, s13, $0xb8;
	[tilespmem:$0x179C0] =	vst v63  }
0x2e: {  	_ =	swait.ge [sflag:s15], $0x4000  }
.Ltmp0:
0x2f: {  	[sflag:s15] =	ssyncset.done $0x0;
	(pc) =	sbr.rel @p0 .LBB2_2-.Ltmp0, $4  }
0x30: {  	[sflag:s15] =	ssyncadd.s32 $0xFFFFC000  }
0x31: {  	[spmem:s2] =	stream.indirect.scatter.add.f32 [tilespmem:s14], [sflag:$0x2], $0x80, s13, s13, $0xb8;
	[tilespmem:$0x179C0] =	vst v63  }
0x32: {  	_ =	swait.ge [sflag:s12], $0x4000  }
0x33: {  	s18 =	smov.u32 s21;
	[sflag:s12] =	ssyncset.done $0x0  }
0x34: {  	s18 =	sadd.s32 s17, s10;
	[sflag:s12] =	ssyncadd.s32 $0xFFFFC000  }
0x35: {  	[tilespmem:s3], [sflag:$0x2] =	stream.linear.gather [hbm4b:s18+s3], $0x80, $0x38;
	[tilespmem:$0x179C0] =	vst v63  }
0x36: {  	_ =	swait.ge [sflag:s12], $0x80  }
0x37: {  	[sflag:s12] =	ssyncset.done $0x0  }
0x38: {  	s31 =	sadd.s32 s17, s9;
	[sflag:s12] =	ssyncadd.s32 $0xFFFFFF80  }
0x39: {  	[tilespmem:s13], [sflag:$0x2] =	stream.linear.gather [hbm4b:s31+s3], $0x80, $0x38;
	[tilespmem:$0x179C0] =	vst v63  }
0x3a: {  	_ =	swait.ge [sflag:s12], $0x80  }
0x3b: {  	[sflag:s12] =	ssyncset.done $0x0  }
0x3c: {  	[sflag:s12] =	ssyncadd.s32 $0xFFFFFF80  }
0x3d: {  	[tilespmem:s14], [sflag:$0x1] =	stream.indirect.gather [hbm4b:s4+s13], $0x80, s3, s13, $0xb8;
	[tilespmem:$0x179C0] =	vst v63  }
0x3e: {  	_ =	swait.ge [sflag:s15], $0x4000  }
0x3f: {  	[sflag:s15] =	ssyncset.done $0x0  }
0x40: {  	[sflag:s15] =	ssyncadd.s32 $0xFFFFC000  }
0x41: {  	[spmem:s2] =	stream.indirect.scatter.add.f32 [tilespmem:s14], [sflag:$0x2], $0x80, s13, s13, $0xb8;
	[tilespmem:$0x179C0] =	vst v63  }
0x42: {  	_ =	swait.ge [sflag:s12], $0x4000  }
0x43: {  	s16 =	sadd.s32 $0x1, s16;
	[sflag:s12] =	ssyncset.done $0x0  }
0x44: {  	p0 =	sne.s32 s16, s8;
	[sflag:s12] =	ssyncadd.s32 $0xFFFFC000  }
.Ltmp1:
0x45: {  	[bflag:$0x0] =	sbarrier.arrive $0xFFFF;
	(pc) =	sbr.rel @p0 .LBB2_1-.Ltmp1, $4  }
0x46: {  	[hbm:s7], [sflag:s6] =	dma.local [spmem:s11], $0x2800  }
0x47: {  	_ =	swait.ge [sflag:s12], $0x2800  }
0x48: {  	[sflag:s12] =	ssyncset.done $0x0  }
0x49: {  	[sflag:s12] =	ssyncadd.s32 $0xFFFFD800  }
0x4a: {  	_ =	sfence.sel $0x180000  }
0x4b: {  	[bflag:$0x0] =	sbarrier.arrive $0xFFFF  }
0x4c: {  	p0 =	sne.s32 s1, $0x0;
	_ =	strace $0x90000050  }
0x4d: {  	s0 =	sadd.s32 @!p0 $0x100000, s0;
	[bflag:$0x2] =	sbarrier.arrive $0xFFFF  }
0x4e: {  	[sflag:s0] =	ssyncadd.tile.s32 @!p0 $0x1;
	_ =	shalt  }
.Lfunc_end2:
_tile_overlayer_lowered:
.L_overlay_start_2:
0x4f: {  	(tag) =	ssettag $0x2  }
0x50: {  	s0 =	rddreg [dreg:$0x0];
	s2 =	stileid.u32  }
0x51: {  	s1 =	rddreg [dreg:$0x1];
	p0 =	sne.s32 s2, $0x0  }
0x52: {  	s3 =	rddreg [dreg:$0x2];
	[bflag:$0x3] =	sbarrier.arrive $0xFFFF;
	s2 =	simm.s32 @!p0 $0x1C02  }
0x53: {  	[timem:s3], [sflag:s2] =	dma.local @!p0 [hbm:s0], s1  }
0x54: {  	s0 =	simm.s32 @!p0 $0x2  }
0x55: {  	_ =	swait.ge @!p0 [sflag:s0], s1  }
0x56: {  	s1 =	ssub.s32 @!p0 $0x0, s1;
	[sflag:s0] =	ssyncset.done @!p0 $0x0  }
0x57: {  	[sflag:s0] =	ssyncadd.s32 @!p0 s1  }
0x58: {  	[bflag:$0x3] =	sbarrier.arrive $0xFFFF  }
0x59: {  	_ =	shalt  }

// kernel: kernel.25.cloned.1.call-start
scs
__scs_entry_jumppad:
0x0: {  	(pc) =	sbr.rel $0x88, $3  }
0x1: {  	(tag) =	ssettag $0x0;
	lr =	simm.s32 $0x1  }
0x2: {  	[smem:$0x3F93] =	sst lr;
	_ =	strace $0xD0000000  }
0x3: {  	_ = 	snop  }
0x4: {  	_ = 	snop  }
0x5: {  	_ = 	snop  }
0x6: {  	_ = 	snop  }
0x7: {  	_ = 	snop  }
__scs_overlays_trampoline_lowered:
0x8: {  	[smem:$0x3FA2] =	sst s0  }
0x9: {  	[smem:$0x3FA3] =	sst s1  }
0xa: {  	[smem:$0x3FA4] =	sst s2  }
0xb: {  	[smem:$0x3FA5] =	sst s3  }
0xc: {  	[smem:$0x3FA6] =	sst s4  }
0xd: {  	[smem:$0x3FA7] =	sst s5  }
0xe: {  	[smem:$0x3FA8] =	sst s6  }
0xf: {  	[smem:$0x3FA9] =	sst s7  }
0x10: {  	[smem:$0x3FAA] =	sst s8  }
0x11: {  	[smem:$0x3FAB] =	sst s9;
	s0 =	simm.s32 @!p0 $0x0  }
0x12: {  	s1 =	sld [smem:$0x3F91];
	s0 =	simm.s32 @p0 $0x1  }
0x13: {  	[smem:$0x3FAC] =	sst s0;
	s0 =	simm.s32 @!p1 $0x0  }
0x14: {  	s2 =	sld [smem:$0x3F90];
	s0 =	simm.s32 @p1 $0x1  }
0x15: {  	[smem:$0x3FAD] =	sst s0;
	s0 =	simm.s32 @!p2 $0x0  }
0x16: {  	s3 =	sld [smem:$0x3FDB];
	s0 =	simm.s32 @p2 $0x1  }
0x17: {  	s4 =	simm.s32 $0x1BF5;
	[smem:$0x3FAF] =	sst s0  }
0x18: {  	s0 =	sld [smem:$0x3F92];
	_ =	swait.ge [sflag:s4], $0x0  }
0x19: {  	s7 =	sld [smem:$0x3F93]  }
0x1a: {  	s8 =	sadd.s32 $0xFFFFE003, lr  }
0x1b: {  	s9 =	sadd.s32 $0xFFFFFEF7, lr;
	s5 =	simm.s32 $0xFFFFFFFF;
	p2 =	slt.u32 s8, $0xFFFFF086  }
0x1c: {  	p1 =	slt.u32 s9, $0xF7A;
	s5 =	simm.s32 @!p2 $0x0  }
0x1d: {  	s5 =	simm.s32 @p1 $0x1;
	p0 =	seq.s32 s7, s2  }
0x1e: {  	s7 =	smul.u32 @!p0 $0xF7A, s2;
	p2 =	seq.s32 @!p0 s5, $0x0  }
0x1f: {  	s9 =	smul.u32 $0xF7A, s1;
	s8 =	simm.s32 @!p0 $0x1BF5;
	p2 =	por !p2, p0  }
0x20: {  	[sflag:s8] =	ssyncset.s32 @!p0 $0xFFFFF086;
	s6 =	sadd.s32 @!p0 s3, s7;
	s7 =	simm.s32 @!p0 $0x108  }
0x21: {  	s3 =	sadd.s32 s3, s9;
	s6 =	sadd.s32 @!p0 $0x88, s6;
	s7 =	simm.s32 @p2 $0x1082  }
0x22: {  	[simem:s7], [sflag:s8] =	dma.local @!p0 [hbm:s6], $0xF7A  }
0x23: {  	s9 =	sor.u32 $0xD0000000, s2;
	s6 =	simm.s32 $0x108;
	_ =	swait.ge @!p0 [sflag:s8], $0x0  }
0x24: {  	s3 =	sadd.s32 $0x88, s3;
	s6 =	simm.s32 @!p1 $0x1082;
	[sflag:s4] =	ssyncset.s32 $0xFFFFF086  }
0x25: {  	[simem:s6], [sflag:s4] =	dma.local [hbm:s3], $0xF7A  }
0x26: {  	[smem:$0x3F93] =	sst s1;
	(tag) =	ssettag s2;
	_ =	strace s9  }
0x27: {  	s1 =	sld [smem:$0x3FA3]  }
0x28: {  	s2 =	sld [smem:$0x3FA4]  }
0x29: {  	s4 =	sld [smem:$0x3FA6]  }
0x2a: {  	p0 =	seq.s32 s5, $0x0;
	s5 =	sld [smem:$0x3FA7]  }
0x2b: {  	s6 =	sld [smem:$0x3FA8]  }
0x2c: {  	s7 =	sld [smem:$0x3FA9]  }
0x2d: {  	s3 =	simm.s32 $0x108;
	s8 =	sld [smem:$0x3FAA]  }
0x2e: {  	s3 =	simm.s32 @!p0 $0x1082;
	s9 =	sld [smem:$0x3FAB]  }
0x2f: {  	lr =	sadd.s32 s0, s3;
	s0 =	sld [smem:$0x3FA2]  }
0x30: {  	s3 =	sld [smem:$0x3FA5]  }
0x31: {  	[smem:$0x3FAE] =	sst s10  }
0x32: {  	s10 =	sld [smem:$0x3FAC];
	_ =	sdelay $0x3  }
0x33: {  	p0 =	seq.s32 s10, $0x1;
	s10 =	sld [smem:$0x3FAE];
	_ =	sdelay $0x3  }
0x34: {  	[smem:$0x3FAE] =	sst s10  }
0x35: {  	s10 =	sld [smem:$0x3FAD];
	_ =	sdelay $0x3  }
0x36: {  	p1 =	seq.s32 s10, $0x1;
	s10 =	sld [smem:$0x3FAE];
	_ =	sdelay $0x3  }
0x37: {  	[smem:$0x3FAE] =	sst s10  }
0x38: {  	s10 =	sld [smem:$0x3FAF]  }
0x39: {  	_ = 	snop;
	(pc) =	sbr.ind lr, $3  }
0x3a: {  	_ = 	snop  }
0x3b: {  	_ = 	snop  }
0x3c: {  	p2 =	seq.s32 s10, $0x1;
	s10 =	sld [smem:$0x3FAE]  }
0x3d: {  	_ =	shalt  }
0x3e: {  	_ =	shalt  }
0x3f: {  	_ =	shalt  }
0x40: {  	_ =	shalt  }
0x41: {  	_ =	shalt  }
0x42: {  	_ =	shalt  }
0x43: {  	_ =	shalt  }
0x44: {  	_ =	shalt  }
0x45: {  	_ =	shalt  }
0x46: {  	_ =	shalt  }
0x47: {  	_ =	shalt  }
0x48: {  	_ =	shalt  }
0x49: {  	_ =	shalt  }
0x4a: {  	_ =	shalt  }
0x4b: {  	_ =	shalt  }
0x4c: {  	_ =	shalt  }
0x4d: {  	_ =	shalt  }
0x4e: {  	_ =	shalt  }
0x4f: {  	_ =	shalt  }
0x50: {  	_ =	shalt  }
0x51: {  	_ =	shalt  }
0x52: {  	_ =	shalt  }
0x53: {  	_ =	shalt  }
0x54: {  	_ =	shalt  }
0x55: {  	_ =	shalt  }
0x56: {  	_ =	shalt  }
0x57: {  	_ =	shalt  }
0x58: {  	_ =	shalt  }
0x59: {  	_ =	shalt  }
0x5a: {  	_ =	shalt  }
0x5b: {  	_ =	shalt  }
0x5c: {  	_ =	shalt  }
0x5d: {  	_ =	shalt  }
0x5e: {  	_ =	shalt  }
0x5f: {  	_ =	shalt  }
0x60: {  	_ =	shalt  }
0x61: {  	_ =	shalt  }
0x62: {  	_ =	shalt  }
0x63: {  	_ =	shalt  }
0x64: {  	_ =	shalt  }
0x65: {  	_ =	shalt  }
0x66: {  	_ =	shalt  }
0x67: {  	_ =	shalt  }
0x68: {  	_ =	shalt  }
0x69: {  	_ =	shalt  }
0x6a: {  	_ =	shalt  }
0x6b: {  	_ =	shalt  }
0x6c: {  	_ =	shalt  }
0x6d: {  	_ =	shalt  }
0x6e: {  	_ =	shalt  }
0x6f: {  	_ =	shalt  }
0x70: {  	_ =	shalt  }
0x71: {  	_ =	shalt  }
0x72: {  	_ =	shalt  }
0x73: {  	_ =	shalt  }
0x74: {  	_ =	shalt  }
0x75: {  	_ =	shalt  }
0x76: {  	_ =	shalt  }
0x77: {  	_ =	shalt  }
0x78: {  	_ =	shalt  }
0x79: {  	_ =	shalt  }
0x7a: {  	_ =	shalt  }
0x7b: {  	_ =	shalt  }
0x7c: {  	_ =	shalt  }
0x7d: {  	_ =	shalt  }
0x7e: {  	_ =	shalt  }
0x7f: {  	_ =	shalt  }
0x80: {  	_ =	shalt  }
0x81: {  	_ =	shalt  }
0x82: {  	_ =	shalt  }
0x83: {  	_ =	shalt  }
0x84: {  	_ =	shalt  }
0x85: {  	_ =	shalt  }
0x86: {  	_ =	shalt  }
0x87: {  	_ =	shalt  }
.Lfunc_end0:
.L_simem_size_0:
called_computation.4_lowered:
.L_overlay_start_0:
0x88: {  	s2 =	sld [smem:$0x3FD9]  }
0x89: {  	s3 =	sld [smem:$0x3FFE];
	_ =	sdelay $0x1  }
0x8a: {  	s1 =	srdreg.scid  }
0x8b: {  	s0 =	sand.u32 $0x1, s1  }
0x8c: {  	s17 =	sshll.u32 s0, $0xA;
	s2 =	sadd.s32 s3, s2  }
0x8d: {  	s2 =	sadd.s32 s2, s17  }
0x8e: {  	[smem:$0x3FBA] =	sst s2  }
0x8f: {  	_ = 	snop  }
0x90: {  	(tm) =	ssettm $0x1  }
0x91: {  	s18 =	sld [smem:$0x3FFB];
	_ =	sdelay $0x3  }
0x92: {  	_ =	strace s18  }
0x93: {  	s2 =	sld [smem:$0x3FFC];
	_ =	sdelay $0x3  }
0x94: {  	_ =	strace s2  }
0x95: {  	s2 =	sld [smem:$0x3FFD];
	_ =	sdelay $0x3  }
0x96: {  	_ =	strace s2  }
0x97: {  	_ =	strace $0x8FFFFFFF  }
0x98: {  	s19 =	sld [smem:$0x3FDB];
	_ =	sdelay $0x1  }
0x99: {  	s20 =	simm.s32 $_scs_section_size  }
0x9a: {  	s4 =	simm.s32 $_size__tile_overlayer_lowered;
	s5 =	simm.s32 $_tile_overlayer_lowered  }
0x9b: {  	s6 =	simm.s32 $0x1BFF;
	s21 =	sshll.u32 s5, $0x1;
	s3 =	sadd.s32 s20, s19  }
0x9c: {  	s22 =	simm.s32 $0x0;
	s4 =	sshll.u32 s4, $0x1;
	s5 =	sadd.s32 s21, s3  }
0x9d: {  	[timem:s22], [sflag:s6] =	dma.local [hbm:s5], s4  }
0x9e: {  	_ =	swait.ge [sflag:s6], s4  }
0x9f: {  	s4 =	ssub.s32 $0x0, s4;
	[sflag:s6] =	ssyncset.done $0x0  }
0xa0: {  	[sflag:s6] =	ssyncadd.s32 s4;
	_ =	sdelay $0x1  }
0xa1: {  	s23 =	simm.s32 $0x1B8B  }
0xa2: {  	_ =	swait.ge [sflag:s23], $0x1  }
0xa3: {  	[sflag:s23] =	ssyncset.done $0x0  }
0xa4: {  	[sflag:s23] =	ssyncadd.s32 $0xFFFFFFFF  }
0xa5: {  	s4 =	sld [smem:$0x0]  }
0xa6: {  	s5 =	sand.u32 $0xFFFFFFFE, s1  }
0xa7: {  	p0 =	sne.s32 s1, s5  }
0xa8: {  	s5 =	sshll.u32 @p0 s5, $0xE  }
0xa9: {  	s5 =	sadd.s32 @p0 $0x11B8D, s5;
	s6 =	sshll.u32 @p0 s4, $0x11  }
0xaa: {  	s5 =	sor.u32 @p0 s6, s5  }
0xab: {  	[sflag:s5] =	ssyncadd.remote.s32 @p0 $0x1;
	_ =	sdelay $0x1  }
0xac: {  	s5 =	simm.s32 @p0 $0x1B8D  }
0xad: {  	_ =	swait.eq @p0 [sflag:s5], $0x1  }
0xae: {  	[sflag:s5] =	ssyncadd.s32 @p0 $0xFFFFFFFF  }
0xaf: {  	s6 =	sshll.u32 @!p0 s1, $0xE  }
0xb0: {  	s6 =	sor.u32 @!p0 $0x4000, s6;
	s5 =	simm.s32 @!p0 $0x1B8D  }
0xb1: {  	s4 =	sshll.u32 @!p0 s4, $0x11;
	s6 =	sadd.s32 @!p0 $0x11B8D, s6;
	_ =	swait.eq @!p0 [sflag:s5], $0x1  }
0xb2: {  	s4 =	sor.u32 @!p0 s4, s6;
	[sflag:s5] =	ssyncadd.s32 @!p0 $0xFFFFFFFF  }
0xb3: {  	s25 =	simm.s32 $0x1B8E;
	s24 =	sld [smem:$0x3FFE];
	[sflag:s4] =	ssyncadd.remote.s32 @!p0 $0x1  }
0xb4: {  	s26 =	simm.s32 $execute0_lowered;
	[smem:$0x3FD2] =	sst s25  }
0xb5: {  	s5 =	sshll.u32 s26, $0x1;
	_ =	strace $0x80000058;
	[dreg:$0x1] =	wrdreg $0xFFFFFFFF  }
0xb6: {  	s28 =	simm.s32 $_size_execute0_lowered;
	s3 =	sadd.s32 s3, s5;
	[dreg:$0x0] =	wrdreg $0x0  }
0xb7: {  	s5 =	sshll.u32 s28, $0x1;
	[dreg:$0x2] =	wrdreg s3  }
0xb8: {  	[dreg:$0x3] =	wrdreg s5  }
0xb9: {  	[dreg:$0x4] =	wrdreg $0xC0  }
0xba: {  	_ =	task [dreg:s22], $0x5FFFF  }
0xbb: {  	[dreg:$0x1] =	wrdreg $0xFFFFFFFF  }
0xbc: {  	[dreg:$0x0] =	wrdreg $0x60  }
0xbd: {  	[dreg:$0x2] =	wrdreg s24  }
0xbe: {  	[dreg:$0x3] =	wrdreg $0x41000  }
0xbf: {  	[dreg:$0x4] =	wrdreg $0x9  }
0xc0: {  	_ =	task.clear_ibuf [dreg:s22], $0x5FFFF;
	_ =	strace $0x90000058  }
0xc1: {  	s29 =	simm.s32 $0x9;
	_ =	strace $0x8000005A  }
0xc2: {  	_ =	swait.ge [sflag:s29], $0x1  }
0xc3: {  	[sflag:s29] =	ssyncadd.s32 $0xFFFFFFFF  }
0xc4: {  	_ =	strace $0x9000005A  }
0xc5: {  	_ =	sfence  }
0xc6: {  	s30 =	sld [smem:$0x0];
	_ =	sdelay $0x2  }
0xc7: {  	s31 =	sshll.u32 s1, $0xD;
	s1 =	sshrl.u32 s1, $0x2  }
0xc8: {  	s4 =	sand.u32 $0x4000, s31;
	s1 =	sadd.s32 s1, s30  }
0xc9: {  	s0 =	sor.u32 s4, s0;
	s1 =	sshll.u32 s1, $0x11  }
0xca: {  	s0 =	sor.u32 s1, s0  }
0xcb: {  	s0 =	sadd.s32 $0x8F2B, s0  }
0xcc: {  	[sflag:s0] =	ssyncadd.remote.s32 $0x1  }
0xcd: {  	_ =	sfence.sel $0xFFFF  }
0xce: {  	[dreg:$0x0] =	wrdreg $0xFFFFFFFF;
	(pc) =	sbr.abs _section_cstart, $3  }
0xcf: {  	[dreg:$0x1] =	wrdreg $0xFFFFFFFF  }
0xd0: {  	_ =	task.clear_ibuf [dreg:s22], $0x2FFFF;
	_ =	strace $0x9FFFFFFF  }
0xd1: {  	(tm) =	ssettm $0x7FFFFFFF  }
tec
execute0_lowered:
.L_overlay_start_1:
0x0: {  	(tag) =	ssettag $0x1  }
0x1: {  	s5 =	rddreg [dreg:$0x0];
	s0 =	srdreg.scid  }
0x2: {  	s2 =	rddreg [dreg:$0x1];
	s1 =	stileid.u32  }
0x3: {  	s3 =	simm.s32 $0x0;
	s13 =	simm.s32 $0x80;
	s8 =	smul.u32 $0x13800, s1  }
0x4: {  	s14 =	simm.s32 $0x100;
	s15 =	simm.s32 $0x1;
	s26 =	smul.u32 $0x4E000, s1  }
0x5: {  	s6 =	sand.u32 $0x1, s0;
	s0 =	rddreg [dreg:$0x2];
	s30 =	smul.u32 $0x280, s1  }
0x6: {  	s16 =	simm.s32 $0x0;
	[smem:$0x7FF] =	sst s3;
	s7 =	smul.u32 $0x2800, s6  }
0x7: {  	s4 =	sadd.s32 $0xB3A00, s5;
	s31 =	sshll.u32 s1, $0x6;
	s9 =	smul.u32 $0x138800, s6  }
0x8: {  	_ =	strace $0x80000059;
	s6 =	ssub.s32 $0x2, s6;
	s25 =	sshrl.u32 s8, $0x3  }
0x9: {  	s28 =	sshrl.u32 s6, $0x1;
	s29 =	sshrl.u32 s26, $0x2;
	s10 =	sadd.s32 s7, s5  }
0xa: {  	s8 =	sadd.s32 s8, s9;
	s7 =	sadd.s32 s25, s5;
	s11 =	ssub.s32 s6, s28  }
0xb: {  	s12 =	sadd.s32 s29, s2;
	s6 =	sor.u32 $0x1C02, s31;
	s8 =	sshrl.u32 s8, $0x3  }
0xc: {  	s10 =	sadd.s32 s30, s10;
	s8 =	sadd.s32 s8, s5;
	s5 =	sadd.s32 $0x8C800, s7  }
0xd: {  	s9 =	sadd.s32 $0xD200, s10;
	s10 =	sadd.s32 $0x3200, s10;
	s7 =	sadd.s32 $0x159E00, s8  }
0xe: {  	s8 =	smax.u32 s11, $0x1;
	s11 =	sshrl.u32 s12, $0x3;
	s12 =	simm.s32 $0x2  }
.LBB2_1:
0xf: {  	[spmem:s11], [sflag:s6] =	dma.local [hbm:s5], $0x2800  }
0x10: {  	_ =	swait.ge [sflag:s12], $0x2800  }
0x11: {  	[sflag:s12] =	ssyncset.done $0x0  }
0x12: {  	[sflag:s12] =	ssyncadd.s32 $0xFFFFD800  }
0x13: {  	s17 =	sadd.s32 $0x0, s10;
	[bflag:$0x0] =	sbarrier.arrive $0xFFFF  }
0x14: {  	[tilespmem:s3], [sflag:$0x2] =	stream.linear.gather [hbm4b:s17+s3], $0x80, $0x38;
	[tilespmem:$0x179C0] =	vst v63  }
0x15: {  	_ =	swait.ge [sflag:s12], $0x80  }
0x16: {  	[sflag:s12] =	ssyncset.done $0x0  }
0x17: {  	s31 =	sadd.s32 $0x0, s9;
	[sflag:s12] =	ssyncadd.s32 $0xFFFFFF80  }
0x18: {  	[tilespmem:s13], [sflag:$0x2] =	stream.linear.gather [hbm4b:s31+s3], $0x80, $0x38;
	[tilespmem:$0x179C0] =	vst v63  }
0x19: {  	_ =	swait.ge [sflag:s12], $0x80  }
0x1a: {  	[sflag:s12] =	ssyncset.done $0x0  }
0x1b: {  	[sflag:s12] =	ssyncadd.s32 $0xFFFFFF80  }
0x1c: {  	[tilespmem:s14], [sflag:$0x1] =	stream.indirect.gather [hbm4b:s4+s13], $0x80, s3, s13, $0xb8;
	[tilespmem:$0x179C0] =	vst v63  }
0x1d: {  	_ =	swait.ge [sflag:s15], $0x4000  }
0x1e: {  	[sflag:s15] =	ssyncset.done $0x0  }
0x1f: {  	[sflag:s15] =	ssyncadd.s32 $0xFFFFC000  }
0x20: {  	[spmem:s2] =	stream.indirect.scatter.add.f32 [tilespmem:s14], [sflag:$0x2], $0x80, s13, s13, $0xb8;
	[tilespmem:$0x179C0] =	vst v63  }
0x21: {  	_ =	swait.ge [sflag:s12], $0x4000  }
0x22: {  	s18 =	simm.s32 $0x20;
	s17 =	simm.s32 $0x10;
	[sflag:s12] =	ssyncset.done $0x0  }
.LBB2_2:
0x23: {  	s19 =	sadd.s32 s17, s10  }
0x24: {  	[sflag:s12] =	ssyncadd.s32 $0xFFFFC000;
	s20 =	smov.u32 s18;
	s21 =	sadd.s32 $0x10, s18  }
0x25: {  	[tilespmem:s3], [sflag:$0x2] =	stream.linear.gather [hbm4b:s19+s3], $0x80, $0x38;
	[tilespmem:$0x179C0] =	vst v63  }
0x26: {  	p0 =	sne.s32 s18, $0x270;
	_ =	swait.ge [sflag:s12], $0x80  }
0x27: {  	[sflag:s12] =	ssyncset.done $0x0  }
0x28: {  	s18 =	sadd.s32 s17, s9;
	s17 =	smov.u32 s20;
	[sflag:s12] =	ssyncadd.s32 $0xFFFFFF80  }
0x29: {  	[tilespmem:s13], [sflag:$0x2] =	stream.linear.gather [hbm4b:s18+s3], $0x80, $0x38;
	[tilespmem:$0x179C0] =	vst v63  }
0x2a: {  	_ =	swait.ge [sflag:s12], $0x80  }
0x2b: {  	[sflag:s12] =	ssyncset.done $0x0  }
0x2c: {  	[sflag:s12] =	ssyncadd.s32 $0xFFFFFF80  }
0x2d: {  	[tilespmem:s14], [sflag:$0x1] =	stream.indirect.gather [hbm4b:s4+s13], $0x80, s3, s13, $0xb8;
	[tilespmem:$0x179C0] =	vst v63  }
0x2e: {  	_ =	swait.ge [sflag:s15], $0x4000  }
.Ltmp0:
0x2f: {  	[sflag:s15] =	ssyncset.done $0x0;
	(pc) =	sbr.rel @p0 .LBB2_2-.Ltmp0, $4  }
0x30: {  	[sflag:s15] =	ssyncadd.s32 $0xFFFFC000  }
0x31: {  	[spmem:s2] =	stream.indirect.scatter.add.f32 [tilespmem:s14], [sflag:$0x2], $0x80, s13, s13, $0xb8;
	[tilespmem:$0x179C0] =	vst v63  }
0x32: {  	_ =	swait.ge [sflag:s12], $0x4000  }
0x33: {  	s18 =	smov.u32 s21;
	[sflag:s12] =	ssyncset.done $0x0  }
0x34: {  	s18 =	sadd.s32 s17, s10;
	[sflag:s12] =	ssyncadd.s32 $0xFFFFC000  }
0x35: {  	[tilespmem:s3], [sflag:$0x2] =	stream.linear.gather [hbm4b:s18+s3], $0x80, $0x38;
	[tilespmem:$0x179C0] =	vst v63  }
0x36: {  	_ =	swait.ge [sflag:s12], $0x80  }
0x37: {  	[sflag:s12] =	ssyncset.done $0x0  }
0x38: {  	s31 =	sadd.s32 s17, s9;
	[sflag:s12] =	ssyncadd.s32 $0xFFFFFF80  }
0x39: {  	[tilespmem:s13], [sflag:$0x2] =	stream.linear.gather [hbm4b:s31+s3], $0x80, $0x38;
	[tilespmem:$0x179C0] =	vst v63  }
0x3a: {  	_ =	swait.ge [sflag:s12], $0x80  }
0x3b: {  	[sflag:s12] =	ssyncset.done $0x0  }
0x3c: {  	[sflag:s12] =	ssyncadd.s32 $0xFFFFFF80  }
0x3d: {  	[tilespmem:s14], [sflag:$0x1] =	stream.indirect.gather [hbm4b:s4+s13], $0x80, s3, s13, $0xb8;
	[tilespmem:$0x179C0] =	vst v63  }
0x3e: {  	_ =	swait.ge [sflag:s15], $0x4000  }
0x3f: {  	[sflag:s15] =	ssyncset.done $0x0  }
0x40: {  	[sflag:s15] =	ssyncadd.s32 $0xFFFFC000  }
0x41: {  	[spmem:s2] =	stream.indirect.scatter.add.f32 [tilespmem:s14], [sflag:$0x2], $0x80, s13, s13, $0xb8;
	[tilespmem:$0x179C0] =	vst v63  }
0x42: {  	_ =	swait.ge [sflag:s12], $0x4000  }
0x43: {  	s16 =	sadd.s32 $0x1, s16;
	[sflag:s12] =	ssyncset.done $0x0  }
0x44: {  	p0 =	sne.s32 s16, s8;
	[sflag:s12] =	ssyncadd.s32 $0xFFFFC000  }
.Ltmp1:
0x45: {  	[bflag:$0x0] =	sbarrier.arrive $0xFFFF;
	(pc) =	sbr.rel @p0 .LBB2_1-.Ltmp1, $4  }
0x46: {  	[hbm:s7], [sflag:s6] =	dma.local [spmem:s11], $0x2800  }
0x47: {  	_ =	swait.ge [sflag:s12], $0x2800  }
0x48: {  	[sflag:s12] =	ssyncset.done $0x0  }
0x49: {  	[sflag:s12] =	ssyncadd.s32 $0xFFFFD800  }
0x4a: {  	_ =	sfence.sel $0x180000  }
0x4b: {  	[bflag:$0x0] =	sbarrier.arrive $0xFFFF  }
0x4c: {  	p0 =	sne.s32 s1, $0x0;
	_ =	strace $0x90000059  }
0x4d: {  	s0 =	sadd.s32 @!p0 $0x100000, s0;
	[bflag:$0x2] =	sbarrier.arrive $0xFFFF  }
0x4e: {  	[sflag:s0] =	ssyncadd.tile.s32 @!p0 $0x1;
	_ =	shalt  }
.Lfunc_end2:
_tile_overlayer_lowered:
.L_overlay_start_2:
0x4f: {  	(tag) =	ssettag $0x2  }
0x50: {  	s0 =	rddreg [dreg:$0x0];
	s2 =	stileid.u32  }
0x51: {  	s1 =	rddreg [dreg:$0x1];
	p0 =	sne.s32 s2, $0x0  }
0x52: {  	s3 =	rddreg [dreg:$0x2];
	[bflag:$0x3] =	sbarrier.arrive $0xFFFF;
	s2 =	simm.s32 @!p0 $0x1C02  }
0x53: {  	[timem:s3], [sflag:s2] =	dma.local @!p0 [hbm:s0], s1  }
0x54: {  	s0 =	simm.s32 @!p0 $0x2  }
0x55: {  	_ =	swait.ge @!p0 [sflag:s0], s1  }
0x56: {  	s1 =	ssub.s32 @!p0 $0x0, s1;
	[sflag:s0] =	ssyncset.done @!p0 $0x0  }
0x57: {  	[sflag:s0] =	ssyncadd.s32 @!p0 s1  }
0x58: {  	[bflag:$0x3] =	sbarrier.arrive $0xFFFF  }
0x59: {  	_ =	shalt  }

// kernel: kernel.28.cloned.1.call-start
scs
__scs_entry_jumppad:
0x0: {  	(pc) =	sbr.rel $0x88, $3  }
0x1: {  	(tag) =	ssettag $0x0;
	lr =	simm.s32 $0x1  }
0x2: {  	[smem:$0x3F93] =	sst lr;
	_ =	strace $0xD0000000  }
0x3: {  	_ = 	snop  }
0x4: {  	_ = 	snop  }
0x5: {  	_ = 	snop  }
0x6: {  	_ = 	snop  }
0x7: {  	_ = 	snop  }
__scs_overlays_trampoline_lowered:
0x8: {  	[smem:$0x3FA2] =	sst s0  }
0x9: {  	[smem:$0x3FA3] =	sst s1  }
0xa: {  	[smem:$0x3FA4] =	sst s2  }
0xb: {  	[smem:$0x3FA5] =	sst s3  }
0xc: {  	[smem:$0x3FA6] =	sst s4  }
0xd: {  	[smem:$0x3FA7] =	sst s5  }
0xe: {  	[smem:$0x3FA8] =	sst s6  }
0xf: {  	[smem:$0x3FA9] =	sst s7  }
0x10: {  	[smem:$0x3FAA] =	sst s8  }
0x11: {  	[smem:$0x3FAB] =	sst s9;
	s0 =	simm.s32 @!p0 $0x0  }
0x12: {  	s1 =	sld [smem:$0x3F91];
	s0 =	simm.s32 @p0 $0x1  }
0x13: {  	[smem:$0x3FAC] =	sst s0;
	s0 =	simm.s32 @!p1 $0x0  }
0x14: {  	s2 =	sld [smem:$0x3F90];
	s0 =	simm.s32 @p1 $0x1  }
0x15: {  	[smem:$0x3FAD] =	sst s0;
	s0 =	simm.s32 @!p2 $0x0  }
0x16: {  	s3 =	sld [smem:$0x3FDB];
	s0 =	simm.s32 @p2 $0x1  }
0x17: {  	s4 =	simm.s32 $0x1BF5;
	[smem:$0x3FAF] =	sst s0  }
0x18: {  	s0 =	sld [smem:$0x3F92];
	_ =	swait.ge [sflag:s4], $0x0  }
0x19: {  	s7 =	sld [smem:$0x3F93]  }
0x1a: {  	s8 =	sadd.s32 $0xFFFFE003, lr  }
0x1b: {  	s9 =	sadd.s32 $0xFFFFFEF7, lr;
	s5 =	simm.s32 $0xFFFFFFFF;
	p2 =	slt.u32 s8, $0xFFFFF086  }
0x1c: {  	p1 =	slt.u32 s9, $0xF7A;
	s5 =	simm.s32 @!p2 $0x0  }
0x1d: {  	s5 =	simm.s32 @p1 $0x1;
	p0 =	seq.s32 s7, s2  }
0x1e: {  	s7 =	smul.u32 @!p0 $0xF7A, s2;
	p2 =	seq.s32 @!p0 s5, $0x0  }
0x1f: {  	s9 =	smul.u32 $0xF7A, s1;
	s8 =	simm.s32 @!p0 $0x1BF5;
	p2 =	por !p2, p0  }
0x20: {  	[sflag:s8] =	ssyncset.s32 @!p0 $0xFFFFF086;
	s6 =	sadd.s32 @!p0 s3, s7;
	s7 =	simm.s32 @!p0 $0x108  }
0x21: {  	s3 =	sadd.s32 s3, s9;
	s6 =	sadd.s32 @!p0 $0x88, s6;
	s7 =	simm.s32 @p2 $0x1082  }
0x22: {  	[simem:s7], [sflag:s8] =	dma.local @!p0 [hbm:s6], $0xF7A  }
0x23: {  	s9 =	sor.u32 $0xD0000000, s2;
	s6 =	simm.s32 $0x108;
	_ =	swait.ge @!p0 [sflag:s8], $0x0  }
0x24: {  	s3 =	sadd.s32 $0x88, s3;
	s6 =	simm.s32 @!p1 $0x1082;
	[sflag:s4] =	ssyncset.s32 $0xFFFFF086  }
0x25: {  	[simem:s6], [sflag:s4] =	dma.local [hbm:s3], $0xF7A  }
0x26: {  	[smem:$0x3F93] =	sst s1;
	(tag) =	ssettag s2;
	_ =	strace s9  }
0x27: {  	s1 =	sld [smem:$0x3FA3]  }
0x28: {  	s2 =	sld [smem:$0x3FA4]  }
0x29: {  	s4 =	sld [smem:$0x3FA6]  }
0x2a: {  	p0 =	seq.s32 s5, $0x0;
	s5 =	sld [smem:$0x3FA7]  }
0x2b: {  	s6 =	sld [smem:$0x3FA8]  }
0x2c: {  	s7 =	sld [smem:$0x3FA9]  }
0x2d: {  	s3 =	simm.s32 $0x108;
	s8 =	sld [smem:$0x3FAA]  }
0x2e: {  	s3 =	simm.s32 @!p0 $0x1082;
	s9 =	sld [smem:$0x3FAB]  }
0x2f: {  	lr =	sadd.s32 s0, s3;
	s0 =	sld [smem:$0x3FA2]  }
0x30: {  	s3 =	sld [smem:$0x3FA5]  }
0x31: {  	[smem:$0x3FAE] =	sst s10  }
0x32: {  	s10 =	sld [smem:$0x3FAC];
	_ =	sdelay $0x3  }
0x33: {  	p0 =	seq.s32 s10, $0x1;
	s10 =	sld [smem:$0x3FAE];
	_ =	sdelay $0x3  }
0x34: {  	[smem:$0x3FAE] =	sst s10  }
0x35: {  	s10 =	sld [smem:$0x3FAD];
	_ =	sdelay $0x3  }
0x36: {  	p1 =	seq.s32 s10, $0x1;
	s10 =	sld [smem:$0x3FAE];
	_ =	sdelay $0x3  }
0x37: {  	[smem:$0x3FAE] =	sst s10  }
0x38: {  	s10 =	sld [smem:$0x3FAF]  }
0x39: {  	_ = 	snop;
	(pc) =	sbr.ind lr, $3  }
0x3a: {  	_ = 	snop  }
0x3b: {  	_ = 	snop  }
0x3c: {  	p2 =	seq.s32 s10, $0x1;
	s10 =	sld [smem:$0x3FAE]  }
0x3d: {  	_ =	shalt  }
0x3e: {  	_ =	shalt  }
0x3f: {  	_ =	shalt  }
0x40: {  	_ =	shalt  }
0x41: {  	_ =	shalt  }
0x42: {  	_ =	shalt  }
0x43: {  	_ =	shalt  }
0x44: {  	_ =	shalt  }
0x45: {  	_ =	shalt  }
0x46: {  	_ =	shalt  }
0x47: {  	_ =	shalt  }
0x48: {  	_ =	shalt  }
0x49: {  	_ =	shalt  }
0x4a: {  	_ =	shalt  }
0x4b: {  	_ =	shalt  }
0x4c: {  	_ =	shalt  }
0x4d: {  	_ =	shalt  }
0x4e: {  	_ =	shalt  }
0x4f: {  	_ =	shalt  }
0x50: {  	_ =	shalt  }
0x51: {  	_ =	shalt  }
0x52: {  	_ =	shalt  }
0x53: {  	_ =	shalt  }
0x54: {  	_ =	shalt  }
0x55: {  	_ =	shalt  }
0x56: {  	_ =	shalt  }
0x57: {  	_ =	shalt  }
0x58: {  	_ =	shalt  }
0x59: {  	_ =	shalt  }
0x5a: {  	_ =	shalt  }
0x5b: {  	_ =	shalt  }
0x5c: {  	_ =	shalt  }
0x5d: {  	_ =	shalt  }
0x5e: {  	_ =	shalt  }
0x5f: {  	_ =	shalt  }
0x60: {  	_ =	shalt  }
0x61: {  	_ =	shalt  }
0x62: {  	_ =	shalt  }
0x63: {  	_ =	shalt  }
0x64: {  	_ =	shalt  }
0x65: {  	_ =	shalt  }
0x66: {  	_ =	shalt  }
0x67: {  	_ =	shalt  }
0x68: {  	_ =	shalt  }
0x69: {  	_ =	shalt  }
0x6a: {  	_ =	shalt  }
0x6b: {  	_ =	shalt  }
0x6c: {  	_ =	shalt  }
0x6d: {  	_ =	shalt  }
0x6e: {  	_ =	shalt  }
0x6f: {  	_ =	shalt  }
0x70: {  	_ =	shalt  }
0x71: {  	_ =	shalt  }
0x72: {  	_ =	shalt  }
0x73: {  	_ =	shalt  }
0x74: {  	_ =	shalt  }
0x75: {  	_ =	shalt  }
0x76: {  	_ =	shalt  }
0x77: {  	_ =	shalt  }
0x78: {  	_ =	shalt  }
0x79: {  	_ =	shalt  }
0x7a: {  	_ =	shalt  }
0x7b: {  	_ =	shalt  }
0x7c: {  	_ =	shalt  }
0x7d: {  	_ =	shalt  }
0x7e: {  	_ =	shalt  }
0x7f: {  	_ =	shalt  }
0x80: {  	_ =	shalt  }
0x81: {  	_ =	shalt  }
0x82: {  	_ =	shalt  }
0x83: {  	_ =	shalt  }
0x84: {  	_ =	shalt  }
0x85: {  	_ =	shalt  }
0x86: {  	_ =	shalt  }
0x87: {  	_ =	shalt  }
.Lfunc_end0:
.L_simem_size_0:
called_computation.5_lowered:
.L_overlay_start_0:
0x88: {  	s2 =	sld [smem:$0x3FD9]  }
0x89: {  	s3 =	sld [smem:$0x3FFE];
	_ =	sdelay $0x1  }
0x8a: {  	s1 =	srdreg.scid  }
0x8b: {  	s0 =	sand.u32 $0x1, s1  }
0x8c: {  	s17 =	sshll.u32 s0, $0xA;
	s2 =	sadd.s32 s3, s2  }
0x8d: {  	s2 =	sadd.s32 s2, s17  }
0x8e: {  	[smem:$0x3FBA] =	sst s2  }
0x8f: {  	_ = 	snop  }
0x90: {  	(tm) =	ssettm $0x1  }
0x91: {  	s18 =	sld [smem:$0x3FFB];
	_ =	sdelay $0x3  }
0x92: {  	_ =	strace s18  }
0x93: {  	s2 =	sld [smem:$0x3FFC];
	_ =	sdelay $0x3  }
0x94: {  	_ =	strace s2  }
0x95: {  	s2 =	sld [smem:$0x3FFD];
	_ =	sdelay $0x3  }
0x96: {  	_ =	strace s2  }
0x97: {  	_ =	strace $0x8FFFFFFF  }
0x98: {  	s19 =	sld [smem:$0x3FDB];
	_ =	sdelay $0x1  }
0x99: {  	s20 =	simm.s32 $_scs_section_size  }
0x9a: {  	s4 =	simm.s32 $_size__tile_overlayer_lowered;
	s5 =	simm.s32 $_tile_overlayer_lowered  }
0x9b: {  	s6 =	simm.s32 $0x1BFF;
	s21 =	sshll.u32 s5, $0x1;
	s3 =	sadd.s32 s20, s19  }
0x9c: {  	s22 =	simm.s32 $0x0;
	s4 =	sshll.u32 s4, $0x1;
	s5 =	sadd.s32 s21, s3  }
0x9d: {  	[timem:s22], [sflag:s6] =	dma.local [hbm:s5], s4  }
0x9e: {  	_ =	swait.ge [sflag:s6], s4  }
0x9f: {  	s4 =	ssub.s32 $0x0, s4;
	[sflag:s6] =	ssyncset.done $0x0  }
0xa0: {  	[sflag:s6] =	ssyncadd.s32 s4;
	_ =	sdelay $0x1  }
0xa1: {  	s23 =	simm.s32 $0x1B8B  }
0xa2: {  	_ =	swait.ge [sflag:s23], $0x1  }
0xa3: {  	[sflag:s23] =	ssyncset.done $0x0  }
0xa4: {  	[sflag:s23] =	ssyncadd.s32 $0xFFFFFFFF  }
0xa5: {  	s4 =	sld [smem:$0x0]  }
0xa6: {  	s5 =	sand.u32 $0xFFFFFFFE, s1  }
0xa7: {  	p0 =	sne.s32 s1, s5  }
0xa8: {  	s5 =	sshll.u32 @p0 s5, $0xE  }
0xa9: {  	s5 =	sadd.s32 @p0 $0x11B8D, s5;
	s6 =	sshll.u32 @p0 s4, $0x11  }
0xaa: {  	s5 =	sor.u32 @p0 s6, s5  }
0xab: {  	[sflag:s5] =	ssyncadd.remote.s32 @p0 $0x1;
	_ =	sdelay $0x1  }
0xac: {  	s5 =	simm.s32 @p0 $0x1B8D  }
0xad: {  	_ =	swait.eq @p0 [sflag:s5], $0x1  }
0xae: {  	[sflag:s5] =	ssyncadd.s32 @p0 $0xFFFFFFFF  }
0xaf: {  	s6 =	sshll.u32 @!p0 s1, $0xE  }
0xb0: {  	s6 =	sor.u32 @!p0 $0x4000, s6;
	s5 =	simm.s32 @!p0 $0x1B8D  }
0xb1: {  	s4 =	sshll.u32 @!p0 s4, $0x11;
	s6 =	sadd.s32 @!p0 $0x11B8D, s6;
	_ =	swait.eq @!p0 [sflag:s5], $0x1  }
0xb2: {  	s4 =	sor.u32 @!p0 s4, s6;
	[sflag:s5] =	ssyncadd.s32 @!p0 $0xFFFFFFFF  }
0xb3: {  	s25 =	simm.s32 $0x1B8E;
	s24 =	sld [smem:$0x3FFE];
	[sflag:s4] =	ssyncadd.remote.s32 @!p0 $0x1  }
0xb4: {  	s26 =	simm.s32 $execute0_lowered;
	[smem:$0x3FD2] =	sst s25  }
0xb5: {  	s5 =	sshll.u32 s26, $0x1;
	_ =	strace $0x80000055;
	[dreg:$0x1] =	wrdreg $0xFFFFFFFF  }
0xb6: {  	s28 =	simm.s32 $_size_execute0_lowered;
	s3 =	sadd.s32 s3, s5;
	[dreg:$0x0] =	wrdreg $0x0  }
0xb7: {  	s5 =	sshll.u32 s28, $0x1;
	[dreg:$0x2] =	wrdreg s3  }
0xb8: {  	[dreg:$0x3] =	wrdreg s5  }
0xb9: {  	[dreg:$0x4] =	wrdreg $0xC0  }
0xba: {  	_ =	task [dreg:s22], $0x5FFFF  }
0xbb: {  	[dreg:$0x1] =	wrdreg $0xFFFFFFFF  }
0xbc: {  	[dreg:$0x0] =	wrdreg $0x60  }
0xbd: {  	[dreg:$0x2] =	wrdreg s24  }
0xbe: {  	[dreg:$0x3] =	wrdreg $0x41000  }
0xbf: {  	[dreg:$0x4] =	wrdreg $0xA  }
0xc0: {  	_ =	task.clear_ibuf [dreg:s22], $0x5FFFF;
	_ =	strace $0x90000055  }
0xc1: {  	s29 =	simm.s32 $0xA;
	_ =	strace $0x80000057  }
0xc2: {  	_ =	swait.ge [sflag:s29], $0x1  }
0xc3: {  	[sflag:s29] =	ssyncadd.s32 $0xFFFFFFFF  }
0xc4: {  	_ =	strace $0x90000057  }
0xc5: {  	_ =	sfence  }
0xc6: {  	s30 =	sld [smem:$0x0];
	_ =	sdelay $0x2  }
0xc7: {  	s31 =	sshll.u32 s1, $0xD;
	s1 =	sshrl.u32 s1, $0x2  }
0xc8: {  	s4 =	sand.u32 $0x4000, s31;
	s1 =	sadd.s32 s1, s30  }
0xc9: {  	s0 =	sor.u32 s4, s0;
	s1 =	sshll.u32 s1, $0x11  }
0xca: {  	s0 =	sor.u32 s1, s0  }
0xcb: {  	s0 =	sadd.s32 $0x8F2B, s0  }
0xcc: {  	[sflag:s0] =	ssyncadd.remote.s32 $0x1  }
0xcd: {  	_ =	sfence.sel $0xFFFF  }
0xce: {  	[dreg:$0x0] =	wrdreg $0xFFFFFFFF;
	(pc) =	sbr.abs _section_cstart, $3  }
0xcf: {  	[dreg:$0x1] =	wrdreg $0xFFFFFFFF  }
0xd0: {  	_ =	task.clear_ibuf [dreg:s22], $0x2FFFF;
	_ =	strace $0x9FFFFFFF  }
0xd1: {  	(tm) =	ssettm $0x7FFFFFFF  }
tec
execute0_lowered:
.L_overlay_start_1:
0x0: {  	(tag) =	ssettag $0x1  }
0x1: {  	s5 =	rddreg [dreg:$0x0];
	s0 =	srdreg.scid  }
0x2: {  	s2 =	rddreg [dreg:$0x1];
	s1 =	stileid.u32  }
0x3: {  	s3 =	simm.s32 $0x0;
	s13 =	simm.s32 $0x80;
	s8 =	smul.u32 $0x13800, s1  }
0x4: {  	s14 =	simm.s32 $0x100;
	s15 =	simm.s32 $0x1;
	s26 =	smul.u32 $0x4E000, s1  }
0x5: {  	s6 =	sand.u32 $0x1, s0;
	s0 =	rddreg [dreg:$0x2];
	s30 =	smul.u32 $0x280, s1  }
0x6: {  	s16 =	simm.s32 $0x0;
	[smem:$0x7FF] =	sst s3;
	s7 =	smul.u32 $0x2800, s6  }
0x7: {  	s4 =	sadd.s32 $0x17200, s5;
	s31 =	sshll.u32 s1, $0x6;
	s9 =	smul.u32 $0x138800, s6  }
0x8: {  	_ =	strace $0x80000056;
	s6 =	ssub.s32 $0x2, s6;
	s25 =	sshrl.u32 s8, $0x3  }
0x9: {  	s28 =	sshrl.u32 s6, $0x1;
	s29 =	sshrl.u32 s26, $0x2;
	s10 =	sadd.s32 s7, s5  }
0xa: {  	s8 =	sadd.s32 s8, s9;
	s7 =	sadd.s32 s25, s5;
	s11 =	ssub.s32 s6, s28  }
0xb: {  	s12 =	sadd.s32 s29, s2;
	s6 =	sor.u32 $0x1C02, s31;
	s8 =	sshrl.u32 s8, $0x3  }
0xc: {  	s10 =	sadd.s32 s30, s10;
	s8 =	sadd.s32 s8, s5;
	s5 =	sadd.s32 $0x8C800, s7  }
0xd: {  	s9 =	sadd.s32 $0x12200, s10;
	s10 =	sadd.s32 $0x8200, s10;
	s7 =	sadd.s32 $0x10BC00, s8  }
0xe: {  	s8 =	smax.u32 s11, $0x1;
	s11 =	sshrl.u32 s12, $0x3;
	s12 =	simm.s32 $0x2  }
.LBB2_1:
0xf: {  	[spmem:s11], [sflag:s6] =	dma.local [hbm:s5], $0x2800  }
0x10: {  	_ =	swait.ge [sflag:s12], $0x2800  }
0x11: {  	[sflag:s12] =	ssyncset.done $0x0  }
0x12: {  	[sflag:s12] =	ssyncadd.s32 $0xFFFFD800  }
0x13: {  	s17 =	sadd.s32 $0x0, s10;
	[bflag:$0x0] =	sbarrier.arrive $0xFFFF  }
0x14: {  	[tilespmem:s3], [sflag:$0x2] =	stream.linear.gather [hbm4b:s17+s3], $0x80, $0x38;
	[tilespmem:$0x179C0] =	vst v63  }
0x15: {  	_ =	swait.ge [sflag:s12], $0x80  }
0x16: {  	[sflag:s12] =	ssyncset.done $0x0  }
0x17: {  	s31 =	sadd.s32 $0x0, s9;
	[sflag:s12] =	ssyncadd.s32 $0xFFFFFF80  }
0x18: {  	[tilespmem:s13], [sflag:$0x2] =	stream.linear.gather [hbm4b:s31+s3], $0x80, $0x38;
	[tilespmem:$0x179C0] =	vst v63  }
0x19: {  	_ =	swait.ge [sflag:s12], $0x80  }
0x1a: {  	[sflag:s12] =	ssyncset.done $0x0  }
0x1b: {  	[sflag:s12] =	ssyncadd.s32 $0xFFFFFF80  }
0x1c: {  	[tilespmem:s14], [sflag:$0x1] =	stream.indirect.gather [hbm4b:s4+s13], $0x80, s3, s13, $0xb8;
	[tilespmem:$0x179C0] =	vst v63  }
0x1d: {  	_ =	swait.ge [sflag:s15], $0x4000  }
0x1e: {  	[sflag:s15] =	ssyncset.done $0x0  }
0x1f: {  	[sflag:s15] =	ssyncadd.s32 $0xFFFFC000  }
0x20: {  	[spmem:s2] =	stream.indirect.scatter.add.f32 [tilespmem:s14], [sflag:$0x2], $0x80, s13, s13, $0xb8;
	[tilespmem:$0x179C0] =	vst v63  }
0x21: {  	_ =	swait.ge [sflag:s12], $0x4000  }
0x22: {  	s18 =	simm.s32 $0x20;
	s17 =	simm.s32 $0x10;
	[sflag:s12] =	ssyncset.done $0x0  }
.LBB2_2:
0x23: {  	s19 =	sadd.s32 s17, s10  }
0x24: {  	[sflag:s12] =	ssyncadd.s32 $0xFFFFC000;
	s20 =	smov.u32 s18;
	s21 =	sadd.s32 $0x10, s18  }
0x25: {  	[tilespmem:s3], [sflag:$0x2] =	stream.linear.gather [hbm4b:s19+s3], $0x80, $0x38;
	[tilespmem:$0x179C0] =	vst v63  }
0x26: {  	p0 =	sne.s32 s18, $0x270;
	_ =	swait.ge [sflag:s12], $0x80  }
0x27: {  	[sflag:s12] =	ssyncset.done $0x0  }
0x28: {  	s18 =	sadd.s32 s17, s9;
	s17 =	smov.u32 s20;
	[sflag:s12] =	ssyncadd.s32 $0xFFFFFF80  }
0x29: {  	[tilespmem:s13], [sflag:$0x2] =	stream.linear.gather [hbm4b:s18+s3], $0x80, $0x38;
	[tilespmem:$0x179C0] =	vst v63  }
0x2a: {  	_ =	swait.ge [sflag:s12], $0x80  }
0x2b: {  	[sflag:s12] =	ssyncset.done $0x0  }
0x2c: {  	[sflag:s12] =	ssyncadd.s32 $0xFFFFFF80  }
0x2d: {  	[tilespmem:s14], [sflag:$0x1] =	stream.indirect.gather [hbm4b:s4+s13], $0x80, s3, s13, $0xb8;
	[tilespmem:$0x179C0] =	vst v63  }
0x2e: {  	_ =	swait.ge [sflag:s15], $0x4000  }
.Ltmp0:
0x2f: {  	[sflag:s15] =	ssyncset.done $0x0;
	(pc) =	sbr.rel @p0 .LBB2_2-.Ltmp0, $4  }
0x30: {  	[sflag:s15] =	ssyncadd.s32 $0xFFFFC000  }
0x31: {  	[spmem:s2] =	stream.indirect.scatter.add.f32 [tilespmem:s14], [sflag:$0x2], $0x80, s13, s13, $0xb8;
	[tilespmem:$0x179C0] =	vst v63  }
0x32: {  	_ =	swait.ge [sflag:s12], $0x4000  }
0x33: {  	s18 =	smov.u32 s21;
	[sflag:s12] =	ssyncset.done $0x0  }
0x34: {  	s18 =	sadd.s32 s17, s10;
	[sflag:s12] =	ssyncadd.s32 $0xFFFFC000  }
0x35: {  	[tilespmem:s3], [sflag:$0x2] =	stream.linear.gather [hbm4b:s18+s3], $0x80, $0x38;
	[tilespmem:$0x179C0] =	vst v63  }
0x36: {  	_ =	swait.ge [sflag:s12], $0x80  }
0x37: {  	[sflag:s12] =	ssyncset.done $0x0  }
0x38: {  	s31 =	sadd.s32 s17, s9;
	[sflag:s12] =	ssyncadd.s32 $0xFFFFFF80  }
0x39: {  	[tilespmem:s13], [sflag:$0x2] =	stream.linear.gather [hbm4b:s31+s3], $0x80, $0x38;
	[tilespmem:$0x179C0] =	vst v63  }
0x3a: {  	_ =	swait.ge [sflag:s12], $0x80  }
0x3b: {  	[sflag:s12] =	ssyncset.done $0x0  }
0x3c: {  	[sflag:s12] =	ssyncadd.s32 $0xFFFFFF80  }
0x3d: {  	[tilespmem:s14], [sflag:$0x1] =	stream.indirect.gather [hbm4b:s4+s13], $0x80, s3, s13, $0xb8;
	[tilespmem:$0x179C0] =	vst v63  }
0x3e: {  	_ =	swait.ge [sflag:s15], $0x4000  }
0x3f: {  	[sflag:s15] =	ssyncset.done $0x0  }
0x40: {  	[sflag:s15] =	ssyncadd.s32 $0xFFFFC000  }
0x41: {  	[spmem:s2] =	stream.indirect.scatter.add.f32 [tilespmem:s14], [sflag:$0x2], $0x80, s13, s13, $0xb8;
	[tilespmem:$0x179C0] =	vst v63  }
0x42: {  	_ =	swait.ge [sflag:s12], $0x4000  }
0x43: {  	s16 =	sadd.s32 $0x1, s16;
	[sflag:s12] =	ssyncset.done $0x0  }
0x44: {  	p0 =	sne.s32 s16, s8;
	[sflag:s12] =	ssyncadd.s32 $0xFFFFC000  }
.Ltmp1:
0x45: {  	[bflag:$0x0] =	sbarrier.arrive $0xFFFF;
	(pc) =	sbr.rel @p0 .LBB2_1-.Ltmp1, $4  }
0x46: {  	[hbm:s7], [sflag:s6] =	dma.local [spmem:s11], $0x2800  }
0x47: {  	_ =	swait.ge [sflag:s12], $0x2800  }
0x48: {  	[sflag:s12] =	ssyncset.done $0x0  }
0x49: {  	[sflag:s12] =	ssyncadd.s32 $0xFFFFD800  }
0x4a: {  	_ =	sfence.sel $0x180000  }
0x4b: {  	[bflag:$0x0] =	sbarrier.arrive $0xFFFF  }
0x4c: {  	p0 =	sne.s32 s1, $0x0;
	_ =	strace $0x90000056  }
0x4d: {  	s0 =	sadd.s32 @!p0 $0x100000, s0;
	[bflag:$0x2] =	sbarrier.arrive $0xFFFF  }
0x4e: {  	[sflag:s0] =	ssyncadd.tile.s32 @!p0 $0x1;
	_ =	shalt  }
.Lfunc_end2:
_tile_overlayer_lowered:
.L_overlay_start_2:
0x4f: {  	(tag) =	ssettag $0x2  }
0x50: {  	s0 =	rddreg [dreg:$0x0];
	s2 =	stileid.u32  }
0x51: {  	s1 =	rddreg [dreg:$0x1];
	p0 =	sne.s32 s2, $0x0  }
0x52: {  	s3 =	rddreg [dreg:$0x2];
	[bflag:$0x3] =	sbarrier.arrive $0xFFFF;
	s2 =	simm.s32 @!p0 $0x1C02  }
0x53: {  	[timem:s3], [sflag:s2] =	dma.local @!p0 [hbm:s0], s1  }
0x54: {  	s0 =	simm.s32 @!p0 $0x2  }
0x55: {  	_ =	swait.ge @!p0 [sflag:s0], s1  }
0x56: {  	s1 =	ssub.s32 @!p0 $0x0, s1;
	[sflag:s0] =	ssyncset.done @!p0 $0x0  }
0x57: {  	[sflag:s0] =	ssyncadd.s32 @!p0 s1  }
0x58: {  	[bflag:$0x3] =	sbarrier.arrive $0xFFFF  }
0x59: {  	_ =	shalt  }

// kernel: kernel.31.cloned.1.call-start
scs
__scs_entry_jumppad:
0x0: {  	(pc) =	sbr.rel $0x88, $3  }
0x1: {  	(tag) =	ssettag $0x0;
	lr =	simm.s32 $0x1  }
0x2: {  	[smem:$0x3F93] =	sst lr;
	_ =	strace $0xD0000000  }
0x3: {  	_ = 	snop  }
0x4: {  	_ = 	snop  }
0x5: {  	_ = 	snop  }
0x6: {  	_ = 	snop  }
0x7: {  	_ = 	snop  }
__scs_overlays_trampoline_lowered:
0x8: {  	[smem:$0x3FA2] =	sst s0  }
0x9: {  	[smem:$0x3FA3] =	sst s1  }
0xa: {  	[smem:$0x3FA4] =	sst s2  }
0xb: {  	[smem:$0x3FA5] =	sst s3  }
0xc: {  	[smem:$0x3FA6] =	sst s4  }
0xd: {  	[smem:$0x3FA7] =	sst s5  }
0xe: {  	[smem:$0x3FA8] =	sst s6  }
0xf: {  	[smem:$0x3FA9] =	sst s7  }
0x10: {  	[smem:$0x3FAA] =	sst s8  }
0x11: {  	[smem:$0x3FAB] =	sst s9;
	s0 =	simm.s32 @!p0 $0x0  }
0x12: {  	s1 =	sld [smem:$0x3F91];
	s0 =	simm.s32 @p0 $0x1  }
0x13: {  	[smem:$0x3FAC] =	sst s0;
	s0 =	simm.s32 @!p1 $0x0  }
0x14: {  	s2 =	sld [smem:$0x3F90];
	s0 =	simm.s32 @p1 $0x1  }
0x15: {  	[smem:$0x3FAD] =	sst s0;
	s0 =	simm.s32 @!p2 $0x0  }
0x16: {  	s3 =	sld [smem:$0x3FDB];
	s0 =	simm.s32 @p2 $0x1  }
0x17: {  	s4 =	simm.s32 $0x1BF5;
	[smem:$0x3FAF] =	sst s0  }
0x18: {  	s0 =	sld [smem:$0x3F92];
	_ =	swait.ge [sflag:s4], $0x0  }
0x19: {  	s7 =	sld [smem:$0x3F93]  }
0x1a: {  	s8 =	sadd.s32 $0xFFFFE003, lr  }
0x1b: {  	s9 =	sadd.s32 $0xFFFFFEF7, lr;
	s5 =	simm.s32 $0xFFFFFFFF;
	p2 =	slt.u32 s8, $0xFFFFF086  }
0x1c: {  	p1 =	slt.u32 s9, $0xF7A;
	s5 =	simm.s32 @!p2 $0x0  }
0x1d: {  	s5 =	simm.s32 @p1 $0x1;
	p0 =	seq.s32 s7, s2  }
0x1e: {  	s7 =	smul.u32 @!p0 $0xF7A, s2;
	p2 =	seq.s32 @!p0 s5, $0x0  }
0x1f: {  	s9 =	smul.u32 $0xF7A, s1;
	s8 =	simm.s32 @!p0 $0x1BF5;
	p2 =	por !p2, p0  }
0x20: {  	[sflag:s8] =	ssyncset.s32 @!p0 $0xFFFFF086;
	s6 =	sadd.s32 @!p0 s3, s7;
	s7 =	simm.s32 @!p0 $0x108  }
0x21: {  	s3 =	sadd.s32 s3, s9;
	s6 =	sadd.s32 @!p0 $0x88, s6;
	s7 =	simm.s32 @p2 $0x1082  }
0x22: {  	[simem:s7], [sflag:s8] =	dma.local @!p0 [hbm:s6], $0xF7A  }
0x23: {  	s9 =	sor.u32 $0xD0000000, s2;
	s6 =	simm.s32 $0x108;
	_ =	swait.ge @!p0 [sflag:s8], $0x0  }
0x24: {  	s3 =	sadd.s32 $0x88, s3;
	s6 =	simm.s32 @!p1 $0x1082;
	[sflag:s4] =	ssyncset.s32 $0xFFFFF086  }
0x25: {  	[simem:s6], [sflag:s4] =	dma.local [hbm:s3], $0xF7A  }
0x26: {  	[smem:$0x3F93] =	sst s1;
	(tag) =	ssettag s2;
	_ =	strace s9  }
0x27: {  	s1 =	sld [smem:$0x3FA3]  }
0x28: {  	s2 =	sld [smem:$0x3FA4]  }
0x29: {  	s4 =	sld [smem:$0x3FA6]  }
0x2a: {  	p0 =	seq.s32 s5, $0x0;
	s5 =	sld [smem:$0x3FA7]  }
0x2b: {  	s6 =	sld [smem:$0x3FA8]  }
0x2c: {  	s7 =	sld [smem:$0x3FA9]  }
0x2d: {  	s3 =	simm.s32 $0x108;
	s8 =	sld [smem:$0x3FAA]  }
0x2e: {  	s3 =	simm.s32 @!p0 $0x1082;
	s9 =	sld [smem:$0x3FAB]  }
0x2f: {  	lr =	sadd.s32 s0, s3;
	s0 =	sld [smem:$0x3FA2]  }
0x30: {  	s3 =	sld [smem:$0x3FA5]  }
0x31: {  	[smem:$0x3FAE] =	sst s10  }
0x32: {  	s10 =	sld [smem:$0x3FAC];
	_ =	sdelay $0x3  }
0x33: {  	p0 =	seq.s32 s10, $0x1;
	s10 =	sld [smem:$0x3FAE];
	_ =	sdelay $0x3  }
0x34: {  	[smem:$0x3FAE] =	sst s10  }
0x35: {  	s10 =	sld [smem:$0x3FAD];
	_ =	sdelay $0x3  }
0x36: {  	p1 =	seq.s32 s10, $0x1;
	s10 =	sld [smem:$0x3FAE];
	_ =	sdelay $0x3  }
0x37: {  	[smem:$0x3FAE] =	sst s10  }
0x38: {  	s10 =	sld [smem:$0x3FAF]  }
0x39: {  	_ = 	snop;
	(pc) =	sbr.ind lr, $3  }
0x3a: {  	_ = 	snop  }
0x3b: {  	_ = 	snop  }
0x3c: {  	p2 =	seq.s32 s10, $0x1;
	s10 =	sld [smem:$0x3FAE]  }
0x3d: {  	_ =	shalt  }
0x3e: {  	_ =	shalt  }
0x3f: {  	_ =	shalt  }
0x40: {  	_ =	shalt  }
0x41: {  	_ =	shalt  }
0x42: {  	_ =	shalt  }
0x43: {  	_ =	shalt  }
0x44: {  	_ =	shalt  }
0x45: {  	_ =	shalt  }
0x46: {  	_ =	shalt  }
0x47: {  	_ =	shalt  }
0x48: {  	_ =	shalt  }
0x49: {  	_ =	shalt  }
0x4a: {  	_ =	shalt  }
0x4b: {  	_ =	shalt  }
0x4c: {  	_ =	shalt  }
0x4d: {  	_ =	shalt  }
0x4e: {  	_ =	shalt  }
0x4f: {  	_ =	shalt  }
0x50: {  	_ =	shalt  }
0x51: {  	_ =	shalt  }
0x52: {  	_ =	shalt  }
0x53: {  	_ =	shalt  }
0x54: {  	_ =	shalt  }
0x55: {  	_ =	shalt  }
0x56: {  	_ =	shalt  }
0x57: {  	_ =	shalt  }
0x58: {  	_ =	shalt  }
0x59: {  	_ =	shalt  }
0x5a: {  	_ =	shalt  }
0x5b: {  	_ =	shalt  }
0x5c: {  	_ =	shalt  }
0x5d: {  	_ =	shalt  }
0x5e: {  	_ =	shalt  }
0x5f: {  	_ =	shalt  }
0x60: {  	_ =	shalt  }
0x61: {  	_ =	shalt  }
0x62: {  	_ =	shalt  }
0x63: {  	_ =	shalt  }
0x64: {  	_ =	shalt  }
0x65: {  	_ =	shalt  }
0x66: {  	_ =	shalt  }
0x67: {  	_ =	shalt  }
0x68: {  	_ =	shalt  }
0x69: {  	_ =	shalt  }
0x6a: {  	_ =	shalt  }
0x6b: {  	_ =	shalt  }
0x6c: {  	_ =	shalt  }
0x6d: {  	_ =	shalt  }
0x6e: {  	_ =	shalt  }
0x6f: {  	_ =	shalt  }
0x70: {  	_ =	shalt  }
0x71: {  	_ =	shalt  }
0x72: {  	_ =	shalt  }
0x73: {  	_ =	shalt  }
0x74: {  	_ =	shalt  }
0x75: {  	_ =	shalt  }
0x76: {  	_ =	shalt  }
0x77: {  	_ =	shalt  }
0x78: {  	_ =	shalt  }
0x79: {  	_ =	shalt  }
0x7a: {  	_ =	shalt  }
0x7b: {  	_ =	shalt  }
0x7c: {  	_ =	shalt  }
0x7d: {  	_ =	shalt  }
0x7e: {  	_ =	shalt  }
0x7f: {  	_ =	shalt  }
0x80: {  	_ =	shalt  }
0x81: {  	_ =	shalt  }
0x82: {  	_ =	shalt  }
0x83: {  	_ =	shalt  }
0x84: {  	_ =	shalt  }
0x85: {  	_ =	shalt  }
0x86: {  	_ =	shalt  }
0x87: {  	_ =	shalt  }
.Lfunc_end0:
.L_simem_size_0:
called_computation.6_lowered:
.L_overlay_start_0:
0x88: {  	s2 =	sld [smem:$0x3FD9]  }
0x89: {  	s3 =	sld [smem:$0x3FFE];
	_ =	sdelay $0x1  }
0x8a: {  	s1 =	srdreg.scid  }
0x8b: {  	s0 =	sand.u32 $0x1, s1  }
0x8c: {  	s16 =	sshll.u32 s0, $0xA;
	s2 =	sadd.s32 s3, s2  }
0x8d: {  	s2 =	sadd.s32 s2, s16  }
0x8e: {  	[smem:$0x3FBA] =	sst s2  }
0x8f: {  	_ = 	snop  }
0x90: {  	(tm) =	ssettm $0x1  }
0x91: {  	s17 =	sld [smem:$0x3FFB];
	_ =	sdelay $0x3  }
0x92: {  	_ =	strace s17  }
0x93: {  	s2 =	sld [smem:$0x3FFC];
	_ =	sdelay $0x3  }
0x94: {  	_ =	strace s2  }
0x95: {  	s2 =	sld [smem:$0x3FFD];
	_ =	sdelay $0x3  }
0x96: {  	_ =	strace s2  }
0x97: {  	_ =	strace $0x8FFFFFFF  }
0x98: {  	s18 =	sld [smem:$0x3FDB];
	_ =	sdelay $0x1  }
0x99: {  	s19 =	simm.s32 $_scs_section_size  }
0x9a: {  	s4 =	simm.s32 $_size__tile_overlayer_lowered;
	s5 =	simm.s32 $_tile_overlayer_lowered  }
0x9b: {  	s22 =	simm.s32 $0x1BFF;
	s21 =	sshll.u32 s5, $0x1;
	s2 =	sadd.s32 s19, s18  }
0x9c: {  	s6 =	simm.s32 $0x0;
	s20 =	sshll.u32 s4, $0x1;
	s4 =	sadd.s32 s21, s2  }
0x9d: {  	[timem:s6], [sflag:s22] =	dma.local [hbm:s4], s20  }
0x9e: {  	_ =	swait.ge [sflag:s22], s20  }
0x9f: {  	s3 =	ssub.s32 $0x0, s20;
	[sflag:s22] =	ssyncset.done $0x0  }
0xa0: {  	[sflag:s22] =	ssyncadd.s32 s3;
	_ =	sdelay $0x1  }
0xa1: {  	s23 =	simm.s32 $0x1B8B  }
0xa2: {  	_ =	swait.ge [sflag:s23], $0x1  }
0xa3: {  	[sflag:s23] =	ssyncset.done $0x0  }
0xa4: {  	s25 =	simm.s32 $0x1B8E;
	s24 =	sld [smem:$0x3FFE];
	[sflag:s23] =	ssyncadd.s32 $0xFFFFFFFF  }
0xa5: {  	s26 =	simm.s32 $execute0_lowered;
	[smem:$0x3FD2] =	sst s25  }
0xa6: {  	s4 =	sshll.u32 s26, $0x1;
	_ =	strace $0x80000052;
	[dreg:$0x1] =	wrdreg $0xFFFFFFFF  }
0xa7: {  	s28 =	simm.s32 $_size_execute0_lowered;
	s2 =	sadd.s32 s2, s4;
	[dreg:$0x0] =	wrdreg $0x0  }
0xa8: {  	s4 =	sshll.u32 s28, $0x1;
	[dreg:$0x2] =	wrdreg s2  }
0xa9: {  	[dreg:$0x3] =	wrdreg s4  }
0xaa: {  	[dreg:$0x4] =	wrdreg $0xC0  }
0xab: {  	_ =	task [dreg:s6], $0x5FFFF  }
0xac: {  	[dreg:$0x1] =	wrdreg $0xFFFFFFFF  }
0xad: {  	[dreg:$0x0] =	wrdreg $0x60  }
0xae: {  	[dreg:$0x2] =	wrdreg s24  }
0xaf: {  	[dreg:$0x3] =	wrdreg $0x41000  }
0xb0: {  	[dreg:$0x4] =	wrdreg $0xB  }
0xb1: {  	_ =	task.clear_ibuf [dreg:s6], $0x5FFFF;
	_ =	strace $0x90000052  }
0xb2: {  	s29 =	simm.s32 $0xB;
	_ =	strace $0x80000054  }
0xb3: {  	_ =	swait.ge [sflag:s29], $0x1  }
0xb4: {  	[sflag:s29] =	ssyncadd.s32 $0xFFFFFFFF  }
0xb5: {  	_ =	strace $0x90000054  }
0xb6: {  	_ =	sfence  }
0xb7: {  	s30 =	sld [smem:$0x0];
	_ =	sdelay $0x2  }
0xb8: {  	s31 =	sshll.u32 s1, $0xD;
	s1 =	sshrl.u32 s1, $0x2  }
0xb9: {  	s3 =	sand.u32 $0x4000, s31;
	s1 =	sadd.s32 s1, s30  }
0xba: {  	s0 =	sor.u32 s3, s0;
	s1 =	sshll.u32 s1, $0x11  }
0xbb: {  	s0 =	sor.u32 s1, s0  }
0xbc: {  	s0 =	sadd.s32 $0x8F2B, s0  }
0xbd: {  	[sflag:s0] =	ssyncadd.remote.s32 $0x1  }
0xbe: {  	_ =	sfence.sel $0xFFFF  }
0xbf: {  	[dreg:$0x0] =	wrdreg $0xFFFFFFFF;
	(pc) =	sbr.abs _section_cstart, $3  }
0xc0: {  	[dreg:$0x1] =	wrdreg $0xFFFFFFFF  }
0xc1: {  	_ =	task.clear_ibuf [dreg:s6], $0x2FFFF;
	_ =	strace $0x9FFFFFFF  }
0xc2: {  	(tm) =	ssettm $0x7FFFFFFF  }
0xc3: {  	_ =	shalt  }
tec
execute0_lowered:
.L_overlay_start_1:
0x0: {  	(tag) =	ssettag $0x1  }
0x1: {  	s5 =	rddreg [dreg:$0x0];
	s0 =	srdreg.scid  }
0x2: {  	s2 =	rddreg [dreg:$0x1];
	s1 =	stileid.u32  }
0x3: {  	s3 =	simm.s32 $0x0;
	s13 =	simm.s32 $0x80;
	s8 =	smul.u32 $0x13800, s1  }
0x4: {  	s14 =	simm.s32 $0x100;
	s15 =	simm.s32 $0x1;
	s26 =	smul.u32 $0x4E000, s1  }
0x5: {  	s6 =	sand.u32 $0x1, s0;
	s0 =	rddreg [dreg:$0x2];
	s30 =	smul.u32 $0x280, s1  }
0x6: {  	s16 =	simm.s32 $0x0;
	[smem:$0x7FF] =	sst s3;
	s7 =	smul.u32 $0x2800, s6  }
0x7: {  	s4 =	sadd.s32 $0xB3A00, s5;
	s31 =	sshll.u32 s1, $0x6;
	s9 =	smul.u32 $0x138800, s6  }
0x8: {  	_ =	strace $0x80000053;
	s6 =	ssub.s32 $0x2, s6;
	s25 =	sshrl.u32 s8, $0x3  }
0x9: {  	s28 =	sshrl.u32 s6, $0x1;
	s29 =	sshrl.u32 s26, $0x2;
	s10 =	sadd.s32 s7, s5  }
0xa: {  	s8 =	sadd.s32 s8, s9;
	s7 =	sadd.s32 s25, s5;
	s11 =	ssub.s32 s6, s28  }
0xb: {  	s12 =	sadd.s32 s29, s2;
	s8 =	sshrl.u32 s8, $0x3;
	s10 =	sadd.s32 s30, s10  }
0xc: {  	s6 =	sor.u32 $0x1C02, s31;
	s8 =	sadd.s32 s8, s5;
	s9 =	sadd.s32 $0x106C00, s10  }
0xd: {  	s5 =	sadd.s32 $0x8C800, s7;
	s10 =	sadd.s32 $0x101C00, s10;
	s7 =	sadd.s32 $0x3E400, s8  }
0xe: {  	s8 =	smax.u32 s11, $0x1;
	s11 =	sshrl.u32 s12, $0x3;
	s12 =	simm.s32 $0x2  }
.LBB2_1:
0xf: {  	[spmem:s11], [sflag:s6] =	dma.local [hbm:s5], $0x2800  }
0x10: {  	_ =	swait.ge [sflag:s12], $0x2800  }
0x11: {  	[sflag:s12] =	ssyncset.done $0x0  }
0x12: {  	[sflag:s12] =	ssyncadd.s32 $0xFFFFD800  }
0x13: {  	s17 =	sadd.s32 $0x0, s10;
	[bflag:$0x0] =	sbarrier.arrive $0xFFFF  }
0x14: {  	[tilespmem:s3], [sflag:$0x2] =	stream.linear.gather [hbm4b:s17+s3], $0x80, $0x38;
	[tilespmem:$0x179C0] =	vst v63  }
0x15: {  	_ =	swait.ge [sflag:s12], $0x80  }
0x16: {  	[sflag:s12] =	ssyncset.done $0x0  }
0x17: {  	s31 =	sadd.s32 $0x0, s9;
	[sflag:s12] =	ssyncadd.s32 $0xFFFFFF80  }
0x18: {  	[tilespmem:s13], [sflag:$0x2] =	stream.linear.gather [hbm4b:s31+s3], $0x80, $0x38;
	[tilespmem:$0x179C0] =	vst v63  }
0x19: {  	_ =	swait.ge [sflag:s12], $0x80  }
0x1a: {  	[sflag:s12] =	ssyncset.done $0x0  }
0x1b: {  	[sflag:s12] =	ssyncadd.s32 $0xFFFFFF80  }
0x1c: {  	[tilespmem:s14], [sflag:$0x1] =	stream.indirect.gather [hbm4b:s4+s13], $0x80, s3, s13, $0xb8;
	[tilespmem:$0x179C0] =	vst v63  }
0x1d: {  	_ =	swait.ge [sflag:s15], $0x4000  }
0x1e: {  	[sflag:s15] =	ssyncset.done $0x0  }
0x1f: {  	[sflag:s15] =	ssyncadd.s32 $0xFFFFC000  }
0x20: {  	[spmem:s2] =	stream.indirect.scatter.add.f32 [tilespmem:s14], [sflag:$0x2], $0x80, s13, s13, $0xb8;
	[tilespmem:$0x179C0] =	vst v63  }
0x21: {  	_ =	swait.ge [sflag:s12], $0x4000  }
0x22: {  	s18 =	simm.s32 $0x20;
	s17 =	simm.s32 $0x10;
	[sflag:s12] =	ssyncset.done $0x0  }
.LBB2_2:
0x23: {  	s19 =	sadd.s32 s17, s10  }
0x24: {  	[sflag:s12] =	ssyncadd.s32 $0xFFFFC000;
	s20 =	smov.u32 s18;
	s21 =	sadd.s32 $0x10, s18  }
0x25: {  	[tilespmem:s3], [sflag:$0x2] =	stream.linear.gather [hbm4b:s19+s3], $0x80, $0x38;
	[tilespmem:$0x179C0] =	vst v63  }
0x26: {  	p0 =	sne.s32 s18, $0x270;
	_ =	swait.ge [sflag:s12], $0x80  }
0x27: {  	[sflag:s12] =	ssyncset.done $0x0  }
0x28: {  	s18 =	sadd.s32 s17, s9;
	s17 =	smov.u32 s20;
	[sflag:s12] =	ssyncadd.s32 $0xFFFFFF80  }
0x29: {  	[tilespmem:s13], [sflag:$0x2] =	stream.linear.gather [hbm4b:s18+s3], $0x80, $0x38;
	[tilespmem:$0x179C0] =	vst v63  }
0x2a: {  	_ =	swait.ge [sflag:s12], $0x80  }
0x2b: {  	[sflag:s12] =	ssyncset.done $0x0  }
0x2c: {  	[sflag:s12] =	ssyncadd.s32 $0xFFFFFF80  }
0x2d: {  	[tilespmem:s14], [sflag:$0x1] =	stream.indirect.gather [hbm4b:s4+s13], $0x80, s3, s13, $0xb8;
	[tilespmem:$0x179C0] =	vst v63  }
0x2e: {  	_ =	swait.ge [sflag:s15], $0x4000  }
.Ltmp0:
0x2f: {  	[sflag:s15] =	ssyncset.done $0x0;
	(pc) =	sbr.rel @p0 .LBB2_2-.Ltmp0, $4  }
0x30: {  	[sflag:s15] =	ssyncadd.s32 $0xFFFFC000  }
0x31: {  	[spmem:s2] =	stream.indirect.scatter.add.f32 [tilespmem:s14], [sflag:$0x2], $0x80, s13, s13, $0xb8;
	[tilespmem:$0x179C0] =	vst v63  }
0x32: {  	_ =	swait.ge [sflag:s12], $0x4000  }
0x33: {  	s18 =	smov.u32 s21;
	[sflag:s12] =	ssyncset.done $0x0  }
0x34: {  	s18 =	sadd.s32 s17, s10;
	[sflag:s12] =	ssyncadd.s32 $0xFFFFC000  }
0x35: {  	[tilespmem:s3], [sflag:$0x2] =	stream.linear.gather [hbm4b:s18+s3], $0x80, $0x38;
	[tilespmem:$0x179C0] =	vst v63  }
0x36: {  	_ =	swait.ge [sflag:s12], $0x80  }
0x37: {  	[sflag:s12] =	ssyncset.done $0x0  }
0x38: {  	s31 =	sadd.s32 s17, s9;
	[sflag:s12] =	ssyncadd.s32 $0xFFFFFF80  }
0x39: {  	[tilespmem:s13], [sflag:$0x2] =	stream.linear.gather [hbm4b:s31+s3], $0x80, $0x38;
	[tilespmem:$0x179C0] =	vst v63  }
0x3a: {  	_ =	swait.ge [sflag:s12], $0x80  }
0x3b: {  	[sflag:s12] =	ssyncset.done $0x0  }
0x3c: {  	[sflag:s12] =	ssyncadd.s32 $0xFFFFFF80  }
0x3d: {  	[tilespmem:s14], [sflag:$0x1] =	stream.indirect.gather [hbm4b:s4+s13], $0x80, s3, s13, $0xb8;
	[tilespmem:$0x179C0] =	vst v63  }
0x3e: {  	_ =	swait.ge [sflag:s15], $0x4000  }
0x3f: {  	[sflag:s15] =	ssyncset.done $0x0  }
0x40: {  	[sflag:s15] =	ssyncadd.s32 $0xFFFFC000  }
0x41: {  	[spmem:s2] =	stream.indirect.scatter.add.f32 [tilespmem:s14], [sflag:$0x2], $0x80, s13, s13, $0xb8;
	[tilespmem:$0x179C0] =	vst v63  }
0x42: {  	_ =	swait.ge [sflag:s12], $0x4000  }
0x43: {  	s16 =	sadd.s32 $0x1, s16;
	[sflag:s12] =	ssyncset.done $0x0  }
0x44: {  	p0 =	sne.s32 s16, s8;
	[sflag:s12] =	ssyncadd.s32 $0xFFFFC000  }
.Ltmp1:
0x45: {  	[bflag:$0x0] =	sbarrier.arrive $0xFFFF;
	(pc) =	sbr.rel @p0 .LBB2_1-.Ltmp1, $4  }
0x46: {  	[hbm:s7], [sflag:s6] =	dma.local [spmem:s11], $0x2800  }
0x47: {  	_ =	swait.ge [sflag:s12], $0x2800  }
0x48: {  	[sflag:s12] =	ssyncset.done $0x0  }
0x49: {  	[sflag:s12] =	ssyncadd.s32 $0xFFFFD800  }
0x4a: {  	_ =	sfence.sel $0x180000  }
0x4b: {  	[bflag:$0x0] =	sbarrier.arrive $0xFFFF  }
0x4c: {  	p0 =	sne.s32 s1, $0x0;
	_ =	strace $0x90000053  }
0x4d: {  	s0 =	sadd.s32 @!p0 $0x100000, s0;
	[bflag:$0x2] =	sbarrier.arrive $0xFFFF  }
0x4e: {  	[sflag:s0] =	ssyncadd.tile.s32 @!p0 $0x1;
	_ =	shalt  }
.Lfunc_end2:
_tile_overlayer_lowered:
.L_overlay_start_2:
0x4f: {  	(tag) =	ssettag $0x2  }
0x50: {  	s0 =	rddreg [dreg:$0x0];
	s2 =	stileid.u32  }
0x51: {  	s1 =	rddreg [dreg:$0x1];
	p0 =	sne.s32 s2, $0x0  }
0x52: {  	s3 =	rddreg [dreg:$0x2];
	[bflag:$0x3] =	sbarrier.arrive $0xFFFF;
	s2 =	simm.s32 @!p0 $0x1C02  }
0x53: {  	[timem:s3], [sflag:s2] =	dma.local @!p0 [hbm:s0], s1  }
0x54: {  	s0 =	simm.s32 @!p0 $0x2  }
0x55: {  	_ =	swait.ge @!p0 [sflag:s0], s1  }
0x56: {  	s1 =	ssub.s32 @!p0 $0x0, s1;
	[sflag:s0] =	ssyncset.done @!p0 $0x0  }
0x57: {  	[sflag:s0] =	ssyncadd.s32 @!p0 s1  }
0x58: {  	[bflag:$0x3] =	sbarrier.arrive $0xFFFF  }
0x59: {  	_ =	shalt  }

</sc_bundles>
